<compile_context>
chip_gen: v7x
topology: tpu7x:2x2x1
jax: 0.10.2.dev20260603
libtpu: 0.0.44.dev20260713+nightly
codegen_flags: <defaults>
</compile_context>

<pallas_src>
import jax
import jax.numpy as jnp
from jax import lax
from jax.experimental import pallas as pl
from jax.experimental.pallas import tpu as pltpu
from jax.experimental.pallas import tpu_sc as plsc

B, S, D = 4, 2048, 1024
NC, NS = 2, 16
NW = NC * NS
SEG = S // NW
SUB = 8
QN = SEG // SUB
GR = B * SUB
GPR = D // 16
NBUF = 3


def _body(x_ref, tok_ref, pos_ref, out_ref, idx_v, pb0, pb1, pb2,
          cb0, cb1, cb2, ps0, ps1, ps2, gs0, gs1, gs2, ws0, ws1, ws2):
    c = lax.axis_index("c")
    s = lax.axis_index("s")
    wid = s * NC + c
    pbufs = (pb0, pb1, pb2)
    combos = (cb0, cb1, cb2)
    psems = (ps0, ps1, ps2)
    gsems = (gs0, gs1, gs2)
    wsems = (ws0, ws1, ws2)

    pltpu.sync_copy(x_ref.at[wid], idx_v)

    def start_fetch(j):
        p = j % NBUF
        g = pltpu.async_copy(tok_ref.at[idx_v.at[j]], combos[p], gsems[p])
        d = pltpu.async_copy(pos_ref.at[pl.ds(wid * SEG + j * SUB, SUB)],
                             pbufs[p], psems[p])
        return (g, d)

    fd = [start_fetch(0), start_fetch(1), None]
    wb = [None, None, None]
    for j in range(QN):
        p = j % NBUF
        if j + 2 < QN:
            p2 = (j + 2) % NBUF
            if wb[p2] is not None:
                for d in wb[p2]:
                    d.wait()
                wb[p2] = None
            fd[p2] = start_fetch(j + 2)
        fd[p][0].wait()
        fd[p][1].wait()

        cur = combos[p]
        pb = pbufs[p]

        @plsc.parallel_loop(0, SUB * GPR, unroll=4)
        def _add(i):
            r = i // GPR
            k = (i % GPR) * 16
            v = pb[r, pl.ds(k, 16)]
            for b in range(B):
                plsc.addupdate(cur.at[b * SUB + r, pl.ds(k, 16)], v)

        base = wid * SEG + j * SUB
        wb[p] = [
            pltpu.async_copy(cur.at[pl.ds(b * SUB, SUB)],
                             out_ref.at[pl.ds(b * S + base, SUB)], wsems[p])
            for b in range(B)
        ]
    for ds_ in wb:
        if ds_ is not None:
            for d in ds_:
                d.wait()


@jax.jit
def _emb(xr, token_table, pos_table):
    kern = pl.kernel(
        _body,
        out_type=jax.ShapeDtypeStruct((B * S, D), jnp.float32),
        mesh=plsc.VectorSubcoreMesh(core_axis_name="c", subcore_axis_name="s"),
        scratch_types=[
            pltpu.VMEM((QN, GR), jnp.int32),
            pltpu.VMEM((SUB, D), jnp.float32),
            pltpu.VMEM((SUB, D), jnp.float32),
            pltpu.VMEM((SUB, D), jnp.float32),
            pltpu.VMEM((GR, D), jnp.float32),
            pltpu.VMEM((GR, D), jnp.float32),
            pltpu.VMEM((GR, D), jnp.float32),
        ] + [pltpu.SemaphoreType.DMA] * 9,
    )
    return kern(xr, token_table, pos_table)


def kernel(x, token_table, pos_table):
    xr = (x.astype(jnp.int32)
          .reshape(B, NW, QN, SUB)
          .transpose(1, 2, 0, 3)
          .reshape(NW, QN, GR))
    out = _emb(xr, token_table, pos_table)
    return out.reshape(B, S, D)

# --- scband reference (transcript-rebuilt; emitter-appended) ---
"""Pipeline reference for scband-embedding-9053791060631 (READ-ONLY COPY).

The authoritative reference and input builder live on the scoring server;
editing this copy changes nothing except your own understanding.
"""

import jax, jax.numpy as jnp
import numpy as np

VOCAB = 100000
D_MODEL = 1024
CONTEXT_LEN = 2048
B, S = 4, 2048


def setup_inputs(seed: int = 0) -> dict:
    key = jax.random.key(seed)
    k1, k2, k3 = jax.random.split(key, 3)
    x = jax.random.randint(k1, (B, S), 0, VOCAB, dtype=jnp.int64 if jax.config.jax_enable_x64 else jnp.int32)
    token_table = jax.random.normal(k2, (VOCAB, D_MODEL), dtype=jnp.float32) * 0.02
    pos_table = jax.random.normal(k3, (CONTEXT_LEN, D_MODEL), dtype=jnp.float32) * 0.02
    return {"x": x, "token_table": token_table, "pos_table": pos_table}


def reference(x, token_table, pos_table):
    # token embedding lookup (gather)
    token_emb = jnp.take(token_table, x, axis=0)  # [B, S, D]
    # positional embedding lookup for positions 0..S-1
    pos_ids = jnp.arange(x.shape[1])
    pos_emb = jnp.take(pos_table, pos_ids, axis=0)[None, :, :]  # [1, S, D]
    out = token_emb + pos_emb
    # dropout with p=0.0 is identity (applied twice in original module)
    return out

if __name__ == "__main__":
    import jax
    _d = setup_inputs()
    print(jax.jit(kernel)(*tuple(_d.values())))

</pallas_src>

<mosaic_0001>
#map = affine_map<(d0, d1) -> (0, 0, 0)>
#map1 = affine_map<(d0, d1) -> (0, 0)>
module attributes {stable_mosaic.version = 14 : i64} {
  func.func @_body(%arg0: i32, %arg1: i32, %arg2: memref<32x8x32xi32, #tpu.memory_space<hbm>>, %arg3: memref<100000x1024xf32, #tpu.memory_space<hbm>>, %arg4: memref<2048x1024xf32, #tpu.memory_space<hbm>>, %arg5: memref<8192x1024xf32, #tpu.memory_space<hbm>>, %arg6: memref<8x32xi32, #tpu.memory_space<vmem>>, %arg7: memref<8x1024xf32, #tpu.memory_space<vmem>>, %arg8: memref<8x1024xf32, #tpu.memory_space<vmem>>, %arg9: memref<8x1024xf32, #tpu.memory_space<vmem>>, %arg10: memref<32x1024xf32, #tpu.memory_space<vmem>>, %arg11: memref<32x1024xf32, #tpu.memory_space<vmem>>, %arg12: memref<32x1024xf32, #tpu.memory_space<vmem>>, %arg13: memref<!tpu.dma_semaphore, #tpu.memory_space<semaphore_mem>>, %arg14: memref<!tpu.dma_semaphore, #tpu.memory_space<semaphore_mem>>, %arg15: memref<!tpu.dma_semaphore, #tpu.memory_space<semaphore_mem>>, %arg16: memref<!tpu.dma_semaphore, #tpu.memory_space<semaphore_mem>>, %arg17: memref<!tpu.dma_semaphore, #tpu.memory_space<semaphore_mem>>, %arg18: memref<!tpu.dma_semaphore, #tpu.memory_space<semaphore_mem>>, %arg19: memref<!tpu.dma_semaphore, #tpu.memory_space<semaphore_mem>>, %arg20: memref<!tpu.dma_semaphore, #tpu.memory_space<semaphore_mem>>, %arg21: memref<!tpu.dma_semaphore, #tpu.memory_space<semaphore_mem>>) attributes {dimension_semantics = [#tpu.dimension_semantics<core_parallel>, #tpu.dimension_semantics<subcore_parallel>], iteration_bounds = array<i64: 2, 16>, scalar_prefetch = 0 : i64, scratch_operands = 16 : i64, tpu.core_type = #tpu.core_type<sc_vector_subcore>, window_params = [{transform_indices = #map}, {transform_indices = #map1}, {transform_indices = #map1}, {transform_indices = #map1}]} {
    %mul3A = arith.constant 2 : i32
    %mul3A_0 = arith.muli %arg1, %mul3A : i32
    %add3A = arith.addi %mul3A_0, %arg0 : i32
    "tpu.region"() ({
      %run_scoped3A = tpu.sem_alloc : memref<!tpu.dma_semaphore, #tpu.memory_space<semaphore_mem>>
      %dma_start3A_966 = arith.constant 0 : i32
      %dma_start3A_967 = arith.constant 0 : i32
      %dma_start3A_968 = tpu.memref_slice %arg2[%add3A, %dma_start3A_966, %dma_start3A_967] : memref<32x8x32xi32, #tpu.memory_space<hbm>> -> memref<1x8x32xi32, #tpu.memory_space<hbm>>
      %dma_start3A_969 = tpu.memref_squeeze %dma_start3A_968 : memref<1x8x32xi32, #tpu.memory_space<hbm>> -> memref<8x32xi32, #tpu.memory_space<hbm>>
      %dma_start3A_970 = arith.constant 0 : i32
      %dma_start3A_971 = arith.constant 0 : i32
      %dma_start3A_972 = tpu.memref_slice %arg2[%add3A, %dma_start3A_970, %dma_start3A_971] : memref<32x8x32xi32, #tpu.memory_space<hbm>> -> memref<1x8x32xi32, #tpu.memory_space<hbm>>
      %dma_start3A_973 = tpu.memref_squeeze %dma_start3A_972 : memref<1x8x32xi32, #tpu.memory_space<hbm>> -> memref<8x32xi32, #tpu.memory_space<hbm>>
      tpu.enqueue_dma source(%dma_start3A_973 : memref<8x32xi32, #tpu.memory_space<hbm>>) target(%arg6 : memref<8x32xi32, #tpu.memory_space<vmem>>) target_semaphore(%run_scoped3A : memref<!tpu.dma_semaphore, #tpu.memory_space<semaphore_mem>>)
      %dma_wait3A_974 = arith.constant 0 : i32
      %dma_wait3A_975 = arith.constant 0 : i32
      %dma_wait3A_976 = tpu.memref_slice %arg2[%add3A, %dma_wait3A_974, %dma_wait3A_975] : memref<32x8x32xi32, #tpu.memory_space<hbm>> -> memref<1x8x32xi32, #tpu.memory_space<hbm>>
      %dma_wait3A_977 = tpu.memref_squeeze %dma_wait3A_976 : memref<1x8x32xi32, #tpu.memory_space<hbm>> -> memref<8x32xi32, #tpu.memory_space<hbm>>
      %dma_wait3A_978 = arith.constant 0 : i32
      %dma_wait3A_979 = arith.constant 0 : i32
      %dma_wait3A_980 = tpu.memref_slice %arg2[%add3A, %dma_wait3A_978, %dma_wait3A_979] : memref<32x8x32xi32, #tpu.memory_space<hbm>> -> memref<1x8x32xi32, #tpu.memory_space<hbm>>
      %dma_wait3A_981 = tpu.memref_squeeze %dma_wait3A_980 : memref<1x8x32xi32, #tpu.memory_space<hbm>> -> memref<8x32xi32, #tpu.memory_space<hbm>>
      tpu.wait_dma2 semaphore(%run_scoped3A : memref<!tpu.dma_semaphore, #tpu.memory_space<semaphore_mem>>) src(%dma_wait3A_981 : memref<8x32xi32, #tpu.memory_space<hbm>>) dst(%arg6 : memref<8x32xi32, #tpu.memory_space<vmem>>)
      tpu.yield
    }) : () -> ()
    %dma_start3A = arith.constant 0 : i32
    %dma_start3A_1 = arith.constant 0 : i32
    %dma_start3A_2 = tpu.memref_slice %arg6[%dma_start3A, %dma_start3A_1] : memref<8x32xi32, #tpu.memory_space<vmem>> -> memref<1x32xi32, #tpu.memory_space<vmem>>
    %dma_start3A_3 = tpu.memref_squeeze %dma_start3A_2 : memref<1x32xi32, #tpu.memory_space<vmem>> -> memref<32xi32, #tpu.memory_space<vmem>>
    %dma_start3A_4 = arith.constant 0 : i32
    %dma_start3A_5 = arith.constant 0 : i32
    %dma_start3A_6 = tpu.memref_slice %arg3[%dma_start3A_4, %dma_start3A_5] : memref<100000x1024xf32, #tpu.memory_space<hbm>> -> memref<100000x1024xf32, #tpu.memory_space<hbm>>
    tpu.enqueue_indirect_dma source(%dma_start3A_6 : memref<100000x1024xf32, #tpu.memory_space<hbm>>) target(%arg10 : memref<32x1024xf32, #tpu.memory_space<vmem>>) offsets(%dma_start3A_3 : memref<32xi32, #tpu.memory_space<vmem>>) semaphore(%arg16 : memref<!tpu.dma_semaphore, #tpu.memory_space<semaphore_mem>>)
    %mul3A_7 = arith.constant 64 : i32
    %mul3A_8 = arith.muli %add3A, %mul3A_7 : i32
    %add3A_9 = arith.constant 0 : i32
    %add3A_10 = arith.addi %mul3A_8, %add3A_9 : i32
    %dma_start3A_11 = arith.constant 0 : i32
    %dma_start3A_12 = tpu.memref_slice %arg4[%add3A_10, %dma_start3A_11] : memref<2048x1024xf32, #tpu.memory_space<hbm>> -> memref<8x1024xf32, #tpu.memory_space<hbm>>
    %dma_start3A_13 = arith.constant 0 : i32
    %dma_start3A_14 = tpu.memref_slice %arg4[%add3A_10, %dma_start3A_13] : memref<2048x1024xf32, #tpu.memory_space<hbm>> -> memref<8x1024xf32, #tpu.memory_space<hbm>>
    tpu.enqueue_dma source(%dma_start3A_14 : memref<8x1024xf32, #tpu.memory_space<hbm>>) target(%arg7 : memref<8x1024xf32, #tpu.memory_space<vmem>>) target_semaphore(%arg13 : memref<!tpu.dma_semaphore, #tpu.memory_space<semaphore_mem>>)
    %dma_start3A_15 = arith.constant 1 : i32
    %dma_start3A_16 = arith.constant 0 : i32
    %dma_start3A_17 = tpu.memref_slice %arg6[%dma_start3A_15, %dma_start3A_16] : memref<8x32xi32, #tpu.memory_space<vmem>> -> memref<1x32xi32, #tpu.memory_space<vmem>>
    %dma_start3A_18 = tpu.memref_squeeze %dma_start3A_17 : memref<1x32xi32, #tpu.memory_space<vmem>> -> memref<32xi32, #tpu.memory_space<vmem>>
    %dma_start3A_19 = arith.constant 0 : i32
    %dma_start3A_20 = arith.constant 0 : i32
    %dma_start3A_21 = tpu.memref_slice %arg3[%dma_start3A_19, %dma_start3A_20] : memref<100000x1024xf32, #tpu.memory_space<hbm>> -> memref<100000x1024xf32, #tpu.memory_space<hbm>>
    tpu.enqueue_indirect_dma source(%dma_start3A_21 : memref<100000x1024xf32, #tpu.memory_space<hbm>>) target(%arg11 : memref<32x1024xf32, #tpu.memory_space<vmem>>) offsets(%dma_start3A_18 : memref<32xi32, #tpu.memory_space<vmem>>) semaphore(%arg17 : memref<!tpu.dma_semaphore, #tpu.memory_space<semaphore_mem>>)
    %mul3A_22 = arith.constant 64 : i32
    %mul3A_23 = arith.muli %add3A, %mul3A_22 : i32
    %add3A_24 = arith.constant 8 : i32
    %add3A_25 = arith.addi %mul3A_23, %add3A_24 : i32
    %dma_start3A_26 = arith.constant 0 : i32
    %dma_start3A_27 = tpu.memref_slice %arg4[%add3A_25, %dma_start3A_26] : memref<2048x1024xf32, #tpu.memory_space<hbm>> -> memref<8x1024xf32, #tpu.memory_space<hbm>>
    %dma_start3A_28 = arith.constant 0 : i32
    %dma_start3A_29 = tpu.memref_slice %arg4[%add3A_25, %dma_start3A_28] : memref<2048x1024xf32, #tpu.memory_space<hbm>> -> memref<8x1024xf32, #tpu.memory_space<hbm>>
    tpu.enqueue_dma source(%dma_start3A_29 : memref<8x1024xf32, #tpu.memory_space<hbm>>) target(%arg8 : memref<8x1024xf32, #tpu.memory_space<vmem>>) target_semaphore(%arg14 : memref<!tpu.dma_semaphore, #tpu.memory_space<semaphore_mem>>)
    %dma_start3A_30 = arith.constant 2 : i32
    %dma_start3A_31 = arith.constant 0 : i32
    %dma_start3A_32 = tpu.memref_slice %arg6[%dma_start3A_30, %dma_start3A_31] : memref<8x32xi32, #tpu.memory_space<vmem>> -> memref<1x32xi32, #tpu.memory_space<vmem>>
    %dma_start3A_33 = tpu.memref_squeeze %dma_start3A_32 : memref<1x32xi32, #tpu.memory_space<vmem>> -> memref<32xi32, #tpu.memory_space<vmem>>
    %dma_start3A_34 = arith.constant 0 : i32
    %dma_start3A_35 = arith.constant 0 : i32
    %dma_start3A_36 = tpu.memref_slice %arg3[%dma_start3A_34, %dma_start3A_35] : memref<100000x1024xf32, #tpu.memory_space<hbm>> -> memref<100000x1024xf32, #tpu.memory_space<hbm>>
    tpu.enqueue_indirect_dma source(%dma_start3A_36 : memref<100000x1024xf32, #tpu.memory_space<hbm>>) target(%arg12 : memref<32x1024xf32, #tpu.memory_space<vmem>>) offsets(%dma_start3A_33 : memref<32xi32, #tpu.memory_space<vmem>>) semaphore(%arg18 : memref<!tpu.dma_semaphore, #tpu.memory_space<semaphore_mem>>)
    %mul3A_37 = arith.constant 64 : i32
    %mul3A_38 = arith.muli %add3A, %mul3A_37 : i32
    %add3A_39 = arith.constant 16 : i32
    %add3A_40 = arith.addi %mul3A_38, %add3A_39 : i32
    %dma_start3A_41 = arith.constant 0 : i32
    %dma_start3A_42 = tpu.memref_slice %arg4[%add3A_40, %dma_start3A_41] : memref<2048x1024xf32, #tpu.memory_space<hbm>> -> memref<8x1024xf32, #tpu.memory_space<hbm>>
    %dma_start3A_43 = arith.constant 0 : i32
    %dma_start3A_44 = tpu.memref_slice %arg4[%add3A_40, %dma_start3A_43] : memref<2048x1024xf32, #tpu.memory_space<hbm>> -> memref<8x1024xf32, #tpu.memory_space<hbm>>
    tpu.enqueue_dma source(%dma_start3A_44 : memref<8x1024xf32, #tpu.memory_space<hbm>>) target(%arg9 : memref<8x1024xf32, #tpu.memory_space<vmem>>) target_semaphore(%arg15 : memref<!tpu.dma_semaphore, #tpu.memory_space<semaphore_mem>>)
    %dma_wait3A = arith.constant 0 : i32
    %dma_wait3A_45 = arith.constant 0 : i32
    %dma_wait3A_46 = tpu.memref_slice %arg6[%dma_wait3A, %dma_wait3A_45] : memref<8x32xi32, #tpu.memory_space<vmem>> -> memref<1x32xi32, #tpu.memory_space<vmem>>
    %dma_wait3A_47 = tpu.memref_squeeze %dma_wait3A_46 : memref<1x32xi32, #tpu.memory_space<vmem>> -> memref<32xi32, #tpu.memory_space<vmem>>
    %dma_wait3A_48 = arith.constant 0 : i32
    %dma_wait3A_49 = arith.constant 0 : i32
    %dma_wait3A_50 = tpu.memref_slice %arg3[%dma_wait3A_48, %dma_wait3A_49] : memref<100000x1024xf32, #tpu.memory_space<hbm>> -> memref<100000x1024xf32, #tpu.memory_space<hbm>>
    tpu.wait_indirect_dma semaphore(%arg16 : memref<!tpu.dma_semaphore, #tpu.memory_space<semaphore_mem>>) src(%dma_wait3A_50 : memref<100000x1024xf32, #tpu.memory_space<hbm>>) dst(%arg10 : memref<32x1024xf32, #tpu.memory_space<vmem>>)
    %dma_wait3A_51 = arith.constant 0 : i32
    %dma_wait3A_52 = tpu.memref_slice %arg4[%add3A_10, %dma_wait3A_51] : memref<2048x1024xf32, #tpu.memory_space<hbm>> -> memref<8x1024xf32, #tpu.memory_space<hbm>>
    %dma_wait3A_53 = arith.constant 0 : i32
    %dma_wait3A_54 = tpu.memref_slice %arg4[%add3A_10, %dma_wait3A_53] : memref<2048x1024xf32, #tpu.memory_space<hbm>> -> memref<8x1024xf32, #tpu.memory_space<hbm>>
    tpu.wait_dma2 semaphore(%arg13 : memref<!tpu.dma_semaphore, #tpu.memory_space<semaphore_mem>>) src(%dma_wait3A_54 : memref<8x1024xf32, #tpu.memory_space<hbm>>) dst(%arg7 : memref<8x1024xf32, #tpu.memory_space<vmem>>)
    %parallel_loop3A = arith.constant 0 : i32
    %parallel_loop3A_55 = arith.constant 512 : i32
    %parallel_loop3A_56 = arith.constant 1 : i32
    scf.for %parallel_loop3A_966 = %parallel_loop3A to %parallel_loop3A_55 step %parallel_loop3A_56  : i32 {
      %parallel_loop3A_967 = arith.constant 64 : i32
      %parallel_loop3A_968 = arith.divsi %parallel_loop3A_966, %parallel_loop3A_967 : i32
      %parallel_loop3A_969 = arith.constant 0 : i32
      %parallel_loop3A_970 = arith.cmpi sgt, %parallel_loop3A_966, %parallel_loop3A_969 : i32
      %parallel_loop3A_971 = arith.extui %parallel_loop3A_970 : i1 to i32
      %parallel_loop3A_972 = arith.constant 0 : i32
      %parallel_loop3A_973 = arith.cmpi slt, %parallel_loop3A_966, %parallel_loop3A_972 : i32
      %parallel_loop3A_974 = arith.extui %parallel_loop3A_973 : i1 to i32
      %parallel_loop3A_975 = arith.subi %parallel_loop3A_971, %parallel_loop3A_974 : i32
      %parallel_loop3A_976 = arith.constant 0 : i32
      %parallel_loop3A_977 = arith.cmpi sgt, %parallel_loop3A_967, %parallel_loop3A_976 : i32
      %parallel_loop3A_978 = arith.extui %parallel_loop3A_977 : i1 to i32
      %parallel_loop3A_979 = arith.constant 0 : i32
      %parallel_loop3A_980 = arith.cmpi slt, %parallel_loop3A_967, %parallel_loop3A_979 : i32
      %parallel_loop3A_981 = arith.extui %parallel_loop3A_980 : i1 to i32
      %parallel_loop3A_982 = arith.subi %parallel_loop3A_978, %parallel_loop3A_981 : i32
      %parallel_loop3A_983 = arith.cmpi ne, %parallel_loop3A_975, %parallel_loop3A_982 : i32
      %parallel_loop3A_984 = arith.remsi %parallel_loop3A_966, %parallel_loop3A_967 : i32
      %parallel_loop3A_985 = arith.constant 0 : i32
      %parallel_loop3A_986 = arith.cmpi ne, %parallel_loop3A_984, %parallel_loop3A_985 : i32
      %parallel_loop3A_987 = arith.andi %parallel_loop3A_983, %parallel_loop3A_986 : i1
      %parallel_loop3A_988 = arith.constant 1 : i32
      %parallel_loop3A_989 = arith.subi %parallel_loop3A_968, %parallel_loop3A_988 : i32
      %parallel_loop3A_990 = arith.select %parallel_loop3A_987, %parallel_loop3A_989, %parallel_loop3A_968 : i32
      %parallel_loop3A_991 = arith.constant 64 : i32
      %parallel_loop3A_992 = arith.constant 0 : i32
      %parallel_loop3A_993 = arith.cmpi eq, %parallel_loop3A_991, %parallel_loop3A_992 : i32
      %parallel_loop3A_994 = arith.constant 1 : i32
      %parallel_loop3A_995 = arith.select %parallel_loop3A_993, %parallel_loop3A_994, %parallel_loop3A_991 : i32
      %parallel_loop3A_996 = arith.remsi %parallel_loop3A_966, %parallel_loop3A_995 : i32
      %parallel_loop3A_997 = arith.constant 0 : i32
      %parallel_loop3A_998 = arith.cmpi ne, %parallel_loop3A_996, %parallel_loop3A_997 : i32
      %parallel_loop3A_999 = arith.constant 0 : i32
      %parallel_loop3A_1000 = arith.cmpi slt, %parallel_loop3A_996, %parallel_loop3A_999 : i32
      %parallel_loop3A_1001 = arith.constant 0 : i32
      %parallel_loop3A_1002 = arith.cmpi slt, %parallel_loop3A_995, %parallel_loop3A_1001 : i32
      %parallel_loop3A_1003 = arith.xori %parallel_loop3A_1000, %parallel_loop3A_1002 : i1
      %parallel_loop3A_1004 = arith.andi %parallel_loop3A_1003, %parallel_loop3A_998 : i1
      %parallel_loop3A_1005 = arith.addi %parallel_loop3A_996, %parallel_loop3A_995 : i32
      %parallel_loop3A_1006 = arith.select %parallel_loop3A_1004, %parallel_loop3A_1005, %parallel_loop3A_996 : i32
      %parallel_loop3A_1007 = arith.constant 16 : i32
      %parallel_loop3A_1008 = arith.muli %parallel_loop3A_1006, %parallel_loop3A_1007 : i32
      %parallel_loop3A_1009 = arith.index_cast %parallel_loop3A_990 : i32 to index
      %parallel_loop3A_1010 = arith.index_cast %parallel_loop3A_1008 : i32 to index
      %parallel_loop3A_1011 = tpu.vector_load %arg7[%parallel_loop3A_1009, %parallel_loop3A_1010] {strides = array<i32>} : memref<8x1024xf32, #tpu.memory_space<vmem>>, vector<1x16xf32>,
      %parallel_loop3A_1012 = vector.shape_cast %parallel_loop3A_1011 : vector<1x16xf32> to vector<16xf32>
      %parallel_loop3A_1013 = arith.constant 0 : i32
      %parallel_loop3A_1014 = arith.addi %parallel_loop3A_1013, %parallel_loop3A_990 : i32
      %parallel_loop3A_1015 = arith.index_cast %parallel_loop3A_1014 : i32 to index
      %parallel_loop3A_1016 = arith.index_cast %parallel_loop3A_1008 : i32 to index
      %parallel_loop3A_1017 = tpu.vector_load %arg10[%parallel_loop3A_1015, %parallel_loop3A_1016] {strides = array<i32>} : memref<32x1024xf32, #tpu.memory_space<vmem>>, vector<1x16xf32>,
      %parallel_loop3A_1018 = vector.shape_cast %parallel_loop3A_1017 : vector<1x16xf32> to vector<16xf32>
      %parallel_loop3A_1019 = vector.shape_cast %parallel_loop3A_1012 : vector<16xf32> to vector<1x16xf32>
      tpu.vector_store %arg10[%parallel_loop3A_1015, %parallel_loop3A_1016], %parallel_loop3A_1019 {add = true, strides = array<i32>} : memref<32x1024xf32, #tpu.memory_space<vmem>>, vector<1x16xf32>,
      %parallel_loop3A_1020 = arith.constant 8 : i32
      %parallel_loop3A_1021 = arith.addi %parallel_loop3A_1020, %parallel_loop3A_990 : i32
      %parallel_loop3A_1022 = arith.index_cast %parallel_loop3A_1021 : i32 to index
      %parallel_loop3A_1023 = arith.index_cast %parallel_loop3A_1008 : i32 to index
      %parallel_loop3A_1024 = tpu.vector_load %arg10[%parallel_loop3A_1022, %parallel_loop3A_1023] {strides = array<i32>} : memref<32x1024xf32, #tpu.memory_space<vmem>>, vector<1x16xf32>,
      %parallel_loop3A_1025 = vector.shape_cast %parallel_loop3A_1024 : vector<1x16xf32> to vector<16xf32>
      %parallel_loop3A_1026 = vector.shape_cast %parallel_loop3A_1012 : vector<16xf32> to vector<1x16xf32>
      tpu.vector_store %arg10[%parallel_loop3A_1022, %parallel_loop3A_1023], %parallel_loop3A_1026 {add = true, strides = array<i32>} : memref<32x1024xf32, #tpu.memory_space<vmem>>, vector<1x16xf32>,
      %parallel_loop3A_1027 = arith.constant 16 : i32
      %parallel_loop3A_1028 = arith.addi %parallel_loop3A_1027, %parallel_loop3A_990 : i32
      %parallel_loop3A_1029 = arith.index_cast %parallel_loop3A_1028 : i32 to index
      %parallel_loop3A_1030 = arith.index_cast %parallel_loop3A_1008 : i32 to index
      %parallel_loop3A_1031 = tpu.vector_load %arg10[%parallel_loop3A_1029, %parallel_loop3A_1030] {strides = array<i32>} : memref<32x1024xf32, #tpu.memory_space<vmem>>, vector<1x16xf32>,
      %parallel_loop3A_1032 = vector.shape_cast %parallel_loop3A_1031 : vector<1x16xf32> to vector<16xf32>
      %parallel_loop3A_1033 = vector.shape_cast %parallel_loop3A_1012 : vector<16xf32> to vector<1x16xf32>
      tpu.vector_store %arg10[%parallel_loop3A_1029, %parallel_loop3A_1030], %parallel_loop3A_1033 {add = true, strides = array<i32>} : memref<32x1024xf32, #tpu.memory_space<vmem>>, vector<1x16xf32>,
      %parallel_loop3A_1034 = arith.constant 24 : i32
      %parallel_loop3A_1035 = arith.addi %parallel_loop3A_1034, %parallel_loop3A_990 : i32
      %parallel_loop3A_1036 = arith.index_cast %parallel_loop3A_1035 : i32 to index
      %parallel_loop3A_1037 = arith.index_cast %parallel_loop3A_1008 : i32 to index
      %parallel_loop3A_1038 = tpu.vector_load %arg10[%parallel_loop3A_1036, %parallel_loop3A_1037] {strides = array<i32>} : memref<32x1024xf32, #tpu.memory_space<vmem>>, vector<1x16xf32>,
      %parallel_loop3A_1039 = vector.shape_cast %parallel_loop3A_1038 : vector<1x16xf32> to vector<16xf32>
      %parallel_loop3A_1040 = vector.shape_cast %parallel_loop3A_1012 : vector<16xf32> to vector<1x16xf32>
      tpu.vector_store %arg10[%parallel_loop3A_1036, %parallel_loop3A_1037], %parallel_loop3A_1040 {add = true, strides = array<i32>} : memref<32x1024xf32, #tpu.memory_space<vmem>>, vector<1x16xf32>,
    } {sc.loop_unroll_factor = 4 : i64, sc.parallel_access}
    %mul3A_57 = arith.constant 64 : i32
    %mul3A_58 = arith.muli %add3A, %mul3A_57 : i32
    %add3A_59 = arith.constant 0 : i32
    %add3A_60 = arith.addi %mul3A_58, %add3A_59 : i32
    %add3A_61 = arith.constant 0 : i32
    %add3A_62 = arith.addi %add3A_61, %add3A_60 : i32
    %dma_start3A_63 = arith.constant 0 : i32
    %dma_start3A_64 = arith.constant 0 : i32
    %dma_start3A_65 = tpu.memref_slice %arg10[%dma_start3A_63, %dma_start3A_64] : memref<32x1024xf32, #tpu.memory_space<vmem>> -> memref<8x1024xf32, #tpu.memory_space<vmem>>
    %dma_start3A_66 = arith.constant 0 : i32
    %dma_start3A_67 = tpu.memref_slice %arg5[%add3A_62, %dma_start3A_66] : memref<8192x1024xf32, #tpu.memory_space<hbm>> -> memref<8x1024xf32, #tpu.memory_space<hbm>>
    %dma_start3A_68 = arith.constant 0 : i32
    %dma_start3A_69 = tpu.memref_slice %arg5[%add3A_62, %dma_start3A_68] : memref<8192x1024xf32, #tpu.memory_space<hbm>> -> memref<8x1024xf32, #tpu.memory_space<hbm>>
    %dma_start3A_70 = arith.constant 0 : i32
    %dma_start3A_71 = arith.constant 0 : i32
    %dma_start3A_72 = tpu.memref_slice %arg10[%dma_start3A_70, %dma_start3A_71] : memref<32x1024xf32, #tpu.memory_space<vmem>> -> memref<8x1024xf32, #tpu.memory_space<vmem>>
    tpu.enqueue_dma source(%dma_start3A_72 : memref<8x1024xf32, #tpu.memory_space<vmem>>) target(%dma_start3A_69 : memref<8x1024xf32, #tpu.memory_space<hbm>>) target_semaphore(%arg19 : memref<!tpu.dma_semaphore, #tpu.memory_space<semaphore_mem>>)
    %add3A_73 = arith.constant 2048 : i32
    %add3A_74 = arith.addi %add3A_73, %add3A_60 : i32
    %dma_start3A_75 = arith.constant 8 : i32
    %dma_start3A_76 = arith.constant 0 : i32
    %dma_start3A_77 = tpu.memref_slice %arg10[%dma_start3A_75, %dma_start3A_76] : memref<32x1024xf32, #tpu.memory_space<vmem>> -> memref<8x1024xf32, #tpu.memory_space<vmem>>
    %dma_start3A_78 = arith.constant 0 : i32
    %dma_start3A_79 = tpu.memref_slice %arg5[%add3A_74, %dma_start3A_78] : memref<8192x1024xf32, #tpu.memory_space<hbm>> -> memref<8x1024xf32, #tpu.memory_space<hbm>>
    %dma_start3A_80 = arith.constant 0 : i32
    %dma_start3A_81 = tpu.memref_slice %arg5[%add3A_74, %dma_start3A_80] : memref<8192x1024xf32, #tpu.memory_space<hbm>> -> memref<8x1024xf32, #tpu.memory_space<hbm>>
    %dma_start3A_82 = arith.constant 8 : i32
    %dma_start3A_83 = arith.constant 0 : i32
    %dma_start3A_84 = tpu.memref_slice %arg10[%dma_start3A_82, %dma_start3A_83] : memref<32x1024xf32, #tpu.memory_space<vmem>> -> memref<8x1024xf32, #tpu.memory_space<vmem>>
    tpu.enqueue_dma source(%dma_start3A_84 : memref<8x1024xf32, #tpu.memory_space<vmem>>) target(%dma_start3A_81 : memref<8x1024xf32, #tpu.memory_space<hbm>>) target_semaphore(%arg19 : memref<!tpu.dma_semaphore, #tpu.memory_space<semaphore_mem>>)
    %add3A_85 = arith.constant 4096 : i32
    %add3A_86 = arith.addi %add3A_85, %add3A_60 : i32
    %dma_start3A_87 = arith.constant 16 : i32
    %dma_start3A_88 = arith.constant 0 : i32
    %dma_start3A_89 = tpu.memref_slice %arg10[%dma_start3A_87, %dma_start3A_88] : memref<32x1024xf32, #tpu.memory_space<vmem>> -> memref<8x1024xf32, #tpu.memory_space<vmem>>
    %dma_start3A_90 = arith.constant 0 : i32
    %dma_start3A_91 = tpu.memref_slice %arg5[%add3A_86, %dma_start3A_90] : memref<8192x1024xf32, #tpu.memory_space<hbm>> -> memref<8x1024xf32, #tpu.memory_space<hbm>>
    %dma_start3A_92 = arith.constant 0 : i32
    %dma_start3A_93 = tpu.memref_slice %arg5[%add3A_86, %dma_start3A_92] : memref<8192x1024xf32, #tpu.memory_space<hbm>> -> memref<8x1024xf32, #tpu.memory_space<hbm>>
    %dma_start3A_94 = arith.constant 16 : i32
    %dma_start3A_95 = arith.constant 0 : i32
    %dma_start3A_96 = tpu.memref_slice %arg10[%dma_start3A_94, %dma_start3A_95] : memref<32x1024xf32, #tpu.memory_space<vmem>> -> memref<8x1024xf32, #tpu.memory_space<vmem>>
    tpu.enqueue_dma source(%dma_start3A_96 : memref<8x1024xf32, #tpu.memory_space<vmem>>) target(%dma_start3A_93 : memref<8x1024xf32, #tpu.memory_space<hbm>>) target_semaphore(%arg19 : memref<!tpu.dma_semaphore, #tpu.memory_space<semaphore_mem>>)
    %add3A_97 = arith.constant 6144 : i32
    %add3A_98 = arith.addi %add3A_97, %add3A_60 : i32
    %dma_start3A_99 = arith.constant 24 : i32
    %dma_start3A_100 = arith.constant 0 : i32
    %dma_start3A_101 = tpu.memref_slice %arg10[%dma_start3A_99, %dma_start3A_100] : memref<32x1024xf32, #tpu.memory_space<vmem>> -> memref<8x1024xf32, #tpu.memory_space<vmem>>
    %dma_start3A_102 = arith.constant 0 : i32
    %dma_start3A_103 = tpu.memref_slice %arg5[%add3A_98, %dma_start3A_102] : memref<8192x1024xf32, #tpu.memory_space<hbm>> -> memref<8x1024xf32, #tpu.memory_space<hbm>>
    %dma_start3A_104 = arith.constant 0 : i32
    %dma_start3A_105 = tpu.memref_slice %arg5[%add3A_98, %dma_start3A_104] : memref<8192x1024xf32, #tpu.memory_space<hbm>> -> memref<8x1024xf32, #tpu.memory_space<hbm>>
    %dma_start3A_106 = arith.constant 24 : i32
    %dma_start3A_107 = arith.constant 0 : i32
    %dma_start3A_108 = tpu.memref_slice %arg10[%dma_start3A_106, %dma_start3A_107] : memref<32x1024xf32, #tpu.memory_space<vmem>> -> memref<8x1024xf32, #tpu.memory_space<vmem>>
    tpu.enqueue_dma source(%dma_start3A_108 : memref<8x1024xf32, #tpu.memory_space<vmem>>) target(%dma_start3A_105 : memref<8x1024xf32, #tpu.memory_space<hbm>>) target_semaphore(%arg19 : memref<!tpu.dma_semaphore, #tpu.memory_space<semaphore_mem>>)
    %dma_wait3A_109 = arith.constant 0 : i32
    %dma_wait3A_110 = arith.constant 0 : i32
    %dma_wait3A_111 = tpu.memref_slice %arg10[%dma_wait3A_109, %dma_wait3A_110] : memref<32x1024xf32, #tpu.memory_space<vmem>> -> memref<8x1024xf32, #tpu.memory_space<vmem>>
    %dma_wait3A_112 = arith.constant 0 : i32
    %dma_wait3A_113 = tpu.memref_slice %arg5[%add3A_62, %dma_wait3A_112] : memref<8192x1024xf32, #tpu.memory_space<hbm>> -> memref<8x1024xf32, #tpu.memory_space<hbm>>
    %dma_wait3A_114 = arith.constant 0 : i32
    %dma_wait3A_115 = tpu.memref_slice %arg5[%add3A_62, %dma_wait3A_114] : memref<8192x1024xf32, #tpu.memory_space<hbm>> -> memref<8x1024xf32, #tpu.memory_space<hbm>>
    %dma_wait3A_116 = arith.constant 0 : i32
    %dma_wait3A_117 = arith.constant 0 : i32
    %dma_wait3A_118 = tpu.memref_slice %arg10[%dma_wait3A_116, %dma_wait3A_117] : memref<32x1024xf32, #tpu.memory_space<vmem>> -> memref<8x1024xf32, #tpu.memory_space<vmem>>
    tpu.wait_dma2 semaphore(%arg19 : memref<!tpu.dma_semaphore, #tpu.memory_space<semaphore_mem>>) src(%dma_wait3A_118 : memref<8x1024xf32, #tpu.memory_space<vmem>>) dst(%dma_wait3A_115 : memref<8x1024xf32, #tpu.memory_space<hbm>>)
    %dma_wait3A_119 = arith.constant 8 : i32
    %dma_wait3A_120 = arith.constant 0 : i32
    %dma_wait3A_121 = tpu.memref_slice %arg10[%dma_wait3A_119, %dma_wait3A_120] : memref<32x1024xf32, #tpu.memory_space<vmem>> -> memref<8x1024xf32, #tpu.memory_space<vmem>>
    %dma_wait3A_122 = arith.constant 0 : i32
    %dma_wait3A_123 = tpu.memref_slice %arg5[%add3A_74, %dma_wait3A_122] : memref<8192x1024xf32, #tpu.memory_space<hbm>> -> memref<8x1024xf32, #tpu.memory_space<hbm>>
    %dma_wait3A_124 = arith.constant 0 : i32
    %dma_wait3A_125 = tpu.memref_slice %arg5[%add3A_74, %dma_wait3A_124] : memref<8192x1024xf32, #tpu.memory_space<hbm>> -> memref<8x1024xf32, #tpu.memory_space<hbm>>
    %dma_wait3A_126 = arith.constant 8 : i32
    %dma_wait3A_127 = arith.constant 0 : i32
    %dma_wait3A_128 = tpu.memref_slice %arg10[%dma_wait3A_126, %dma_wait3A_127] : memref<32x1024xf32, #tpu.memory_space<vmem>> -> memref<8x1024xf32, #tpu.memory_space<vmem>>
    tpu.wait_dma2 semaphore(%arg19 : memref<!tpu.dma_semaphore, #tpu.memory_space<semaphore_mem>>) src(%dma_wait3A_128 : memref<8x1024xf32, #tpu.memory_space<vmem>>) dst(%dma_wait3A_125 : memref<8x1024xf32, #tpu.memory_space<hbm>>)
    %dma_wait3A_129 = arith.constant 16 : i32
    %dma_wait3A_130 = arith.constant 0 : i32
    %dma_wait3A_131 = tpu.memref_slice %arg10[%dma_wait3A_129, %dma_wait3A_130] : memref<32x1024xf32, #tpu.memory_space<vmem>> -> memref<8x1024xf32, #tpu.memory_space<vmem>>
    %dma_wait3A_132 = arith.constant 0 : i32
    %dma_wait3A_133 = tpu.memref_slice %arg5[%add3A_86, %dma_wait3A_132] : memref<8192x1024xf32, #tpu.memory_space<hbm>> -> memref<8x1024xf32, #tpu.memory_space<hbm>>
    %dma_wait3A_134 = arith.constant 0 : i32
    %dma_wait3A_135 = tpu.memref_slice %arg5[%add3A_86, %dma_wait3A_134] : memref<8192x1024xf32, #tpu.memory_space<hbm>> -> memref<8x1024xf32, #tpu.memory_space<hbm>>
    %dma_wait3A_136 = arith.constant 16 : i32
    %dma_wait3A_137 = arith.constant 0 : i32
    %dma_wait3A_138 = tpu.memref_slice %arg10[%dma_wait3A_136, %dma_wait3A_137] : memref<32x1024xf32, #tpu.memory_space<vmem>> -> memref<8x1024xf32, #tpu.memory_space<vmem>>
    tpu.wait_dma2 semaphore(%arg19 : memref<!tpu.dma_semaphore, #tpu.memory_space<semaphore_mem>>) src(%dma_wait3A_138 : memref<8x1024xf32, #tpu.memory_space<vmem>>) dst(%dma_wait3A_135 : memref<8x1024xf32, #tpu.memory_space<hbm>>)
    %dma_wait3A_139 = arith.constant 24 : i32
    %dma_wait3A_140 = arith.constant 0 : i32
    %dma_wait3A_141 = tpu.memref_slice %arg10[%dma_wait3A_139, %dma_wait3A_140] : memref<32x1024xf32, #tpu.memory_space<vmem>> -> memref<8x1024xf32, #tpu.memory_space<vmem>>
    %dma_wait3A_142 = arith.constant 0 : i32
    %dma_wait3A_143 = tpu.memref_slice %arg5[%add3A_98, %dma_wait3A_142] : memref<8192x1024xf32, #tpu.memory_space<hbm>> -> memref<8x1024xf32, #tpu.memory_space<hbm>>
    %dma_wait3A_144 = arith.constant 0 : i32
    %dma_wait3A_145 = tpu.memref_slice %arg5[%add3A_98, %dma_wait3A_144] : memref<8192x1024xf32, #tpu.memory_space<hbm>> -> memref<8x1024xf32, #tpu.memory_space<hbm>>
    %dma_wait3A_146 = arith.constant 24 : i32
    %dma_wait3A_147 = arith.constant 0 : i32
    %dma_wait3A_148 = tpu.memref_slice %arg10[%dma_wait3A_146, %dma_wait3A_147] : memref<32x1024xf32, #tpu.memory_space<vmem>> -> memref<8x1024xf32, #tpu.memory_space<vmem>>
    tpu.wait_dma2 semaphore(%arg19 : memref<!tpu.dma_semaphore, #tpu.memory_space<semaphore_mem>>) src(%dma_wait3A_148 : memref<8x1024xf32, #tpu.memory_space<vmem>>) dst(%dma_wait3A_145 : memref<8x1024xf32, #tpu.memory_space<hbm>>)
    %dma_start3A_149 = arith.constant 3 : i32
    %dma_start3A_150 = arith.constant 0 : i32
    %dma_start3A_151 = tpu.memref_slice %arg6[%dma_start3A_149, %dma_start3A_150] : memref<8x32xi32, #tpu.memory_space<vmem>> -> memref<1x32xi32, #tpu.memory_space<vmem>>
    %dma_start3A_152 = tpu.memref_squeeze %dma_start3A_151 : memref<1x32xi32, #tpu.memory_space<vmem>> -> memref<32xi32, #tpu.memory_space<vmem>>
    %dma_start3A_153 = arith.constant 0 : i32
    %dma_start3A_154 = arith.constant 0 : i32
    %dma_start3A_155 = tpu.memref_slice %arg3[%dma_start3A_153, %dma_start3A_154] : memref<100000x1024xf32, #tpu.memory_space<hbm>> -> memref<100000x1024xf32, #tpu.memory_space<hbm>>
    tpu.enqueue_indirect_dma source(%dma_start3A_155 : memref<100000x1024xf32, #tpu.memory_space<hbm>>) target(%arg10 : memref<32x1024xf32, #tpu.memory_space<vmem>>) offsets(%dma_start3A_152 : memref<32xi32, #tpu.memory_space<vmem>>) semaphore(%arg16 : memref<!tpu.dma_semaphore, #tpu.memory_space<semaphore_mem>>)
    %mul3A_156 = arith.constant 64 : i32
    %mul3A_157 = arith.muli %add3A, %mul3A_156 : i32
    %add3A_158 = arith.constant 24 : i32
    %add3A_159 = arith.addi %mul3A_157, %add3A_158 : i32
    %dma_start3A_160 = arith.constant 0 : i32
    %dma_start3A_161 = tpu.memref_slice %arg4[%add3A_159, %dma_start3A_160] : memref<2048x1024xf32, #tpu.memory_space<hbm>> -> memref<8x1024xf32, #tpu.memory_space<hbm>>
    %dma_start3A_162 = arith.constant 0 : i32
    %dma_start3A_163 = tpu.memref_slice %arg4[%add3A_159, %dma_start3A_162] : memref<2048x1024xf32, #tpu.memory_space<hbm>> -> memref<8x1024xf32, #tpu.memory_space<hbm>>
    tpu.enqueue_dma source(%dma_start3A_163 : memref<8x1024xf32, #tpu.memory_space<hbm>>) target(%arg7 : memref<8x1024xf32, #tpu.memory_space<vmem>>) target_semaphore(%arg13 : memref<!tpu.dma_semaphore, #tpu.memory_space<semaphore_mem>>)
    %dma_wait3A_164 = arith.constant 1 : i32
    %dma_wait3A_165 = arith.constant 0 : i32
    %dma_wait3A_166 = tpu.memref_slice %arg6[%dma_wait3A_164, %dma_wait3A_165] : memref<8x32xi32, #tpu.memory_space<vmem>> -> memref<1x32xi32, #tpu.memory_space<vmem>>
    %dma_wait3A_167 = tpu.memref_squeeze %dma_wait3A_166 : memref<1x32xi32, #tpu.memory_space<vmem>> -> memref<32xi32, #tpu.memory_space<vmem>>
    %dma_wait3A_168 = arith.constant 0 : i32
    %dma_wait3A_169 = arith.constant 0 : i32
    %dma_wait3A_170 = tpu.memref_slice %arg3[%dma_wait3A_168, %dma_wait3A_169] : memref<100000x1024xf32, #tpu.memory_space<hbm>> -> memref<100000x1024xf32, #tpu.memory_space<hbm>>
    tpu.wait_indirect_dma semaphore(%arg17 : memref<!tpu.dma_semaphore, #tpu.memory_space<semaphore_mem>>) src(%dma_wait3A_170 : memref<100000x1024xf32, #tpu.memory_space<hbm>>) dst(%arg11 : memref<32x1024xf32, #tpu.memory_space<vmem>>)
    %dma_wait3A_171 = arith.constant 0 : i32
    %dma_wait3A_172 = tpu.memref_slice %arg4[%add3A_25, %dma_wait3A_171] : memref<2048x1024xf32, #tpu.memory_space<hbm>> -> memref<8x1024xf32, #tpu.memory_space<hbm>>
    %dma_wait3A_173 = arith.constant 0 : i32
    %dma_wait3A_174 = tpu.memref_slice %arg4[%add3A_25, %dma_wait3A_173] : memref<2048x1024xf32, #tpu.memory_space<hbm>> -> memref<8x1024xf32, #tpu.memory_space<hbm>>
    tpu.wait_dma2 semaphore(%arg14 : memref<!tpu.dma_semaphore, #tpu.memory_space<semaphore_mem>>) src(%dma_wait3A_174 : memref<8x1024xf32, #tpu.memory_space<hbm>>) dst(%arg8 : memref<8x1024xf32, #tpu.memory_space<vmem>>)
    %parallel_loop3A_175 = arith.constant 0 : i32
    %parallel_loop3A_176 = arith.constant 512 : i32
    %parallel_loop3A_177 = arith.constant 1 : i32
    scf.for %parallel_loop3A_966 = %parallel_loop3A_175 to %parallel_loop3A_176 step %parallel_loop3A_177  : i32 {
      %parallel_loop3A_967 = arith.constant 64 : i32
      %parallel_loop3A_968 = arith.divsi %parallel_loop3A_966, %parallel_loop3A_967 : i32
      %parallel_loop3A_969 = arith.constant 0 : i32
      %parallel_loop3A_970 = arith.cmpi sgt, %parallel_loop3A_966, %parallel_loop3A_969 : i32
      %parallel_loop3A_971 = arith.extui %parallel_loop3A_970 : i1 to i32
      %parallel_loop3A_972 = arith.constant 0 : i32
      %parallel_loop3A_973 = arith.cmpi slt, %parallel_loop3A_966, %parallel_loop3A_972 : i32
      %parallel_loop3A_974 = arith.extui %parallel_loop3A_973 : i1 to i32
      %parallel_loop3A_975 = arith.subi %parallel_loop3A_971, %parallel_loop3A_974 : i32
      %parallel_loop3A_976 = arith.constant 0 : i32
      %parallel_loop3A_977 = arith.cmpi sgt, %parallel_loop3A_967, %parallel_loop3A_976 : i32
      %parallel_loop3A_978 = arith.extui %parallel_loop3A_977 : i1 to i32
      %parallel_loop3A_979 = arith.constant 0 : i32
      %parallel_loop3A_980 = arith.cmpi slt, %parallel_loop3A_967, %parallel_loop3A_979 : i32
      %parallel_loop3A_981 = arith.extui %parallel_loop3A_980 : i1 to i32
      %parallel_loop3A_982 = arith.subi %parallel_loop3A_978, %parallel_loop3A_981 : i32
      %parallel_loop3A_983 = arith.cmpi ne, %parallel_loop3A_975, %parallel_loop3A_982 : i32
      %parallel_loop3A_984 = arith.remsi %parallel_loop3A_966, %parallel_loop3A_967 : i32
      %parallel_loop3A_985 = arith.constant 0 : i32
      %parallel_loop3A_986 = arith.cmpi ne, %parallel_loop3A_984, %parallel_loop3A_985 : i32
      %parallel_loop3A_987 = arith.andi %parallel_loop3A_983, %parallel_loop3A_986 : i1
      %parallel_loop3A_988 = arith.constant 1 : i32
      %parallel_loop3A_989 = arith.subi %parallel_loop3A_968, %parallel_loop3A_988 : i32
      %parallel_loop3A_990 = arith.select %parallel_loop3A_987, %parallel_loop3A_989, %parallel_loop3A_968 : i32
      %parallel_loop3A_991 = arith.constant 64 : i32
      %parallel_loop3A_992 = arith.constant 0 : i32
      %parallel_loop3A_993 = arith.cmpi eq, %parallel_loop3A_991, %parallel_loop3A_992 : i32
      %parallel_loop3A_994 = arith.constant 1 : i32
      %parallel_loop3A_995 = arith.select %parallel_loop3A_993, %parallel_loop3A_994, %parallel_loop3A_991 : i32
      %parallel_loop3A_996 = arith.remsi %parallel_loop3A_966, %parallel_loop3A_995 : i32
      %parallel_loop3A_997 = arith.constant 0 : i32
      %parallel_loop3A_998 = arith.cmpi ne, %parallel_loop3A_996, %parallel_loop3A_997 : i32
      %parallel_loop3A_999 = arith.constant 0 : i32
      %parallel_loop3A_1000 = arith.cmpi slt, %parallel_loop3A_996, %parallel_loop3A_999 : i32
      %parallel_loop3A_1001 = arith.constant 0 : i32
      %parallel_loop3A_1002 = arith.cmpi slt, %parallel_loop3A_995, %parallel_loop3A_1001 : i32
      %parallel_loop3A_1003 = arith.xori %parallel_loop3A_1000, %parallel_loop3A_1002 : i1
      %parallel_loop3A_1004 = arith.andi %parallel_loop3A_1003, %parallel_loop3A_998 : i1
      %parallel_loop3A_1005 = arith.addi %parallel_loop3A_996, %parallel_loop3A_995 : i32
      %parallel_loop3A_1006 = arith.select %parallel_loop3A_1004, %parallel_loop3A_1005, %parallel_loop3A_996 : i32
      %parallel_loop3A_1007 = arith.constant 16 : i32
      %parallel_loop3A_1008 = arith.muli %parallel_loop3A_1006, %parallel_loop3A_1007 : i32
      %parallel_loop3A_1009 = arith.index_cast %parallel_loop3A_990 : i32 to index
      %parallel_loop3A_1010 = arith.index_cast %parallel_loop3A_1008 : i32 to index
      %parallel_loop3A_1011 = tpu.vector_load %arg8[%parallel_loop3A_1009, %parallel_loop3A_1010] {strides = array<i32>} : memref<8x1024xf32, #tpu.memory_space<vmem>>, vector<1x16xf32>,
      %parallel_loop3A_1012 = vector.shape_cast %parallel_loop3A_1011 : vector<1x16xf32> to vector<16xf32>
      %parallel_loop3A_1013 = arith.constant 0 : i32
      %parallel_loop3A_1014 = arith.addi %parallel_loop3A_1013, %parallel_loop3A_990 : i32
      %parallel_loop3A_1015 = arith.index_cast %parallel_loop3A_1014 : i32 to index
      %parallel_loop3A_1016 = arith.index_cast %parallel_loop3A_1008 : i32 to index
      %parallel_loop3A_1017 = tpu.vector_load %arg11[%parallel_loop3A_1015, %parallel_loop3A_1016] {strides = array<i32>} : memref<32x1024xf32, #tpu.memory_space<vmem>>, vector<1x16xf32>,
      %parallel_loop3A_1018 = vector.shape_cast %parallel_loop3A_1017 : vector<1x16xf32> to vector<16xf32>
      %parallel_loop3A_1019 = vector.shape_cast %parallel_loop3A_1012 : vector<16xf32> to vector<1x16xf32>
      tpu.vector_store %arg11[%parallel_loop3A_1015, %parallel_loop3A_1016], %parallel_loop3A_1019 {add = true, strides = array<i32>} : memref<32x1024xf32, #tpu.memory_space<vmem>>, vector<1x16xf32>,
      %parallel_loop3A_1020 = arith.constant 8 : i32
      %parallel_loop3A_1021 = arith.addi %parallel_loop3A_1020, %parallel_loop3A_990 : i32
      %parallel_loop3A_1022 = arith.index_cast %parallel_loop3A_1021 : i32 to index
      %parallel_loop3A_1023 = arith.index_cast %parallel_loop3A_1008 : i32 to index
      %parallel_loop3A_1024 = tpu.vector_load %arg11[%parallel_loop3A_1022, %parallel_loop3A_1023] {strides = array<i32>} : memref<32x1024xf32, #tpu.memory_space<vmem>>, vector<1x16xf32>,
      %parallel_loop3A_1025 = vector.shape_cast %parallel_loop3A_1024 : vector<1x16xf32> to vector<16xf32>
      %parallel_loop3A_1026 = vector.shape_cast %parallel_loop3A_1012 : vector<16xf32> to vector<1x16xf32>
      tpu.vector_store %arg11[%parallel_loop3A_1022, %parallel_loop3A_1023], %parallel_loop3A_1026 {add = true, strides = array<i32>} : memref<32x1024xf32, #tpu.memory_space<vmem>>, vector<1x16xf32>,
      %parallel_loop3A_1027 = arith.constant 16 : i32
      %parallel_loop3A_1028 = arith.addi %parallel_loop3A_1027, %parallel_loop3A_990 : i32
      %parallel_loop3A_1029 = arith.index_cast %parallel_loop3A_1028 : i32 to index
      %parallel_loop3A_1030 = arith.index_cast %parallel_loop3A_1008 : i32 to index
      %parallel_loop3A_1031 = tpu.vector_load %arg11[%parallel_loop3A_1029, %parallel_loop3A_1030] {strides = array<i32>} : memref<32x1024xf32, #tpu.memory_space<vmem>>, vector<1x16xf32>,
      %parallel_loop3A_1032 = vector.shape_cast %parallel_loop3A_1031 : vector<1x16xf32> to vector<16xf32>
      %parallel_loop3A_1033 = vector.shape_cast %parallel_loop3A_1012 : vector<16xf32> to vector<1x16xf32>
      tpu.vector_store %arg11[%parallel_loop3A_1029, %parallel_loop3A_1030], %parallel_loop3A_1033 {add = true, strides = array<i32>} : memref<32x1024xf32, #tpu.memory_space<vmem>>, vector<1x16xf32>,
      %parallel_loop3A_1034 = arith.constant 24 : i32
      %parallel_loop3A_1035 = arith.addi %parallel_loop3A_1034, %parallel_loop3A_990 : i32
      %parallel_loop3A_1036 = arith.index_cast %parallel_loop3A_1035 : i32 to index
      %parallel_loop3A_1037 = arith.index_cast %parallel_loop3A_1008 : i32 to index
      %parallel_loop3A_1038 = tpu.vector_load %arg11[%parallel_loop3A_1036, %parallel_loop3A_1037] {strides = array<i32>} : memref<32x1024xf32, #tpu.memory_space<vmem>>, vector<1x16xf32>,
      %parallel_loop3A_1039 = vector.shape_cast %parallel_loop3A_1038 : vector<1x16xf32> to vector<16xf32>
      %parallel_loop3A_1040 = vector.shape_cast %parallel_loop3A_1012 : vector<16xf32> to vector<1x16xf32>
      tpu.vector_store %arg11[%parallel_loop3A_1036, %parallel_loop3A_1037], %parallel_loop3A_1040 {add = true, strides = array<i32>} : memref<32x1024xf32, #tpu.memory_space<vmem>>, vector<1x16xf32>,
    } {sc.loop_unroll_factor = 4 : i64, sc.parallel_access}
    %mul3A_178 = arith.constant 64 : i32
    %mul3A_179 = arith.muli %add3A, %mul3A_178 : i32
    %add3A_180 = arith.constant 8 : i32
    %add3A_181 = arith.addi %mul3A_179, %add3A_180 : i32
    %add3A_182 = arith.constant 0 : i32
    %add3A_183 = arith.addi %add3A_182, %add3A_181 : i32
    %dma_start3A_184 = arith.constant 0 : i32
    %dma_start3A_185 = arith.constant 0 : i32
    %dma_start3A_186 = tpu.memref_slice %arg11[%dma_start3A_184, %dma_start3A_185] : memref<32x1024xf32, #tpu.memory_space<vmem>> -> memref<8x1024xf32, #tpu.memory_space<vmem>>
    %dma_start3A_187 = arith.constant 0 : i32
    %dma_start3A_188 = tpu.memref_slice %arg5[%add3A_183, %dma_start3A_187] : memref<8192x1024xf32, #tpu.memory_space<hbm>> -> memref<8x1024xf32, #tpu.memory_space<hbm>>
    %dma_start3A_189 = arith.constant 0 : i32
    %dma_start3A_190 = tpu.memref_slice %arg5[%add3A_183, %dma_start3A_189] : memref<8192x1024xf32, #tpu.memory_space<hbm>> -> memref<8x1024xf32, #tpu.memory_space<hbm>>
    %dma_start3A_191 = arith.constant 0 : i32
    %dma_start3A_192 = arith.constant 0 : i32
    %dma_start3A_193 = tpu.memref_slice %arg11[%dma_start3A_191, %dma_start3A_192] : memref<32x1024xf32, #tpu.memory_space<vmem>> -> memref<8x1024xf32, #tpu.memory_space<vmem>>
    tpu.enqueue_dma source(%dma_start3A_193 : memref<8x1024xf32, #tpu.memory_space<vmem>>) target(%dma_start3A_190 : memref<8x1024xf32, #tpu.memory_space<hbm>>) target_semaphore(%arg20 : memref<!tpu.dma_semaphore, #tpu.memory_space<semaphore_mem>>)
    %add3A_194 = arith.constant 2048 : i32
    %add3A_195 = arith.addi %add3A_194, %add3A_181 : i32
    %dma_start3A_196 = arith.constant 8 : i32
    %dma_start3A_197 = arith.constant 0 : i32
    %dma_start3A_198 = tpu.memref_slice %arg11[%dma_start3A_196, %dma_start3A_197] : memref<32x1024xf32, #tpu.memory_space<vmem>> -> memref<8x1024xf32, #tpu.memory_space<vmem>>
    %dma_start3A_199 = arith.constant 0 : i32
    %dma_start3A_200 = tpu.memref_slice %arg5[%add3A_195, %dma_start3A_199] : memref<8192x1024xf32, #tpu.memory_space<hbm>> -> memref<8x1024xf32, #tpu.memory_space<hbm>>
    %dma_start3A_201 = arith.constant 0 : i32
    %dma_start3A_202 = tpu.memref_slice %arg5[%add3A_195, %dma_start3A_201] : memref<8192x1024xf32, #tpu.memory_space<hbm>> -> memref<8x1024xf32, #tpu.memory_space<hbm>>
    %dma_start3A_203 = arith.constant 8 : i32
    %dma_start3A_204 = arith.constant 0 : i32
    %dma_start3A_205 = tpu.memref_slice %arg11[%dma_start3A_203, %dma_start3A_204] : memref<32x1024xf32, #tpu.memory_space<vmem>> -> memref<8x1024xf32, #tpu.memory_space<vmem>>
    tpu.enqueue_dma source(%dma_start3A_205 : memref<8x1024xf32, #tpu.memory_space<vmem>>) target(%dma_start3A_202 : memref<8x1024xf32, #tpu.memory_space<hbm>>) target_semaphore(%arg20 : memref<!tpu.dma_semaphore, #tpu.memory_space<semaphore_mem>>)
    %add3A_206 = arith.constant 4096 : i32
    %add3A_207 = arith.addi %add3A_206, %add3A_181 : i32
    %dma_start3A_208 = arith.constant 16 : i32
    %dma_start3A_209 = arith.constant 0 : i32
    %dma_start3A_210 = tpu.memref_slice %arg11[%dma_start3A_208, %dma_start3A_209] : memref<32x1024xf32, #tpu.memory_space<vmem>> -> memref<8x1024xf32, #tpu.memory_space<vmem>>
    %dma_start3A_211 = arith.constant 0 : i32
    %dma_start3A_212 = tpu.memref_slice %arg5[%add3A_207, %dma_start3A_211] : memref<8192x1024xf32, #tpu.memory_space<hbm>> -> memref<8x1024xf32, #tpu.memory_space<hbm>>
    %dma_start3A_213 = arith.constant 0 : i32
    %dma_start3A_214 = tpu.memref_slice %arg5[%add3A_207, %dma_start3A_213] : memref<8192x1024xf32, #tpu.memory_space<hbm>> -> memref<8x1024xf32, #tpu.memory_space<hbm>>
    %dma_start3A_215 = arith.constant 16 : i32
    %dma_start3A_216 = arith.constant 0 : i32
    %dma_start3A_217 = tpu.memref_slice %arg11[%dma_start3A_215, %dma_start3A_216] : memref<32x1024xf32, #tpu.memory_space<vmem>> -> memref<8x1024xf32, #tpu.memory_space<vmem>>
    tpu.enqueue_dma source(%dma_start3A_217 : memref<8x1024xf32, #tpu.memory_space<vmem>>) target(%dma_start3A_214 : memref<8x1024xf32, #tpu.memory_space<hbm>>) target_semaphore(%arg20 : memref<!tpu.dma_semaphore, #tpu.memory_space<semaphore_mem>>)
    %add3A_218 = arith.constant 6144 : i32
    %add3A_219 = arith.addi %add3A_218, %add3A_181 : i32
    %dma_start3A_220 = arith.constant 24 : i32
    %dma_start3A_221 = arith.constant 0 : i32
    %dma_start3A_222 = tpu.memref_slice %arg11[%dma_start3A_220, %dma_start3A_221] : memref<32x1024xf32, #tpu.memory_space<vmem>> -> memref<8x1024xf32, #tpu.memory_space<vmem>>
    %dma_start3A_223 = arith.constant 0 : i32
    %dma_start3A_224 = tpu.memref_slice %arg5[%add3A_219, %dma_start3A_223] : memref<8192x1024xf32, #tpu.memory_space<hbm>> -> memref<8x1024xf32, #tpu.memory_space<hbm>>
    %dma_start3A_225 = arith.constant 0 : i32
    %dma_start3A_226 = tpu.memref_slice %arg5[%add3A_219, %dma_start3A_225] : memref<8192x1024xf32, #tpu.memory_space<hbm>> -> memref<8x1024xf32, #tpu.memory_space<hbm>>
    %dma_start3A_227 = arith.constant 24 : i32
    %dma_start3A_228 = arith.constant 0 : i32
    %dma_start3A_229 = tpu.memref_slice %arg11[%dma_start3A_227, %dma_start3A_228] : memref<32x1024xf32, #tpu.memory_space<vmem>> -> memref<8x1024xf32, #tpu.memory_space<vmem>>
    tpu.enqueue_dma source(%dma_start3A_229 : memref<8x1024xf32, #tpu.memory_space<vmem>>) target(%dma_start3A_226 : memref<8x1024xf32, #tpu.memory_space<hbm>>) target_semaphore(%arg20 : memref<!tpu.dma_semaphore, #tpu.memory_space<semaphore_mem>>)
    %dma_wait3A_230 = arith.constant 0 : i32
    %dma_wait3A_231 = arith.constant 0 : i32
    %dma_wait3A_232 = tpu.memref_slice %arg11[%dma_wait3A_230, %dma_wait3A_231] : memref<32x1024xf32, #tpu.memory_space<vmem>> -> memref<8x1024xf32, #tpu.memory_space<vmem>>
    %dma_wait3A_233 = arith.constant 0 : i32
    %dma_wait3A_234 = tpu.memref_slice %arg5[%add3A_183, %dma_wait3A_233] : memref<8192x1024xf32, #tpu.memory_space<hbm>> -> memref<8x1024xf32, #tpu.memory_space<hbm>>
    %dma_wait3A_235 = arith.constant 0 : i32
    %dma_wait3A_236 = tpu.memref_slice %arg5[%add3A_183, %dma_wait3A_235] : memref<8192x1024xf32, #tpu.memory_space<hbm>> -> memref<8x1024xf32, #tpu.memory_space<hbm>>
    %dma_wait3A_237 = arith.constant 0 : i32
    %dma_wait3A_238 = arith.constant 0 : i32
    %dma_wait3A_239 = tpu.memref_slice %arg11[%dma_wait3A_237, %dma_wait3A_238] : memref<32x1024xf32, #tpu.memory_space<vmem>> -> memref<8x1024xf32, #tpu.memory_space<vmem>>
    tpu.wait_dma2 semaphore(%arg20 : memref<!tpu.dma_semaphore, #tpu.memory_space<semaphore_mem>>) src(%dma_wait3A_239 : memref<8x1024xf32, #tpu.memory_space<vmem>>) dst(%dma_wait3A_236 : memref<8x1024xf32, #tpu.memory_space<hbm>>)
    %dma_wait3A_240 = arith.constant 8 : i32
    %dma_wait3A_241 = arith.constant 0 : i32
    %dma_wait3A_242 = tpu.memref_slice %arg11[%dma_wait3A_240, %dma_wait3A_241] : memref<32x1024xf32, #tpu.memory_space<vmem>> -> memref<8x1024xf32, #tpu.memory_space<vmem>>
    %dma_wait3A_243 = arith.constant 0 : i32
    %dma_wait3A_244 = tpu.memref_slice %arg5[%add3A_195, %dma_wait3A_243] : memref<8192x1024xf32, #tpu.memory_space<hbm>> -> memref<8x1024xf32, #tpu.memory_space<hbm>>
    %dma_wait3A_245 = arith.constant 0 : i32
    %dma_wait3A_246 = tpu.memref_slice %arg5[%add3A_195, %dma_wait3A_245] : memref<8192x1024xf32, #tpu.memory_space<hbm>> -> memref<8x1024xf32, #tpu.memory_space<hbm>>
    %dma_wait3A_247 = arith.constant 8 : i32
    %dma_wait3A_248 = arith.constant 0 : i32
    %dma_wait3A_249 = tpu.memref_slice %arg11[%dma_wait3A_247, %dma_wait3A_248] : memref<32x1024xf32, #tpu.memory_space<vmem>> -> memref<8x1024xf32, #tpu.memory_space<vmem>>
    tpu.wait_dma2 semaphore(%arg20 : memref<!tpu.dma_semaphore, #tpu.memory_space<semaphore_mem>>) src(%dma_wait3A_249 : memref<8x1024xf32, #tpu.memory_space<vmem>>) dst(%dma_wait3A_246 : memref<8x1024xf32, #tpu.memory_space<hbm>>)
    %dma_wait3A_250 = arith.constant 16 : i32
    %dma_wait3A_251 = arith.constant 0 : i32
    %dma_wait3A_252 = tpu.memref_slice %arg11[%dma_wait3A_250, %dma_wait3A_251] : memref<32x1024xf32, #tpu.memory_space<vmem>> -> memref<8x1024xf32, #tpu.memory_space<vmem>>
    %dma_wait3A_253 = arith.constant 0 : i32
    %dma_wait3A_254 = tpu.memref_slice %arg5[%add3A_207, %dma_wait3A_253] : memref<8192x1024xf32, #tpu.memory_space<hbm>> -> memref<8x1024xf32, #tpu.memory_space<hbm>>
    %dma_wait3A_255 = arith.constant 0 : i32
    %dma_wait3A_256 = tpu.memref_slice %arg5[%add3A_207, %dma_wait3A_255] : memref<8192x1024xf32, #tpu.memory_space<hbm>> -> memref<8x1024xf32, #tpu.memory_space<hbm>>
    %dma_wait3A_257 = arith.constant 16 : i32
    %dma_wait3A_258 = arith.constant 0 : i32
    %dma_wait3A_259 = tpu.memref_slice %arg11[%dma_wait3A_257, %dma_wait3A_258] : memref<32x1024xf32, #tpu.memory_space<vmem>> -> memref<8x1024xf32, #tpu.memory_space<vmem>>
    tpu.wait_dma2 semaphore(%arg20 : memref<!tpu.dma_semaphore, #tpu.memory_space<semaphore_mem>>) src(%dma_wait3A_259 : memref<8x1024xf32, #tpu.memory_space<vmem>>) dst(%dma_wait3A_256 : memref<8x1024xf32, #tpu.memory_space<hbm>>)
    %dma_wait3A_260 = arith.constant 24 : i32
    %dma_wait3A_261 = arith.constant 0 : i32
    %dma_wait3A_262 = tpu.memref_slice %arg11[%dma_wait3A_260, %dma_wait3A_261] : memref<32x1024xf32, #tpu.memory_space<vmem>> -> memref<8x1024xf32, #tpu.memory_space<vmem>>
    %dma_wait3A_263 = arith.constant 0 : i32
    %dma_wait3A_264 = tpu.memref_slice %arg5[%add3A_219, %dma_wait3A_263] : memref<8192x1024xf32, #tpu.memory_space<hbm>> -> memref<8x1024xf32, #tpu.memory_space<hbm>>
    %dma_wait3A_265 = arith.constant 0 : i32
    %dma_wait3A_266 = tpu.memref_slice %arg5[%add3A_219, %dma_wait3A_265] : memref<8192x1024xf32, #tpu.memory_space<hbm>> -> memref<8x1024xf32, #tpu.memory_space<hbm>>
    %dma_wait3A_267 = arith.constant 24 : i32
    %dma_wait3A_268 = arith.constant 0 : i32
    %dma_wait3A_269 = tpu.memref_slice %arg11[%dma_wait3A_267, %dma_wait3A_268] : memref<32x1024xf32, #tpu.memory_space<vmem>> -> memref<8x1024xf32, #tpu.memory_space<vmem>>
    tpu.wait_dma2 semaphore(%arg20 : memref<!tpu.dma_semaphore, #tpu.memory_space<semaphore_mem>>) src(%dma_wait3A_269 : memref<8x1024xf32, #tpu.memory_space<vmem>>) dst(%dma_wait3A_266 : memref<8x1024xf32, #tpu.memory_space<hbm>>)
    %dma_start3A_270 = arith.constant 4 : i32
    %dma_start3A_271 = arith.constant 0 : i32
    %dma_start3A_272 = tpu.memref_slice %arg6[%dma_start3A_270, %dma_start3A_271] : memref<8x32xi32, #tpu.memory_space<vmem>> -> memref<1x32xi32, #tpu.memory_space<vmem>>
    %dma_start3A_273 = tpu.memref_squeeze %dma_start3A_272 : memref<1x32xi32, #tpu.memory_space<vmem>> -> memref<32xi32, #tpu.memory_space<vmem>>
    %dma_start3A_274 = arith.constant 0 : i32
    %dma_start3A_275 = arith.constant 0 : i32
    %dma_start3A_276 = tpu.memref_slice %arg3[%dma_start3A_274, %dma_start3A_275] : memref<100000x1024xf32, #tpu.memory_space<hbm>> -> memref<100000x1024xf32, #tpu.memory_space<hbm>>
    tpu.enqueue_indirect_dma source(%dma_start3A_276 : memref<100000x1024xf32, #tpu.memory_space<hbm>>) target(%arg11 : memref<32x1024xf32, #tpu.memory_space<vmem>>) offsets(%dma_start3A_273 : memref<32xi32, #tpu.memory_space<vmem>>) semaphore(%arg17 : memref<!tpu.dma_semaphore, #tpu.memory_space<semaphore_mem>>)
    %mul3A_277 = arith.constant 64 : i32
    %mul3A_278 = arith.muli %add3A, %mul3A_277 : i32
    %add3A_279 = arith.constant 32 : i32
    %add3A_280 = arith.addi %mul3A_278, %add3A_279 : i32
    %dma_start3A_281 = arith.constant 0 : i32
    %dma_start3A_282 = tpu.memref_slice %arg4[%add3A_280, %dma_start3A_281] : memref<2048x1024xf32, #tpu.memory_space<hbm>> -> memref<8x1024xf32, #tpu.memory_space<hbm>>
    %dma_start3A_283 = arith.constant 0 : i32
    %dma_start3A_284 = tpu.memref_slice %arg4[%add3A_280, %dma_start3A_283] : memref<2048x1024xf32, #tpu.memory_space<hbm>> -> memref<8x1024xf32, #tpu.memory_space<hbm>>
    tpu.enqueue_dma source(%dma_start3A_284 : memref<8x1024xf32, #tpu.memory_space<hbm>>) target(%arg8 : memref<8x1024xf32, #tpu.memory_space<vmem>>) target_semaphore(%arg14 : memref<!tpu.dma_semaphore, #tpu.memory_space<semaphore_mem>>)
    %dma_wait3A_285 = arith.constant 2 : i32
    %dma_wait3A_286 = arith.constant 0 : i32
    %dma_wait3A_287 = tpu.memref_slice %arg6[%dma_wait3A_285, %dma_wait3A_286] : memref<8x32xi32, #tpu.memory_space<vmem>> -> memref<1x32xi32, #tpu.memory_space<vmem>>
    %dma_wait3A_288 = tpu.memref_squeeze %dma_wait3A_287 : memref<1x32xi32, #tpu.memory_space<vmem>> -> memref<32xi32, #tpu.memory_space<vmem>>
    %dma_wait3A_289 = arith.constant 0 : i32
    %dma_wait3A_290 = arith.constant 0 : i32
    %dma_wait3A_291 = tpu.memref_slice %arg3[%dma_wait3A_289, %dma_wait3A_290] : memref<100000x1024xf32, #tpu.memory_space<hbm>> -> memref<100000x1024xf32, #tpu.memory_space<hbm>>
    tpu.wait_indirect_dma semaphore(%arg18 : memref<!tpu.dma_semaphore, #tpu.memory_space<semaphore_mem>>) src(%dma_wait3A_291 : memref<100000x1024xf32, #tpu.memory_space<hbm>>) dst(%arg12 : memref<32x1024xf32, #tpu.memory_space<vmem>>)
    %dma_wait3A_292 = arith.constant 0 : i32
    %dma_wait3A_293 = tpu.memref_slice %arg4[%add3A_40, %dma_wait3A_292] : memref<2048x1024xf32, #tpu.memory_space<hbm>> -> memref<8x1024xf32, #tpu.memory_space<hbm>>
    %dma_wait3A_294 = arith.constant 0 : i32
    %dma_wait3A_295 = tpu.memref_slice %arg4[%add3A_40, %dma_wait3A_294] : memref<2048x1024xf32, #tpu.memory_space<hbm>> -> memref<8x1024xf32, #tpu.memory_space<hbm>>
    tpu.wait_dma2 semaphore(%arg15 : memref<!tpu.dma_semaphore, #tpu.memory_space<semaphore_mem>>) src(%dma_wait3A_295 : memref<8x1024xf32, #tpu.memory_space<hbm>>) dst(%arg9 : memref<8x1024xf32, #tpu.memory_space<vmem>>)
    %parallel_loop3A_296 = arith.constant 0 : i32
    %parallel_loop3A_297 = arith.constant 512 : i32
    %parallel_loop3A_298 = arith.constant 1 : i32
    scf.for %parallel_loop3A_966 = %parallel_loop3A_296 to %parallel_loop3A_297 step %parallel_loop3A_298  : i32 {
      %parallel_loop3A_967 = arith.constant 64 : i32
      %parallel_loop3A_968 = arith.divsi %parallel_loop3A_966, %parallel_loop3A_967 : i32
      %parallel_loop3A_969 = arith.constant 0 : i32
      %parallel_loop3A_970 = arith.cmpi sgt, %parallel_loop3A_966, %parallel_loop3A_969 : i32
      %parallel_loop3A_971 = arith.extui %parallel_loop3A_970 : i1 to i32
      %parallel_loop3A_972 = arith.constant 0 : i32
      %parallel_loop3A_973 = arith.cmpi slt, %parallel_loop3A_966, %parallel_loop3A_972 : i32
      %parallel_loop3A_974 = arith.extui %parallel_loop3A_973 : i1 to i32
      %parallel_loop3A_975 = arith.subi %parallel_loop3A_971, %parallel_loop3A_974 : i32
      %parallel_loop3A_976 = arith.constant 0 : i32
      %parallel_loop3A_977 = arith.cmpi sgt, %parallel_loop3A_967, %parallel_loop3A_976 : i32
      %parallel_loop3A_978 = arith.extui %parallel_loop3A_977 : i1 to i32
      %parallel_loop3A_979 = arith.constant 0 : i32
      %parallel_loop3A_980 = arith.cmpi slt, %parallel_loop3A_967, %parallel_loop3A_979 : i32
      %parallel_loop3A_981 = arith.extui %parallel_loop3A_980 : i1 to i32
      %parallel_loop3A_982 = arith.subi %parallel_loop3A_978, %parallel_loop3A_981 : i32
      %parallel_loop3A_983 = arith.cmpi ne, %parallel_loop3A_975, %parallel_loop3A_982 : i32
      %parallel_loop3A_984 = arith.remsi %parallel_loop3A_966, %parallel_loop3A_967 : i32
      %parallel_loop3A_985 = arith.constant 0 : i32
      %parallel_loop3A_986 = arith.cmpi ne, %parallel_loop3A_984, %parallel_loop3A_985 : i32
      %parallel_loop3A_987 = arith.andi %parallel_loop3A_983, %parallel_loop3A_986 : i1
      %parallel_loop3A_988 = arith.constant 1 : i32
      %parallel_loop3A_989 = arith.subi %parallel_loop3A_968, %parallel_loop3A_988 : i32
      %parallel_loop3A_990 = arith.select %parallel_loop3A_987, %parallel_loop3A_989, %parallel_loop3A_968 : i32
      %parallel_loop3A_991 = arith.constant 64 : i32
      %parallel_loop3A_992 = arith.constant 0 : i32
      %parallel_loop3A_993 = arith.cmpi eq, %parallel_loop3A_991, %parallel_loop3A_992 : i32
      %parallel_loop3A_994 = arith.constant 1 : i32
      %parallel_loop3A_995 = arith.select %parallel_loop3A_993, %parallel_loop3A_994, %parallel_loop3A_991 : i32
      %parallel_loop3A_996 = arith.remsi %parallel_loop3A_966, %parallel_loop3A_995 : i32
      %parallel_loop3A_997 = arith.constant 0 : i32
      %parallel_loop3A_998 = arith.cmpi ne, %parallel_loop3A_996, %parallel_loop3A_997 : i32
      %parallel_loop3A_999 = arith.constant 0 : i32
      %parallel_loop3A_1000 = arith.cmpi slt, %parallel_loop3A_996, %parallel_loop3A_999 : i32
      %parallel_loop3A_1001 = arith.constant 0 : i32
      %parallel_loop3A_1002 = arith.cmpi slt, %parallel_loop3A_995, %parallel_loop3A_1001 : i32
      %parallel_loop3A_1003 = arith.xori %parallel_loop3A_1000, %parallel_loop3A_1002 : i1
      %parallel_loop3A_1004 = arith.andi %parallel_loop3A_1003, %parallel_loop3A_998 : i1
      %parallel_loop3A_1005 = arith.addi %parallel_loop3A_996, %parallel_loop3A_995 : i32
      %parallel_loop3A_1006 = arith.select %parallel_loop3A_1004, %parallel_loop3A_1005, %parallel_loop3A_996 : i32
      %parallel_loop3A_1007 = arith.constant 16 : i32
      %parallel_loop3A_1008 = arith.muli %parallel_loop3A_1006, %parallel_loop3A_1007 : i32
      %parallel_loop3A_1009 = arith.index_cast %parallel_loop3A_990 : i32 to index
      %parallel_loop3A_1010 = arith.index_cast %parallel_loop3A_1008 : i32 to index
      %parallel_loop3A_1011 = tpu.vector_load %arg9[%parallel_loop3A_1009, %parallel_loop3A_1010] {strides = array<i32>} : memref<8x1024xf32, #tpu.memory_space<vmem>>, vector<1x16xf32>,
      %parallel_loop3A_1012 = vector.shape_cast %parallel_loop3A_1011 : vector<1x16xf32> to vector<16xf32>
      %parallel_loop3A_1013 = arith.constant 0 : i32
      %parallel_loop3A_1014 = arith.addi %parallel_loop3A_1013, %parallel_loop3A_990 : i32
      %parallel_loop3A_1015 = arith.index_cast %parallel_loop3A_1014 : i32 to index
      %parallel_loop3A_1016 = arith.index_cast %parallel_loop3A_1008 : i32 to index
      %parallel_loop3A_1017 = tpu.vector_load %arg12[%parallel_loop3A_1015, %parallel_loop3A_1016] {strides = array<i32>} : memref<32x1024xf32, #tpu.memory_space<vmem>>, vector<1x16xf32>,
      %parallel_loop3A_1018 = vector.shape_cast %parallel_loop3A_1017 : vector<1x16xf32> to vector<16xf32>
      %parallel_loop3A_1019 = vector.shape_cast %parallel_loop3A_1012 : vector<16xf32> to vector<1x16xf32>
      tpu.vector_store %arg12[%parallel_loop3A_1015, %parallel_loop3A_1016], %parallel_loop3A_1019 {add = true, strides = array<i32>} : memref<32x1024xf32, #tpu.memory_space<vmem>>, vector<1x16xf32>,
      %parallel_loop3A_1020 = arith.constant 8 : i32
      %parallel_loop3A_1021 = arith.addi %parallel_loop3A_1020, %parallel_loop3A_990 : i32
      %parallel_loop3A_1022 = arith.index_cast %parallel_loop3A_1021 : i32 to index
      %parallel_loop3A_1023 = arith.index_cast %parallel_loop3A_1008 : i32 to index
      %parallel_loop3A_1024 = tpu.vector_load %arg12[%parallel_loop3A_1022, %parallel_loop3A_1023] {strides = array<i32>} : memref<32x1024xf32, #tpu.memory_space<vmem>>, vector<1x16xf32>,
      %parallel_loop3A_1025 = vector.shape_cast %parallel_loop3A_1024 : vector<1x16xf32> to vector<16xf32>
      %parallel_loop3A_1026 = vector.shape_cast %parallel_loop3A_1012 : vector<16xf32> to vector<1x16xf32>
      tpu.vector_store %arg12[%parallel_loop3A_1022, %parallel_loop3A_1023], %parallel_loop3A_1026 {add = true, strides = array<i32>} : memref<32x1024xf32, #tpu.memory_space<vmem>>, vector<1x16xf32>,
      %parallel_loop3A_1027 = arith.constant 16 : i32
      %parallel_loop3A_1028 = arith.addi %parallel_loop3A_1027, %parallel_loop3A_990 : i32
      %parallel_loop3A_1029 = arith.index_cast %parallel_loop3A_1028 : i32 to index
      %parallel_loop3A_1030 = arith.index_cast %parallel_loop3A_1008 : i32 to index
      %parallel_loop3A_1031 = tpu.vector_load %arg12[%parallel_loop3A_1029, %parallel_loop3A_1030] {strides = array<i32>} : memref<32x1024xf32, #tpu.memory_space<vmem>>, vector<1x16xf32>,
      %parallel_loop3A_1032 = vector.shape_cast %parallel_loop3A_1031 : vector<1x16xf32> to vector<16xf32>
      %parallel_loop3A_1033 = vector.shape_cast %parallel_loop3A_1012 : vector<16xf32> to vector<1x16xf32>
      tpu.vector_store %arg12[%parallel_loop3A_1029, %parallel_loop3A_1030], %parallel_loop3A_1033 {add = true, strides = array<i32>} : memref<32x1024xf32, #tpu.memory_space<vmem>>, vector<1x16xf32>,
      %parallel_loop3A_1034 = arith.constant 24 : i32
      %parallel_loop3A_1035 = arith.addi %parallel_loop3A_1034, %parallel_loop3A_990 : i32
      %parallel_loop3A_1036 = arith.index_cast %parallel_loop3A_1035 : i32 to index
      %parallel_loop3A_1037 = arith.index_cast %parallel_loop3A_1008 : i32 to index
      %parallel_loop3A_1038 = tpu.vector_load %arg12[%parallel_loop3A_1036, %parallel_loop3A_1037] {strides = array<i32>} : memref<32x1024xf32, #tpu.memory_space<vmem>>, vector<1x16xf32>,
      %parallel_loop3A_1039 = vector.shape_cast %parallel_loop3A_1038 : vector<1x16xf32> to vector<16xf32>
      %parallel_loop3A_1040 = vector.shape_cast %parallel_loop3A_1012 : vector<16xf32> to vector<1x16xf32>
      tpu.vector_store %arg12[%parallel_loop3A_1036, %parallel_loop3A_1037], %parallel_loop3A_1040 {add = true, strides = array<i32>} : memref<32x1024xf32, #tpu.memory_space<vmem>>, vector<1x16xf32>,
    } {sc.loop_unroll_factor = 4 : i64, sc.parallel_access}
    %mul3A_299 = arith.constant 64 : i32
    %mul3A_300 = arith.muli %add3A, %mul3A_299 : i32
    %add3A_301 = arith.constant 16 : i32
    %add3A_302 = arith.addi %mul3A_300, %add3A_301 : i32
    %add3A_303 = arith.constant 0 : i32
    %add3A_304 = arith.addi %add3A_303, %add3A_302 : i32
    %dma_start3A_305 = arith.constant 0 : i32
    %dma_start3A_306 = arith.constant 0 : i32
    %dma_start3A_307 = tpu.memref_slice %arg12[%dma_start3A_305, %dma_start3A_306] : memref<32x1024xf32, #tpu.memory_space<vmem>> -> memref<8x1024xf32, #tpu.memory_space<vmem>>
    %dma_start3A_308 = arith.constant 0 : i32
    %dma_start3A_309 = tpu.memref_slice %arg5[%add3A_304, %dma_start3A_308] : memref<8192x1024xf32, #tpu.memory_space<hbm>> -> memref<8x1024xf32, #tpu.memory_space<hbm>>
    %dma_start3A_310 = arith.constant 0 : i32
    %dma_start3A_311 = tpu.memref_slice %arg5[%add3A_304, %dma_start3A_310] : memref<8192x1024xf32, #tpu.memory_space<hbm>> -> memref<8x1024xf32, #tpu.memory_space<hbm>>
    %dma_start3A_312 = arith.constant 0 : i32
    %dma_start3A_313 = arith.constant 0 : i32
    %dma_start3A_314 = tpu.memref_slice %arg12[%dma_start3A_312, %dma_start3A_313] : memref<32x1024xf32, #tpu.memory_space<vmem>> -> memref<8x1024xf32, #tpu.memory_space<vmem>>
    tpu.enqueue_dma source(%dma_start3A_314 : memref<8x1024xf32, #tpu.memory_space<vmem>>) target(%dma_start3A_311 : memref<8x1024xf32, #tpu.memory_space<hbm>>) target_semaphore(%arg21 : memref<!tpu.dma_semaphore, #tpu.memory_space<semaphore_mem>>)
    %add3A_315 = arith.constant 2048 : i32
    %add3A_316 = arith.addi %add3A_315, %add3A_302 : i32
    %dma_start3A_317 = arith.constant 8 : i32
    %dma_start3A_318 = arith.constant 0 : i32
    %dma_start3A_319 = tpu.memref_slice %arg12[%dma_start3A_317, %dma_start3A_318] : memref<32x1024xf32, #tpu.memory_space<vmem>> -> memref<8x1024xf32, #tpu.memory_space<vmem>>
    %dma_start3A_320 = arith.constant 0 : i32
    %dma_start3A_321 = tpu.memref_slice %arg5[%add3A_316, %dma_start3A_320] : memref<8192x1024xf32, #tpu.memory_space<hbm>> -> memref<8x1024xf32, #tpu.memory_space<hbm>>
    %dma_start3A_322 = arith.constant 0 : i32
    %dma_start3A_323 = tpu.memref_slice %arg5[%add3A_316, %dma_start3A_322] : memref<8192x1024xf32, #tpu.memory_space<hbm>> -> memref<8x1024xf32, #tpu.memory_space<hbm>>
    %dma_start3A_324 = arith.constant 8 : i32
    %dma_start3A_325 = arith.constant 0 : i32
    %dma_start3A_326 = tpu.memref_slice %arg12[%dma_start3A_324, %dma_start3A_325] : memref<32x1024xf32, #tpu.memory_space<vmem>> -> memref<8x1024xf32, #tpu.memory_space<vmem>>
    tpu.enqueue_dma source(%dma_start3A_326 : memref<8x1024xf32, #tpu.memory_space<vmem>>) target(%dma_start3A_323 : memref<8x1024xf32, #tpu.memory_space<hbm>>) target_semaphore(%arg21 : memref<!tpu.dma_semaphore, #tpu.memory_space<semaphore_mem>>)
    %add3A_327 = arith.constant 4096 : i32
    %add3A_328 = arith.addi %add3A_327, %add3A_302 : i32
    %dma_start3A_329 = arith.constant 16 : i32
    %dma_start3A_330 = arith.constant 0 : i32
    %dma_start3A_331 = tpu.memref_slice %arg12[%dma_start3A_329, %dma_start3A_330] : memref<32x1024xf32, #tpu.memory_space<vmem>> -> memref<8x1024xf32, #tpu.memory_space<vmem>>
    %dma_start3A_332 = arith.constant 0 : i32
    %dma_start3A_333 = tpu.memref_slice %arg5[%add3A_328, %dma_start3A_332] : memref<8192x1024xf32, #tpu.memory_space<hbm>> -> memref<8x1024xf32, #tpu.memory_space<hbm>>
    %dma_start3A_334 = arith.constant 0 : i32
    %dma_start3A_335 = tpu.memref_slice %arg5[%add3A_328, %dma_start3A_334] : memref<8192x1024xf32, #tpu.memory_space<hbm>> -> memref<8x1024xf32, #tpu.memory_space<hbm>>
    %dma_start3A_336 = arith.constant 16 : i32
    %dma_start3A_337 = arith.constant 0 : i32
    %dma_start3A_338 = tpu.memref_slice %arg12[%dma_start3A_336, %dma_start3A_337] : memref<32x1024xf32, #tpu.memory_space<vmem>> -> memref<8x1024xf32, #tpu.memory_space<vmem>>
    tpu.enqueue_dma source(%dma_start3A_338 : memref<8x1024xf32, #tpu.memory_space<vmem>>) target(%dma_start3A_335 : memref<8x1024xf32, #tpu.memory_space<hbm>>) target_semaphore(%arg21 : memref<!tpu.dma_semaphore, #tpu.memory_space<semaphore_mem>>)
    %add3A_339 = arith.constant 6144 : i32
    %add3A_340 = arith.addi %add3A_339, %add3A_302 : i32
    %dma_start3A_341 = arith.constant 24 : i32
    %dma_start3A_342 = arith.constant 0 : i32
    %dma_start3A_343 = tpu.memref_slice %arg12[%dma_start3A_341, %dma_start3A_342] : memref<32x1024xf32, #tpu.memory_space<vmem>> -> memref<8x1024xf32, #tpu.memory_space<vmem>>
    %dma_start3A_344 = arith.constant 0 : i32
    %dma_start3A_345 = tpu.memref_slice %arg5[%add3A_340, %dma_start3A_344] : memref<8192x1024xf32, #tpu.memory_space<hbm>> -> memref<8x1024xf32, #tpu.memory_space<hbm>>
    %dma_start3A_346 = arith.constant 0 : i32
    %dma_start3A_347 = tpu.memref_slice %arg5[%add3A_340, %dma_start3A_346] : memref<8192x1024xf32, #tpu.memory_space<hbm>> -> memref<8x1024xf32, #tpu.memory_space<hbm>>
    %dma_start3A_348 = arith.constant 24 : i32
    %dma_start3A_349 = arith.constant 0 : i32
    %dma_start3A_350 = tpu.memref_slice %arg12[%dma_start3A_348, %dma_start3A_349] : memref<32x1024xf32, #tpu.memory_space<vmem>> -> memref<8x1024xf32, #tpu.memory_space<vmem>>
    tpu.enqueue_dma source(%dma_start3A_350 : memref<8x1024xf32, #tpu.memory_space<vmem>>) target(%dma_start3A_347 : memref<8x1024xf32, #tpu.memory_space<hbm>>) target_semaphore(%arg21 : memref<!tpu.dma_semaphore, #tpu.memory_space<semaphore_mem>>)
    %dma_wait3A_351 = arith.constant 0 : i32
    %dma_wait3A_352 = arith.constant 0 : i32
    %dma_wait3A_353 = tpu.memref_slice %arg12[%dma_wait3A_351, %dma_wait3A_352] : memref<32x1024xf32, #tpu.memory_space<vmem>> -> memref<8x1024xf32, #tpu.memory_space<vmem>>
    %dma_wait3A_354 = arith.constant 0 : i32
    %dma_wait3A_355 = tpu.memref_slice %arg5[%add3A_304, %dma_wait3A_354] : memref<8192x1024xf32, #tpu.memory_space<hbm>> -> memref<8x1024xf32, #tpu.memory_space<hbm>>
    %dma_wait3A_356 = arith.constant 0 : i32
    %dma_wait3A_357 = tpu.memref_slice %arg5[%add3A_304, %dma_wait3A_356] : memref<8192x1024xf32, #tpu.memory_space<hbm>> -> memref<8x1024xf32, #tpu.memory_space<hbm>>
    %dma_wait3A_358 = arith.constant 0 : i32
    %dma_wait3A_359 = arith.constant 0 : i32
    %dma_wait3A_360 = tpu.memref_slice %arg12[%dma_wait3A_358, %dma_wait3A_359] : memref<32x1024xf32, #tpu.memory_space<vmem>> -> memref<8x1024xf32, #tpu.memory_space<vmem>>
    tpu.wait_dma2 semaphore(%arg21 : memref<!tpu.dma_semaphore, #tpu.memory_space<semaphore_mem>>) src(%dma_wait3A_360 : memref<8x1024xf32, #tpu.memory_space<vmem>>) dst(%dma_wait3A_357 : memref<8x1024xf32, #tpu.memory_space<hbm>>)
    %dma_wait3A_361 = arith.constant 8 : i32
    %dma_wait3A_362 = arith.constant 0 : i32
    %dma_wait3A_363 = tpu.memref_slice %arg12[%dma_wait3A_361, %dma_wait3A_362] : memref<32x1024xf32, #tpu.memory_space<vmem>> -> memref<8x1024xf32, #tpu.memory_space<vmem>>
    %dma_wait3A_364 = arith.constant 0 : i32
    %dma_wait3A_365 = tpu.memref_slice %arg5[%add3A_316, %dma_wait3A_364] : memref<8192x1024xf32, #tpu.memory_space<hbm>> -> memref<8x1024xf32, #tpu.memory_space<hbm>>
    %dma_wait3A_366 = arith.constant 0 : i32
    %dma_wait3A_367 = tpu.memref_slice %arg5[%add3A_316, %dma_wait3A_366] : memref<8192x1024xf32, #tpu.memory_space<hbm>> -> memref<8x1024xf32, #tpu.memory_space<hbm>>
    %dma_wait3A_368 = arith.constant 8 : i32
    %dma_wait3A_369 = arith.constant 0 : i32
    %dma_wait3A_370 = tpu.memref_slice %arg12[%dma_wait3A_368, %dma_wait3A_369] : memref<32x1024xf32, #tpu.memory_space<vmem>> -> memref<8x1024xf32, #tpu.memory_space<vmem>>
    tpu.wait_dma2 semaphore(%arg21 : memref<!tpu.dma_semaphore, #tpu.memory_space<semaphore_mem>>) src(%dma_wait3A_370 : memref<8x1024xf32, #tpu.memory_space<vmem>>) dst(%dma_wait3A_367 : memref<8x1024xf32, #tpu.memory_space<hbm>>)
    %dma_wait3A_371 = arith.constant 16 : i32
    %dma_wait3A_372 = arith.constant 0 : i32
    %dma_wait3A_373 = tpu.memref_slice %arg12[%dma_wait3A_371, %dma_wait3A_372] : memref<32x1024xf32, #tpu.memory_space<vmem>> -> memref<8x1024xf32, #tpu.memory_space<vmem>>
    %dma_wait3A_374 = arith.constant 0 : i32
    %dma_wait3A_375 = tpu.memref_slice %arg5[%add3A_328, %dma_wait3A_374] : memref<8192x1024xf32, #tpu.memory_space<hbm>> -> memref<8x1024xf32, #tpu.memory_space<hbm>>
    %dma_wait3A_376 = arith.constant 0 : i32
    %dma_wait3A_377 = tpu.memref_slice %arg5[%add3A_328, %dma_wait3A_376] : memref<8192x1024xf32, #tpu.memory_space<hbm>> -> memref<8x1024xf32, #tpu.memory_space<hbm>>
    %dma_wait3A_378 = arith.constant 16 : i32
    %dma_wait3A_379 = arith.constant 0 : i32
    %dma_wait3A_380 = tpu.memref_slice %arg12[%dma_wait3A_378, %dma_wait3A_379] : memref<32x1024xf32, #tpu.memory_space<vmem>> -> memref<8x1024xf32, #tpu.memory_space<vmem>>
    tpu.wait_dma2 semaphore(%arg21 : memref<!tpu.dma_semaphore, #tpu.memory_space<semaphore_mem>>) src(%dma_wait3A_380 : memref<8x1024xf32, #tpu.memory_space<vmem>>) dst(%dma_wait3A_377 : memref<8x1024xf32, #tpu.memory_space<hbm>>)
    %dma_wait3A_381 = arith.constant 24 : i32
    %dma_wait3A_382 = arith.constant 0 : i32
    %dma_wait3A_383 = tpu.memref_slice %arg12[%dma_wait3A_381, %dma_wait3A_382] : memref<32x1024xf32, #tpu.memory_space<vmem>> -> memref<8x1024xf32, #tpu.memory_space<vmem>>
    %dma_wait3A_384 = arith.constant 0 : i32
    %dma_wait3A_385 = tpu.memref_slice %arg5[%add3A_340, %dma_wait3A_384] : memref<8192x1024xf32, #tpu.memory_space<hbm>> -> memref<8x1024xf32, #tpu.memory_space<hbm>>
    %dma_wait3A_386 = arith.constant 0 : i32
    %dma_wait3A_387 = tpu.memref_slice %arg5[%add3A_340, %dma_wait3A_386] : memref<8192x1024xf32, #tpu.memory_space<hbm>> -> memref<8x1024xf32, #tpu.memory_space<hbm>>
    %dma_wait3A_388 = arith.constant 24 : i32
    %dma_wait3A_389 = arith.constant 0 : i32
    %dma_wait3A_390 = tpu.memref_slice %arg12[%dma_wait3A_388, %dma_wait3A_389] : memref<32x1024xf32, #tpu.memory_space<vmem>> -> memref<8x1024xf32, #tpu.memory_space<vmem>>
    tpu.wait_dma2 semaphore(%arg21 : memref<!tpu.dma_semaphore, #tpu.memory_space<semaphore_mem>>) src(%dma_wait3A_390 : memref<8x1024xf32, #tpu.memory_space<vmem>>) dst(%dma_wait3A_387 : memref<8x1024xf32, #tpu.memory_space<hbm>>)
    %dma_start3A_391 = arith.constant 5 : i32
    %dma_start3A_392 = arith.constant 0 : i32
    %dma_start3A_393 = tpu.memref_slice %arg6[%dma_start3A_391, %dma_start3A_392] : memref<8x32xi32, #tpu.memory_space<vmem>> -> memref<1x32xi32, #tpu.memory_space<vmem>>
    %dma_start3A_394 = tpu.memref_squeeze %dma_start3A_393 : memref<1x32xi32, #tpu.memory_space<vmem>> -> memref<32xi32, #tpu.memory_space<vmem>>
    %dma_start3A_395 = arith.constant 0 : i32
    %dma_start3A_396 = arith.constant 0 : i32
    %dma_start3A_397 = tpu.memref_slice %arg3[%dma_start3A_395, %dma_start3A_396] : memref<100000x1024xf32, #tpu.memory_space<hbm>> -> memref<100000x1024xf32, #tpu.memory_space<hbm>>
    tpu.enqueue_indirect_dma source(%dma_start3A_397 : memref<100000x1024xf32, #tpu.memory_space<hbm>>) target(%arg12 : memref<32x1024xf32, #tpu.memory_space<vmem>>) offsets(%dma_start3A_394 : memref<32xi32, #tpu.memory_space<vmem>>) semaphore(%arg18 : memref<!tpu.dma_semaphore, #tpu.memory_space<semaphore_mem>>)
    %mul3A_398 = arith.constant 64 : i32
    %mul3A_399 = arith.muli %add3A, %mul3A_398 : i32
    %add3A_400 = arith.constant 40 : i32
    %add3A_401 = arith.addi %mul3A_399, %add3A_400 : i32
    %dma_start3A_402 = arith.constant 0 : i32
    %dma_start3A_403 = tpu.memref_slice %arg4[%add3A_401, %dma_start3A_402] : memref<2048x1024xf32, #tpu.memory_space<hbm>> -> memref<8x1024xf32, #tpu.memory_space<hbm>>
    %dma_start3A_404 = arith.constant 0 : i32
    %dma_start3A_405 = tpu.memref_slice %arg4[%add3A_401, %dma_start3A_404] : memref<2048x1024xf32, #tpu.memory_space<hbm>> -> memref<8x1024xf32, #tpu.memory_space<hbm>>
    tpu.enqueue_dma source(%dma_start3A_405 : memref<8x1024xf32, #tpu.memory_space<hbm>>) target(%arg9 : memref<8x1024xf32, #tpu.memory_space<vmem>>) target_semaphore(%arg15 : memref<!tpu.dma_semaphore, #tpu.memory_space<semaphore_mem>>)
    %dma_wait3A_406 = arith.constant 3 : i32
    %dma_wait3A_407 = arith.constant 0 : i32
    %dma_wait3A_408 = tpu.memref_slice %arg6[%dma_wait3A_406, %dma_wait3A_407] : memref<8x32xi32, #tpu.memory_space<vmem>> -> memref<1x32xi32, #tpu.memory_space<vmem>>
    %dma_wait3A_409 = tpu.memref_squeeze %dma_wait3A_408 : memref<1x32xi32, #tpu.memory_space<vmem>> -> memref<32xi32, #tpu.memory_space<vmem>>
    %dma_wait3A_410 = arith.constant 0 : i32
    %dma_wait3A_411 = arith.constant 0 : i32
    %dma_wait3A_412 = tpu.memref_slice %arg3[%dma_wait3A_410, %dma_wait3A_411] : memref<100000x1024xf32, #tpu.memory_space<hbm>> -> memref<100000x1024xf32, #tpu.memory_space<hbm>>
    tpu.wait_indirect_dma semaphore(%arg16 : memref<!tpu.dma_semaphore, #tpu.memory_space<semaphore_mem>>) src(%dma_wait3A_412 : memref<100000x1024xf32, #tpu.memory_space<hbm>>) dst(%arg10 : memref<32x1024xf32, #tpu.memory_space<vmem>>)
    %dma_wait3A_413 = arith.constant 0 : i32
    %dma_wait3A_414 = tpu.memref_slice %arg4[%add3A_159, %dma_wait3A_413] : memref<2048x1024xf32, #tpu.memory_space<hbm>> -> memref<8x1024xf32, #tpu.memory_space<hbm>>
    %dma_wait3A_415 = arith.constant 0 : i32
    %dma_wait3A_416 = tpu.memref_slice %arg4[%add3A_159, %dma_wait3A_415] : memref<2048x1024xf32, #tpu.memory_space<hbm>> -> memref<8x1024xf32, #tpu.memory_space<hbm>>
    tpu.wait_dma2 semaphore(%arg13 : memref<!tpu.dma_semaphore, #tpu.memory_space<semaphore_mem>>) src(%dma_wait3A_416 : memref<8x1024xf32, #tpu.memory_space<hbm>>) dst(%arg7 : memref<8x1024xf32, #tpu.memory_space<vmem>>)
    %parallel_loop3A_417 = arith.constant 0 : i32
    %parallel_loop3A_418 = arith.constant 512 : i32
    %parallel_loop3A_419 = arith.constant 1 : i32
    scf.for %parallel_loop3A_966 = %parallel_loop3A_417 to %parallel_loop3A_418 step %parallel_loop3A_419  : i32 {
      %parallel_loop3A_967 = arith.constant 64 : i32
      %parallel_loop3A_968 = arith.divsi %parallel_loop3A_966, %parallel_loop3A_967 : i32
      %parallel_loop3A_969 = arith.constant 0 : i32
      %parallel_loop3A_970 = arith.cmpi sgt, %parallel_loop3A_966, %parallel_loop3A_969 : i32
      %parallel_loop3A_971 = arith.extui %parallel_loop3A_970 : i1 to i32
      %parallel_loop3A_972 = arith.constant 0 : i32
      %parallel_loop3A_973 = arith.cmpi slt, %parallel_loop3A_966, %parallel_loop3A_972 : i32
      %parallel_loop3A_974 = arith.extui %parallel_loop3A_973 : i1 to i32
      %parallel_loop3A_975 = arith.subi %parallel_loop3A_971, %parallel_loop3A_974 : i32
      %parallel_loop3A_976 = arith.constant 0 : i32
      %parallel_loop3A_977 = arith.cmpi sgt, %parallel_loop3A_967, %parallel_loop3A_976 : i32
      %parallel_loop3A_978 = arith.extui %parallel_loop3A_977 : i1 to i32
      %parallel_loop3A_979 = arith.constant 0 : i32
      %parallel_loop3A_980 = arith.cmpi slt, %parallel_loop3A_967, %parallel_loop3A_979 : i32
      %parallel_loop3A_981 = arith.extui %parallel_loop3A_980 : i1 to i32
      %parallel_loop3A_982 = arith.subi %parallel_loop3A_978, %parallel_loop3A_981 : i32
      %parallel_loop3A_983 = arith.cmpi ne, %parallel_loop3A_975, %parallel_loop3A_982 : i32
      %parallel_loop3A_984 = arith.remsi %parallel_loop3A_966, %parallel_loop3A_967 : i32
      %parallel_loop3A_985 = arith.constant 0 : i32
      %parallel_loop3A_986 = arith.cmpi ne, %parallel_loop3A_984, %parallel_loop3A_985 : i32
      %parallel_loop3A_987 = arith.andi %parallel_loop3A_983, %parallel_loop3A_986 : i1
      %parallel_loop3A_988 = arith.constant 1 : i32
      %parallel_loop3A_989 = arith.subi %parallel_loop3A_968, %parallel_loop3A_988 : i32
      %parallel_loop3A_990 = arith.select %parallel_loop3A_987, %parallel_loop3A_989, %parallel_loop3A_968 : i32
      %parallel_loop3A_991 = arith.constant 64 : i32
      %parallel_loop3A_992 = arith.constant 0 : i32
      %parallel_loop3A_993 = arith.cmpi eq, %parallel_loop3A_991, %parallel_loop3A_992 : i32
      %parallel_loop3A_994 = arith.constant 1 : i32
      %parallel_loop3A_995 = arith.select %parallel_loop3A_993, %parallel_loop3A_994, %parallel_loop3A_991 : i32
      %parallel_loop3A_996 = arith.remsi %parallel_loop3A_966, %parallel_loop3A_995 : i32
      %parallel_loop3A_997 = arith.constant 0 : i32
      %parallel_loop3A_998 = arith.cmpi ne, %parallel_loop3A_996, %parallel_loop3A_997 : i32
      %parallel_loop3A_999 = arith.constant 0 : i32
      %parallel_loop3A_1000 = arith.cmpi slt, %parallel_loop3A_996, %parallel_loop3A_999 : i32
      %parallel_loop3A_1001 = arith.constant 0 : i32
      %parallel_loop3A_1002 = arith.cmpi slt, %parallel_loop3A_995, %parallel_loop3A_1001 : i32
      %parallel_loop3A_1003 = arith.xori %parallel_loop3A_1000, %parallel_loop3A_1002 : i1
      %parallel_loop3A_1004 = arith.andi %parallel_loop3A_1003, %parallel_loop3A_998 : i1
      %parallel_loop3A_1005 = arith.addi %parallel_loop3A_996, %parallel_loop3A_995 : i32
      %parallel_loop3A_1006 = arith.select %parallel_loop3A_1004, %parallel_loop3A_1005, %parallel_loop3A_996 : i32
      %parallel_loop3A_1007 = arith.constant 16 : i32
      %parallel_loop3A_1008 = arith.muli %parallel_loop3A_1006, %parallel_loop3A_1007 : i32
      %parallel_loop3A_1009 = arith.index_cast %parallel_loop3A_990 : i32 to index
      %parallel_loop3A_1010 = arith.index_cast %parallel_loop3A_1008 : i32 to index
      %parallel_loop3A_1011 = tpu.vector_load %arg7[%parallel_loop3A_1009, %parallel_loop3A_1010] {strides = array<i32>} : memref<8x1024xf32, #tpu.memory_space<vmem>>, vector<1x16xf32>,
      %parallel_loop3A_1012 = vector.shape_cast %parallel_loop3A_1011 : vector<1x16xf32> to vector<16xf32>
      %parallel_loop3A_1013 = arith.constant 0 : i32
      %parallel_loop3A_1014 = arith.addi %parallel_loop3A_1013, %parallel_loop3A_990 : i32
      %parallel_loop3A_1015 = arith.index_cast %parallel_loop3A_1014 : i32 to index
      %parallel_loop3A_1016 = arith.index_cast %parallel_loop3A_1008 : i32 to index
      %parallel_loop3A_1017 = tpu.vector_load %arg10[%parallel_loop3A_1015, %parallel_loop3A_1016] {strides = array<i32>} : memref<32x1024xf32, #tpu.memory_space<vmem>>, vector<1x16xf32>,
      %parallel_loop3A_1018 = vector.shape_cast %parallel_loop3A_1017 : vector<1x16xf32> to vector<16xf32>
      %parallel_loop3A_1019 = vector.shape_cast %parallel_loop3A_1012 : vector<16xf32> to vector<1x16xf32>
      tpu.vector_store %arg10[%parallel_loop3A_1015, %parallel_loop3A_1016], %parallel_loop3A_1019 {add = true, strides = array<i32>} : memref<32x1024xf32, #tpu.memory_space<vmem>>, vector<1x16xf32>,
      %parallel_loop3A_1020 = arith.constant 8 : i32
      %parallel_loop3A_1021 = arith.addi %parallel_loop3A_1020, %parallel_loop3A_990 : i32
      %parallel_loop3A_1022 = arith.index_cast %parallel_loop3A_1021 : i32 to index
      %parallel_loop3A_1023 = arith.index_cast %parallel_loop3A_1008 : i32 to index
      %parallel_loop3A_1024 = tpu.vector_load %arg10[%parallel_loop3A_1022, %parallel_loop3A_1023] {strides = array<i32>} : memref<32x1024xf32, #tpu.memory_space<vmem>>, vector<1x16xf32>,
      %parallel_loop3A_1025 = vector.shape_cast %parallel_loop3A_1024 : vector<1x16xf32> to vector<16xf32>
      %parallel_loop3A_1026 = vector.shape_cast %parallel_loop3A_1012 : vector<16xf32> to vector<1x16xf32>
      tpu.vector_store %arg10[%parallel_loop3A_1022, %parallel_loop3A_1023], %parallel_loop3A_1026 {add = true, strides = array<i32>} : memref<32x1024xf32, #tpu.memory_space<vmem>>, vector<1x16xf32>,
      %parallel_loop3A_1027 = arith.constant 16 : i32
      %parallel_loop3A_1028 = arith.addi %parallel_loop3A_1027, %parallel_loop3A_990 : i32
      %parallel_loop3A_1029 = arith.index_cast %parallel_loop3A_1028 : i32 to index
      %parallel_loop3A_1030 = arith.index_cast %parallel_loop3A_1008 : i32 to index
      %parallel_loop3A_1031 = tpu.vector_load %arg10[%parallel_loop3A_1029, %parallel_loop3A_1030] {strides = array<i32>} : memref<32x1024xf32, #tpu.memory_space<vmem>>, vector<1x16xf32>,
      %parallel_loop3A_1032 = vector.shape_cast %parallel_loop3A_1031 : vector<1x16xf32> to vector<16xf32>
      %parallel_loop3A_1033 = vector.shape_cast %parallel_loop3A_1012 : vector<16xf32> to vector<1x16xf32>
      tpu.vector_store %arg10[%parallel_loop3A_1029, %parallel_loop3A_1030], %parallel_loop3A_1033 {add = true, strides = array<i32>} : memref<32x1024xf32, #tpu.memory_space<vmem>>, vector<1x16xf32>,
      %parallel_loop3A_1034 = arith.constant 24 : i32
      %parallel_loop3A_1035 = arith.addi %parallel_loop3A_1034, %parallel_loop3A_990 : i32
      %parallel_loop3A_1036 = arith.index_cast %parallel_loop3A_1035 : i32 to index
      %parallel_loop3A_1037 = arith.index_cast %parallel_loop3A_1008 : i32 to index
      %parallel_loop3A_1038 = tpu.vector_load %arg10[%parallel_loop3A_1036, %parallel_loop3A_1037] {strides = array<i32>} : memref<32x1024xf32, #tpu.memory_space<vmem>>, vector<1x16xf32>,
      %parallel_loop3A_1039 = vector.shape_cast %parallel_loop3A_1038 : vector<1x16xf32> to vector<16xf32>
      %parallel_loop3A_1040 = vector.shape_cast %parallel_loop3A_1012 : vector<16xf32> to vector<1x16xf32>
      tpu.vector_store %arg10[%parallel_loop3A_1036, %parallel_loop3A_1037], %parallel_loop3A_1040 {add = true, strides = array<i32>} : memref<32x1024xf32, #tpu.memory_space<vmem>>, vector<1x16xf32>,
    } {sc.loop_unroll_factor = 4 : i64, sc.parallel_access}
    %mul3A_420 = arith.constant 64 : i32
    %mul3A_421 = arith.muli %add3A, %mul3A_420 : i32
    %add3A_422 = arith.constant 24 : i32
    %add3A_423 = arith.addi %mul3A_421, %add3A_422 : i32
    %add3A_424 = arith.constant 0 : i32
    %add3A_425 = arith.addi %add3A_424, %add3A_423 : i32
    %dma_start3A_426 = arith.constant 0 : i32
    %dma_start3A_427 = arith.constant 0 : i32
    %dma_start3A_428 = tpu.memref_slice %arg10[%dma_start3A_426, %dma_start3A_427] : memref<32x1024xf32, #tpu.memory_space<vmem>> -> memref<8x1024xf32, #tpu.memory_space<vmem>>
    %dma_start3A_429 = arith.constant 0 : i32
    %dma_start3A_430 = tpu.memref_slice %arg5[%add3A_425, %dma_start3A_429] : memref<8192x1024xf32, #tpu.memory_space<hbm>> -> memref<8x1024xf32, #tpu.memory_space<hbm>>
    %dma_start3A_431 = arith.constant 0 : i32
    %dma_start3A_432 = tpu.memref_slice %arg5[%add3A_425, %dma_start3A_431] : memref<8192x1024xf32, #tpu.memory_space<hbm>> -> memref<8x1024xf32, #tpu.memory_space<hbm>>
    %dma_start3A_433 = arith.constant 0 : i32
    %dma_start3A_434 = arith.constant 0 : i32
    %dma_start3A_435 = tpu.memref_slice %arg10[%dma_start3A_433, %dma_start3A_434] : memref<32x1024xf32, #tpu.memory_space<vmem>> -> memref<8x1024xf32, #tpu.memory_space<vmem>>
    tpu.enqueue_dma source(%dma_start3A_435 : memref<8x1024xf32, #tpu.memory_space<vmem>>) target(%dma_start3A_432 : memref<8x1024xf32, #tpu.memory_space<hbm>>) target_semaphore(%arg19 : memref<!tpu.dma_semaphore, #tpu.memory_space<semaphore_mem>>)
    %add3A_436 = arith.constant 2048 : i32
    %add3A_437 = arith.addi %add3A_436, %add3A_423 : i32
    %dma_start3A_438 = arith.constant 8 : i32
    %dma_start3A_439 = arith.constant 0 : i32
    %dma_start3A_440 = tpu.memref_slice %arg10[%dma_start3A_438, %dma_start3A_439] : memref<32x1024xf32, #tpu.memory_space<vmem>> -> memref<8x1024xf32, #tpu.memory_space<vmem>>
    %dma_start3A_441 = arith.constant 0 : i32
    %dma_start3A_442 = tpu.memref_slice %arg5[%add3A_437, %dma_start3A_441] : memref<8192x1024xf32, #tpu.memory_space<hbm>> -> memref<8x1024xf32, #tpu.memory_space<hbm>>
    %dma_start3A_443 = arith.constant 0 : i32
    %dma_start3A_444 = tpu.memref_slice %arg5[%add3A_437, %dma_start3A_443] : memref<8192x1024xf32, #tpu.memory_space<hbm>> -> memref<8x1024xf32, #tpu.memory_space<hbm>>
    %dma_start3A_445 = arith.constant 8 : i32
    %dma_start3A_446 = arith.constant 0 : i32
    %dma_start3A_447 = tpu.memref_slice %arg10[%dma_start3A_445, %dma_start3A_446] : memref<32x1024xf32, #tpu.memory_space<vmem>> -> memref<8x1024xf32, #tpu.memory_space<vmem>>
    tpu.enqueue_dma source(%dma_start3A_447 : memref<8x1024xf32, #tpu.memory_space<vmem>>) target(%dma_start3A_444 : memref<8x1024xf32, #tpu.memory_space<hbm>>) target_semaphore(%arg19 : memref<!tpu.dma_semaphore, #tpu.memory_space<semaphore_mem>>)
    %add3A_448 = arith.constant 4096 : i32
    %add3A_449 = arith.addi %add3A_448, %add3A_423 : i32
    %dma_start3A_450 = arith.constant 16 : i32
    %dma_start3A_451 = arith.constant 0 : i32
    %dma_start3A_452 = tpu.memref_slice %arg10[%dma_start3A_450, %dma_start3A_451] : memref<32x1024xf32, #tpu.memory_space<vmem>> -> memref<8x1024xf32, #tpu.memory_space<vmem>>
    %dma_start3A_453 = arith.constant 0 : i32
    %dma_start3A_454 = tpu.memref_slice %arg5[%add3A_449, %dma_start3A_453] : memref<8192x1024xf32, #tpu.memory_space<hbm>> -> memref<8x1024xf32, #tpu.memory_space<hbm>>
    %dma_start3A_455 = arith.constant 0 : i32
    %dma_start3A_456 = tpu.memref_slice %arg5[%add3A_449, %dma_start3A_455] : memref<8192x1024xf32, #tpu.memory_space<hbm>> -> memref<8x1024xf32, #tpu.memory_space<hbm>>
    %dma_start3A_457 = arith.constant 16 : i32
    %dma_start3A_458 = arith.constant 0 : i32
    %dma_start3A_459 = tpu.memref_slice %arg10[%dma_start3A_457, %dma_start3A_458] : memref<32x1024xf32, #tpu.memory_space<vmem>> -> memref<8x1024xf32, #tpu.memory_space<vmem>>
    tpu.enqueue_dma source(%dma_start3A_459 : memref<8x1024xf32, #tpu.memory_space<vmem>>) target(%dma_start3A_456 : memref<8x1024xf32, #tpu.memory_space<hbm>>) target_semaphore(%arg19 : memref<!tpu.dma_semaphore, #tpu.memory_space<semaphore_mem>>)
    %add3A_460 = arith.constant 6144 : i32
    %add3A_461 = arith.addi %add3A_460, %add3A_423 : i32
    %dma_start3A_462 = arith.constant 24 : i32
    %dma_start3A_463 = arith.constant 0 : i32
    %dma_start3A_464 = tpu.memref_slice %arg10[%dma_start3A_462, %dma_start3A_463] : memref<32x1024xf32, #tpu.memory_space<vmem>> -> memref<8x1024xf32, #tpu.memory_space<vmem>>
    %dma_start3A_465 = arith.constant 0 : i32
    %dma_start3A_466 = tpu.memref_slice %arg5[%add3A_461, %dma_start3A_465] : memref<8192x1024xf32, #tpu.memory_space<hbm>> -> memref<8x1024xf32, #tpu.memory_space<hbm>>
    %dma_start3A_467 = arith.constant 0 : i32
    %dma_start3A_468 = tpu.memref_slice %arg5[%add3A_461, %dma_start3A_467] : memref<8192x1024xf32, #tpu.memory_space<hbm>> -> memref<8x1024xf32, #tpu.memory_space<hbm>>
    %dma_start3A_469 = arith.constant 24 : i32
    %dma_start3A_470 = arith.constant 0 : i32
    %dma_start3A_471 = tpu.memref_slice %arg10[%dma_start3A_469, %dma_start3A_470] : memref<32x1024xf32, #tpu.memory_space<vmem>> -> memref<8x1024xf32, #tpu.memory_space<vmem>>
    tpu.enqueue_dma source(%dma_start3A_471 : memref<8x1024xf32, #tpu.memory_space<vmem>>) target(%dma_start3A_468 : memref<8x1024xf32, #tpu.memory_space<hbm>>) target_semaphore(%arg19 : memref<!tpu.dma_semaphore, #tpu.memory_space<semaphore_mem>>)
    %dma_wait3A_472 = arith.constant 0 : i32
    %dma_wait3A_473 = arith.constant 0 : i32
    %dma_wait3A_474 = tpu.memref_slice %arg10[%dma_wait3A_472, %dma_wait3A_473] : memref<32x1024xf32, #tpu.memory_space<vmem>> -> memref<8x1024xf32, #tpu.memory_space<vmem>>
    %dma_wait3A_475 = arith.constant 0 : i32
    %dma_wait3A_476 = tpu.memref_slice %arg5[%add3A_425, %dma_wait3A_475] : memref<8192x1024xf32, #tpu.memory_space<hbm>> -> memref<8x1024xf32, #tpu.memory_space<hbm>>
    %dma_wait3A_477 = arith.constant 0 : i32
    %dma_wait3A_478 = tpu.memref_slice %arg5[%add3A_425, %dma_wait3A_477] : memref<8192x1024xf32, #tpu.memory_space<hbm>> -> memref<8x1024xf32, #tpu.memory_space<hbm>>
    %dma_wait3A_479 = arith.constant 0 : i32
    %dma_wait3A_480 = arith.constant 0 : i32
    %dma_wait3A_481 = tpu.memref_slice %arg10[%dma_wait3A_479, %dma_wait3A_480] : memref<32x1024xf32, #tpu.memory_space<vmem>> -> memref<8x1024xf32, #tpu.memory_space<vmem>>
    tpu.wait_dma2 semaphore(%arg19 : memref<!tpu.dma_semaphore, #tpu.memory_space<semaphore_mem>>) src(%dma_wait3A_481 : memref<8x1024xf32, #tpu.memory_space<vmem>>) dst(%dma_wait3A_478 : memref<8x1024xf32, #tpu.memory_space<hbm>>)
    %dma_wait3A_482 = arith.constant 8 : i32
    %dma_wait3A_483 = arith.constant 0 : i32
    %dma_wait3A_484 = tpu.memref_slice %arg10[%dma_wait3A_482, %dma_wait3A_483] : memref<32x1024xf32, #tpu.memory_space<vmem>> -> memref<8x1024xf32, #tpu.memory_space<vmem>>
    %dma_wait3A_485 = arith.constant 0 : i32
    %dma_wait3A_486 = tpu.memref_slice %arg5[%add3A_437, %dma_wait3A_485] : memref<8192x1024xf32, #tpu.memory_space<hbm>> -> memref<8x1024xf32, #tpu.memory_space<hbm>>
    %dma_wait3A_487 = arith.constant 0 : i32
    %dma_wait3A_488 = tpu.memref_slice %arg5[%add3A_437, %dma_wait3A_487] : memref<8192x1024xf32, #tpu.memory_space<hbm>> -> memref<8x1024xf32, #tpu.memory_space<hbm>>
    %dma_wait3A_489 = arith.constant 8 : i32
    %dma_wait3A_490 = arith.constant 0 : i32
    %dma_wait3A_491 = tpu.memref_slice %arg10[%dma_wait3A_489, %dma_wait3A_490] : memref<32x1024xf32, #tpu.memory_space<vmem>> -> memref<8x1024xf32, #tpu.memory_space<vmem>>
    tpu.wait_dma2 semaphore(%arg19 : memref<!tpu.dma_semaphore, #tpu.memory_space<semaphore_mem>>) src(%dma_wait3A_491 : memref<8x1024xf32, #tpu.memory_space<vmem>>) dst(%dma_wait3A_488 : memref<8x1024xf32, #tpu.memory_space<hbm>>)
    %dma_wait3A_492 = arith.constant 16 : i32
    %dma_wait3A_493 = arith.constant 0 : i32
    %dma_wait3A_494 = tpu.memref_slice %arg10[%dma_wait3A_492, %dma_wait3A_493] : memref<32x1024xf32, #tpu.memory_space<vmem>> -> memref<8x1024xf32, #tpu.memory_space<vmem>>
    %dma_wait3A_495 = arith.constant 0 : i32
    %dma_wait3A_496 = tpu.memref_slice %arg5[%add3A_449, %dma_wait3A_495] : memref<8192x1024xf32, #tpu.memory_space<hbm>> -> memref<8x1024xf32, #tpu.memory_space<hbm>>
    %dma_wait3A_497 = arith.constant 0 : i32
    %dma_wait3A_498 = tpu.memref_slice %arg5[%add3A_449, %dma_wait3A_497] : memref<8192x1024xf32, #tpu.memory_space<hbm>> -> memref<8x1024xf32, #tpu.memory_space<hbm>>
    %dma_wait3A_499 = arith.constant 16 : i32
    %dma_wait3A_500 = arith.constant 0 : i32
    %dma_wait3A_501 = tpu.memref_slice %arg10[%dma_wait3A_499, %dma_wait3A_500] : memref<32x1024xf32, #tpu.memory_space<vmem>> -> memref<8x1024xf32, #tpu.memory_space<vmem>>
    tpu.wait_dma2 semaphore(%arg19 : memref<!tpu.dma_semaphore, #tpu.memory_space<semaphore_mem>>) src(%dma_wait3A_501 : memref<8x1024xf32, #tpu.memory_space<vmem>>) dst(%dma_wait3A_498 : memref<8x1024xf32, #tpu.memory_space<hbm>>)
    %dma_wait3A_502 = arith.constant 24 : i32
    %dma_wait3A_503 = arith.constant 0 : i32
    %dma_wait3A_504 = tpu.memref_slice %arg10[%dma_wait3A_502, %dma_wait3A_503] : memref<32x1024xf32, #tpu.memory_space<vmem>> -> memref<8x1024xf32, #tpu.memory_space<vmem>>
    %dma_wait3A_505 = arith.constant 0 : i32
    %dma_wait3A_506 = tpu.memref_slice %arg5[%add3A_461, %dma_wait3A_505] : memref<8192x1024xf32, #tpu.memory_space<hbm>> -> memref<8x1024xf32, #tpu.memory_space<hbm>>
    %dma_wait3A_507 = arith.constant 0 : i32
    %dma_wait3A_508 = tpu.memref_slice %arg5[%add3A_461, %dma_wait3A_507] : memref<8192x1024xf32, #tpu.memory_space<hbm>> -> memref<8x1024xf32, #tpu.memory_space<hbm>>
    %dma_wait3A_509 = arith.constant 24 : i32
    %dma_wait3A_510 = arith.constant 0 : i32
    %dma_wait3A_511 = tpu.memref_slice %arg10[%dma_wait3A_509, %dma_wait3A_510] : memref<32x1024xf32, #tpu.memory_space<vmem>> -> memref<8x1024xf32, #tpu.memory_space<vmem>>
    tpu.wait_dma2 semaphore(%arg19 : memref<!tpu.dma_semaphore, #tpu.memory_space<semaphore_mem>>) src(%dma_wait3A_511 : memref<8x1024xf32, #tpu.memory_space<vmem>>) dst(%dma_wait3A_508 : memref<8x1024xf32, #tpu.memory_space<hbm>>)
    %dma_start3A_512 = arith.constant 6 : i32
    %dma_start3A_513 = arith.constant 0 : i32
    %dma_start3A_514 = tpu.memref_slice %arg6[%dma_start3A_512, %dma_start3A_513] : memref<8x32xi32, #tpu.memory_space<vmem>> -> memref<1x32xi32, #tpu.memory_space<vmem>>
    %dma_start3A_515 = tpu.memref_squeeze %dma_start3A_514 : memref<1x32xi32, #tpu.memory_space<vmem>> -> memref<32xi32, #tpu.memory_space<vmem>>
    %dma_start3A_516 = arith.constant 0 : i32
    %dma_start3A_517 = arith.constant 0 : i32
    %dma_start3A_518 = tpu.memref_slice %arg3[%dma_start3A_516, %dma_start3A_517] : memref<100000x1024xf32, #tpu.memory_space<hbm>> -> memref<100000x1024xf32, #tpu.memory_space<hbm>>
    tpu.enqueue_indirect_dma source(%dma_start3A_518 : memref<100000x1024xf32, #tpu.memory_space<hbm>>) target(%arg10 : memref<32x1024xf32, #tpu.memory_space<vmem>>) offsets(%dma_start3A_515 : memref<32xi32, #tpu.memory_space<vmem>>) semaphore(%arg16 : memref<!tpu.dma_semaphore, #tpu.memory_space<semaphore_mem>>)
    %mul3A_519 = arith.constant 64 : i32
    %mul3A_520 = arith.muli %add3A, %mul3A_519 : i32
    %add3A_521 = arith.constant 48 : i32
    %add3A_522 = arith.addi %mul3A_520, %add3A_521 : i32
    %dma_start3A_523 = arith.constant 0 : i32
    %dma_start3A_524 = tpu.memref_slice %arg4[%add3A_522, %dma_start3A_523] : memref<2048x1024xf32, #tpu.memory_space<hbm>> -> memref<8x1024xf32, #tpu.memory_space<hbm>>
    %dma_start3A_525 = arith.constant 0 : i32
    %dma_start3A_526 = tpu.memref_slice %arg4[%add3A_522, %dma_start3A_525] : memref<2048x1024xf32, #tpu.memory_space<hbm>> -> memref<8x1024xf32, #tpu.memory_space<hbm>>
    tpu.enqueue_dma source(%dma_start3A_526 : memref<8x1024xf32, #tpu.memory_space<hbm>>) target(%arg7 : memref<8x1024xf32, #tpu.memory_space<vmem>>) target_semaphore(%arg13 : memref<!tpu.dma_semaphore, #tpu.memory_space<semaphore_mem>>)
    %dma_wait3A_527 = arith.constant 4 : i32
    %dma_wait3A_528 = arith.constant 0 : i32
    %dma_wait3A_529 = tpu.memref_slice %arg6[%dma_wait3A_527, %dma_wait3A_528] : memref<8x32xi32, #tpu.memory_space<vmem>> -> memref<1x32xi32, #tpu.memory_space<vmem>>
    %dma_wait3A_530 = tpu.memref_squeeze %dma_wait3A_529 : memref<1x32xi32, #tpu.memory_space<vmem>> -> memref<32xi32, #tpu.memory_space<vmem>>
    %dma_wait3A_531 = arith.constant 0 : i32
    %dma_wait3A_532 = arith.constant 0 : i32
    %dma_wait3A_533 = tpu.memref_slice %arg3[%dma_wait3A_531, %dma_wait3A_532] : memref<100000x1024xf32, #tpu.memory_space<hbm>> -> memref<100000x1024xf32, #tpu.memory_space<hbm>>
    tpu.wait_indirect_dma semaphore(%arg17 : memref<!tpu.dma_semaphore, #tpu.memory_space<semaphore_mem>>) src(%dma_wait3A_533 : memref<100000x1024xf32, #tpu.memory_space<hbm>>) dst(%arg11 : memref<32x1024xf32, #tpu.memory_space<vmem>>)
    %dma_wait3A_534 = arith.constant 0 : i32
    %dma_wait3A_535 = tpu.memref_slice %arg4[%add3A_280, %dma_wait3A_534] : memref<2048x1024xf32, #tpu.memory_space<hbm>> -> memref<8x1024xf32, #tpu.memory_space<hbm>>
    %dma_wait3A_536 = arith.constant 0 : i32
    %dma_wait3A_537 = tpu.memref_slice %arg4[%add3A_280, %dma_wait3A_536] : memref<2048x1024xf32, #tpu.memory_space<hbm>> -> memref<8x1024xf32, #tpu.memory_space<hbm>>
    tpu.wait_dma2 semaphore(%arg14 : memref<!tpu.dma_semaphore, #tpu.memory_space<semaphore_mem>>) src(%dma_wait3A_537 : memref<8x1024xf32, #tpu.memory_space<hbm>>) dst(%arg8 : memref<8x1024xf32, #tpu.memory_space<vmem>>)
    %parallel_loop3A_538 = arith.constant 0 : i32
    %parallel_loop3A_539 = arith.constant 512 : i32
    %parallel_loop3A_540 = arith.constant 1 : i32
    scf.for %parallel_loop3A_966 = %parallel_loop3A_538 to %parallel_loop3A_539 step %parallel_loop3A_540  : i32 {
      %parallel_loop3A_967 = arith.constant 64 : i32
      %parallel_loop3A_968 = arith.divsi %parallel_loop3A_966, %parallel_loop3A_967 : i32
      %parallel_loop3A_969 = arith.constant 0 : i32
      %parallel_loop3A_970 = arith.cmpi sgt, %parallel_loop3A_966, %parallel_loop3A_969 : i32
      %parallel_loop3A_971 = arith.extui %parallel_loop3A_970 : i1 to i32
      %parallel_loop3A_972 = arith.constant 0 : i32
      %parallel_loop3A_973 = arith.cmpi slt, %parallel_loop3A_966, %parallel_loop3A_972 : i32
      %parallel_loop3A_974 = arith.extui %parallel_loop3A_973 : i1 to i32
      %parallel_loop3A_975 = arith.subi %parallel_loop3A_971, %parallel_loop3A_974 : i32
      %parallel_loop3A_976 = arith.constant 0 : i32
      %parallel_loop3A_977 = arith.cmpi sgt, %parallel_loop3A_967, %parallel_loop3A_976 : i32
      %parallel_loop3A_978 = arith.extui %parallel_loop3A_977 : i1 to i32
      %parallel_loop3A_979 = arith.constant 0 : i32
      %parallel_loop3A_980 = arith.cmpi slt, %parallel_loop3A_967, %parallel_loop3A_979 : i32
      %parallel_loop3A_981 = arith.extui %parallel_loop3A_980 : i1 to i32
      %parallel_loop3A_982 = arith.subi %parallel_loop3A_978, %parallel_loop3A_981 : i32
      %parallel_loop3A_983 = arith.cmpi ne, %parallel_loop3A_975, %parallel_loop3A_982 : i32
      %parallel_loop3A_984 = arith.remsi %parallel_loop3A_966, %parallel_loop3A_967 : i32
      %parallel_loop3A_985 = arith.constant 0 : i32
      %parallel_loop3A_986 = arith.cmpi ne, %parallel_loop3A_984, %parallel_loop3A_985 : i32
      %parallel_loop3A_987 = arith.andi %parallel_loop3A_983, %parallel_loop3A_986 : i1
      %parallel_loop3A_988 = arith.constant 1 : i32
      %parallel_loop3A_989 = arith.subi %parallel_loop3A_968, %parallel_loop3A_988 : i32
      %parallel_loop3A_990 = arith.select %parallel_loop3A_987, %parallel_loop3A_989, %parallel_loop3A_968 : i32
      %parallel_loop3A_991 = arith.constant 64 : i32
      %parallel_loop3A_992 = arith.constant 0 : i32
      %parallel_loop3A_993 = arith.cmpi eq, %parallel_loop3A_991, %parallel_loop3A_992 : i32
      %parallel_loop3A_994 = arith.constant 1 : i32
      %parallel_loop3A_995 = arith.select %parallel_loop3A_993, %parallel_loop3A_994, %parallel_loop3A_991 : i32
      %parallel_loop3A_996 = arith.remsi %parallel_loop3A_966, %parallel_loop3A_995 : i32
      %parallel_loop3A_997 = arith.constant 0 : i32
      %parallel_loop3A_998 = arith.cmpi ne, %parallel_loop3A_996, %parallel_loop3A_997 : i32
      %parallel_loop3A_999 = arith.constant 0 : i32
      %parallel_loop3A_1000 = arith.cmpi slt, %parallel_loop3A_996, %parallel_loop3A_999 : i32
      %parallel_loop3A_1001 = arith.constant 0 : i32
      %parallel_loop3A_1002 = arith.cmpi slt, %parallel_loop3A_995, %parallel_loop3A_1001 : i32
      %parallel_loop3A_1003 = arith.xori %parallel_loop3A_1000, %parallel_loop3A_1002 : i1
      %parallel_loop3A_1004 = arith.andi %parallel_loop3A_1003, %parallel_loop3A_998 : i1
      %parallel_loop3A_1005 = arith.addi %parallel_loop3A_996, %parallel_loop3A_995 : i32
      %parallel_loop3A_1006 = arith.select %parallel_loop3A_1004, %parallel_loop3A_1005, %parallel_loop3A_996 : i32
      %parallel_loop3A_1007 = arith.constant 16 : i32
      %parallel_loop3A_1008 = arith.muli %parallel_loop3A_1006, %parallel_loop3A_1007 : i32
      %parallel_loop3A_1009 = arith.index_cast %parallel_loop3A_990 : i32 to index
      %parallel_loop3A_1010 = arith.index_cast %parallel_loop3A_1008 : i32 to index
      %parallel_loop3A_1011 = tpu.vector_load %arg8[%parallel_loop3A_1009, %parallel_loop3A_1010] {strides = array<i32>} : memref<8x1024xf32, #tpu.memory_space<vmem>>, vector<1x16xf32>,
      %parallel_loop3A_1012 = vector.shape_cast %parallel_loop3A_1011 : vector<1x16xf32> to vector<16xf32>
      %parallel_loop3A_1013 = arith.constant 0 : i32
      %parallel_loop3A_1014 = arith.addi %parallel_loop3A_1013, %parallel_loop3A_990 : i32
      %parallel_loop3A_1015 = arith.index_cast %parallel_loop3A_1014 : i32 to index
      %parallel_loop3A_1016 = arith.index_cast %parallel_loop3A_1008 : i32 to index
      %parallel_loop3A_1017 = tpu.vector_load %arg11[%parallel_loop3A_1015, %parallel_loop3A_1016] {strides = array<i32>} : memref<32x1024xf32, #tpu.memory_space<vmem>>, vector<1x16xf32>,
      %parallel_loop3A_1018 = vector.shape_cast %parallel_loop3A_1017 : vector<1x16xf32> to vector<16xf32>
      %parallel_loop3A_1019 = vector.shape_cast %parallel_loop3A_1012 : vector<16xf32> to vector<1x16xf32>
      tpu.vector_store %arg11[%parallel_loop3A_1015, %parallel_loop3A_1016], %parallel_loop3A_1019 {add = true, strides = array<i32>} : memref<32x1024xf32, #tpu.memory_space<vmem>>, vector<1x16xf32>,
      %parallel_loop3A_1020 = arith.constant 8 : i32
      %parallel_loop3A_1021 = arith.addi %parallel_loop3A_1020, %parallel_loop3A_990 : i32
      %parallel_loop3A_1022 = arith.index_cast %parallel_loop3A_1021 : i32 to index
      %parallel_loop3A_1023 = arith.index_cast %parallel_loop3A_1008 : i32 to index
      %parallel_loop3A_1024 = tpu.vector_load %arg11[%parallel_loop3A_1022, %parallel_loop3A_1023] {strides = array<i32>} : memref<32x1024xf32, #tpu.memory_space<vmem>>, vector<1x16xf32>,
      %parallel_loop3A_1025 = vector.shape_cast %parallel_loop3A_1024 : vector<1x16xf32> to vector<16xf32>
      %parallel_loop3A_1026 = vector.shape_cast %parallel_loop3A_1012 : vector<16xf32> to vector<1x16xf32>
      tpu.vector_store %arg11[%parallel_loop3A_1022, %parallel_loop3A_1023], %parallel_loop3A_1026 {add = true, strides = array<i32>} : memref<32x1024xf32, #tpu.memory_space<vmem>>, vector<1x16xf32>,
      %parallel_loop3A_1027 = arith.constant 16 : i32
      %parallel_loop3A_1028 = arith.addi %parallel_loop3A_1027, %parallel_loop3A_990 : i32
      %parallel_loop3A_1029 = arith.index_cast %parallel_loop3A_1028 : i32 to index
      %parallel_loop3A_1030 = arith.index_cast %parallel_loop3A_1008 : i32 to index
      %parallel_loop3A_1031 = tpu.vector_load %arg11[%parallel_loop3A_1029, %parallel_loop3A_1030] {strides = array<i32>} : memref<32x1024xf32, #tpu.memory_space<vmem>>, vector<1x16xf32>,
      %parallel_loop3A_1032 = vector.shape_cast %parallel_loop3A_1031 : vector<1x16xf32> to vector<16xf32>
      %parallel_loop3A_1033 = vector.shape_cast %parallel_loop3A_1012 : vector<16xf32> to vector<1x16xf32>
      tpu.vector_store %arg11[%parallel_loop3A_1029, %parallel_loop3A_1030], %parallel_loop3A_1033 {add = true, strides = array<i32>} : memref<32x1024xf32, #tpu.memory_space<vmem>>, vector<1x16xf32>,
      %parallel_loop3A_1034 = arith.constant 24 : i32
      %parallel_loop3A_1035 = arith.addi %parallel_loop3A_1034, %parallel_loop3A_990 : i32
      %parallel_loop3A_1036 = arith.index_cast %parallel_loop3A_1035 : i32 to index
      %parallel_loop3A_1037 = arith.index_cast %parallel_loop3A_1008 : i32 to index
      %parallel_loop3A_1038 = tpu.vector_load %arg11[%parallel_loop3A_1036, %parallel_loop3A_1037] {strides = array<i32>} : memref<32x1024xf32, #tpu.memory_space<vmem>>, vector<1x16xf32>,
      %parallel_loop3A_1039 = vector.shape_cast %parallel_loop3A_1038 : vector<1x16xf32> to vector<16xf32>
      %parallel_loop3A_1040 = vector.shape_cast %parallel_loop3A_1012 : vector<16xf32> to vector<1x16xf32>
      tpu.vector_store %arg11[%parallel_loop3A_1036, %parallel_loop3A_1037], %parallel_loop3A_1040 {add = true, strides = array<i32>} : memref<32x1024xf32, #tpu.memory_space<vmem>>, vector<1x16xf32>,
    } {sc.loop_unroll_factor = 4 : i64, sc.parallel_access}
    %mul3A_541 = arith.constant 64 : i32
    %mul3A_542 = arith.muli %add3A, %mul3A_541 : i32
    %add3A_543 = arith.constant 32 : i32
    %add3A_544 = arith.addi %mul3A_542, %add3A_543 : i32
    %add3A_545 = arith.constant 0 : i32
    %add3A_546 = arith.addi %add3A_545, %add3A_544 : i32
    %dma_start3A_547 = arith.constant 0 : i32
    %dma_start3A_548 = arith.constant 0 : i32
    %dma_start3A_549 = tpu.memref_slice %arg11[%dma_start3A_547, %dma_start3A_548] : memref<32x1024xf32, #tpu.memory_space<vmem>> -> memref<8x1024xf32, #tpu.memory_space<vmem>>
    %dma_start3A_550 = arith.constant 0 : i32
    %dma_start3A_551 = tpu.memref_slice %arg5[%add3A_546, %dma_start3A_550] : memref<8192x1024xf32, #tpu.memory_space<hbm>> -> memref<8x1024xf32, #tpu.memory_space<hbm>>
    %dma_start3A_552 = arith.constant 0 : i32
    %dma_start3A_553 = tpu.memref_slice %arg5[%add3A_546, %dma_start3A_552] : memref<8192x1024xf32, #tpu.memory_space<hbm>> -> memref<8x1024xf32, #tpu.memory_space<hbm>>
    %dma_start3A_554 = arith.constant 0 : i32
    %dma_start3A_555 = arith.constant 0 : i32
    %dma_start3A_556 = tpu.memref_slice %arg11[%dma_start3A_554, %dma_start3A_555] : memref<32x1024xf32, #tpu.memory_space<vmem>> -> memref<8x1024xf32, #tpu.memory_space<vmem>>
    tpu.enqueue_dma source(%dma_start3A_556 : memref<8x1024xf32, #tpu.memory_space<vmem>>) target(%dma_start3A_553 : memref<8x1024xf32, #tpu.memory_space<hbm>>) target_semaphore(%arg20 : memref<!tpu.dma_semaphore, #tpu.memory_space<semaphore_mem>>)
    %add3A_557 = arith.constant 2048 : i32
    %add3A_558 = arith.addi %add3A_557, %add3A_544 : i32
    %dma_start3A_559 = arith.constant 8 : i32
    %dma_start3A_560 = arith.constant 0 : i32
    %dma_start3A_561 = tpu.memref_slice %arg11[%dma_start3A_559, %dma_start3A_560] : memref<32x1024xf32, #tpu.memory_space<vmem>> -> memref<8x1024xf32, #tpu.memory_space<vmem>>
    %dma_start3A_562 = arith.constant 0 : i32
    %dma_start3A_563 = tpu.memref_slice %arg5[%add3A_558, %dma_start3A_562] : memref<8192x1024xf32, #tpu.memory_space<hbm>> -> memref<8x1024xf32, #tpu.memory_space<hbm>>
    %dma_start3A_564 = arith.constant 0 : i32
    %dma_start3A_565 = tpu.memref_slice %arg5[%add3A_558, %dma_start3A_564] : memref<8192x1024xf32, #tpu.memory_space<hbm>> -> memref<8x1024xf32, #tpu.memory_space<hbm>>
    %dma_start3A_566 = arith.constant 8 : i32
    %dma_start3A_567 = arith.constant 0 : i32
    %dma_start3A_568 = tpu.memref_slice %arg11[%dma_start3A_566, %dma_start3A_567] : memref<32x1024xf32, #tpu.memory_space<vmem>> -> memref<8x1024xf32, #tpu.memory_space<vmem>>
    tpu.enqueue_dma source(%dma_start3A_568 : memref<8x1024xf32, #tpu.memory_space<vmem>>) target(%dma_start3A_565 : memref<8x1024xf32, #tpu.memory_space<hbm>>) target_semaphore(%arg20 : memref<!tpu.dma_semaphore, #tpu.memory_space<semaphore_mem>>)
    %add3A_569 = arith.constant 4096 : i32
    %add3A_570 = arith.addi %add3A_569, %add3A_544 : i32
    %dma_start3A_571 = arith.constant 16 : i32
    %dma_start3A_572 = arith.constant 0 : i32
    %dma_start3A_573 = tpu.memref_slice %arg11[%dma_start3A_571, %dma_start3A_572] : memref<32x1024xf32, #tpu.memory_space<vmem>> -> memref<8x1024xf32, #tpu.memory_space<vmem>>
    %dma_start3A_574 = arith.constant 0 : i32
    %dma_start3A_575 = tpu.memref_slice %arg5[%add3A_570, %dma_start3A_574] : memref<8192x1024xf32, #tpu.memory_space<hbm>> -> memref<8x1024xf32, #tpu.memory_space<hbm>>
    %dma_start3A_576 = arith.constant 0 : i32
    %dma_start3A_577 = tpu.memref_slice %arg5[%add3A_570, %dma_start3A_576] : memref<8192x1024xf32, #tpu.memory_space<hbm>> -> memref<8x1024xf32, #tpu.memory_space<hbm>>
    %dma_start3A_578 = arith.constant 16 : i32
    %dma_start3A_579 = arith.constant 0 : i32
    %dma_start3A_580 = tpu.memref_slice %arg11[%dma_start3A_578, %dma_start3A_579] : memref<32x1024xf32, #tpu.memory_space<vmem>> -> memref<8x1024xf32, #tpu.memory_space<vmem>>
    tpu.enqueue_dma source(%dma_start3A_580 : memref<8x1024xf32, #tpu.memory_space<vmem>>) target(%dma_start3A_577 : memref<8x1024xf32, #tpu.memory_space<hbm>>) target_semaphore(%arg20 : memref<!tpu.dma_semaphore, #tpu.memory_space<semaphore_mem>>)
    %add3A_581 = arith.constant 6144 : i32
    %add3A_582 = arith.addi %add3A_581, %add3A_544 : i32
    %dma_start3A_583 = arith.constant 24 : i32
    %dma_start3A_584 = arith.constant 0 : i32
    %dma_start3A_585 = tpu.memref_slice %arg11[%dma_start3A_583, %dma_start3A_584] : memref<32x1024xf32, #tpu.memory_space<vmem>> -> memref<8x1024xf32, #tpu.memory_space<vmem>>
    %dma_start3A_586 = arith.constant 0 : i32
    %dma_start3A_587 = tpu.memref_slice %arg5[%add3A_582, %dma_start3A_586] : memref<8192x1024xf32, #tpu.memory_space<hbm>> -> memref<8x1024xf32, #tpu.memory_space<hbm>>
    %dma_start3A_588 = arith.constant 0 : i32
    %dma_start3A_589 = tpu.memref_slice %arg5[%add3A_582, %dma_start3A_588] : memref<8192x1024xf32, #tpu.memory_space<hbm>> -> memref<8x1024xf32, #tpu.memory_space<hbm>>
    %dma_start3A_590 = arith.constant 24 : i32
    %dma_start3A_591 = arith.constant 0 : i32
    %dma_start3A_592 = tpu.memref_slice %arg11[%dma_start3A_590, %dma_start3A_591] : memref<32x1024xf32, #tpu.memory_space<vmem>> -> memref<8x1024xf32, #tpu.memory_space<vmem>>
    tpu.enqueue_dma source(%dma_start3A_592 : memref<8x1024xf32, #tpu.memory_space<vmem>>) target(%dma_start3A_589 : memref<8x1024xf32, #tpu.memory_space<hbm>>) target_semaphore(%arg20 : memref<!tpu.dma_semaphore, #tpu.memory_space<semaphore_mem>>)
    %dma_wait3A_593 = arith.constant 0 : i32
    %dma_wait3A_594 = arith.constant 0 : i32
    %dma_wait3A_595 = tpu.memref_slice %arg11[%dma_wait3A_593, %dma_wait3A_594] : memref<32x1024xf32, #tpu.memory_space<vmem>> -> memref<8x1024xf32, #tpu.memory_space<vmem>>
    %dma_wait3A_596 = arith.constant 0 : i32
    %dma_wait3A_597 = tpu.memref_slice %arg5[%add3A_546, %dma_wait3A_596] : memref<8192x1024xf32, #tpu.memory_space<hbm>> -> memref<8x1024xf32, #tpu.memory_space<hbm>>
    %dma_wait3A_598 = arith.constant 0 : i32
    %dma_wait3A_599 = tpu.memref_slice %arg5[%add3A_546, %dma_wait3A_598] : memref<8192x1024xf32, #tpu.memory_space<hbm>> -> memref<8x1024xf32, #tpu.memory_space<hbm>>
    %dma_wait3A_600 = arith.constant 0 : i32
    %dma_wait3A_601 = arith.constant 0 : i32
    %dma_wait3A_602 = tpu.memref_slice %arg11[%dma_wait3A_600, %dma_wait3A_601] : memref<32x1024xf32, #tpu.memory_space<vmem>> -> memref<8x1024xf32, #tpu.memory_space<vmem>>
    tpu.wait_dma2 semaphore(%arg20 : memref<!tpu.dma_semaphore, #tpu.memory_space<semaphore_mem>>) src(%dma_wait3A_602 : memref<8x1024xf32, #tpu.memory_space<vmem>>) dst(%dma_wait3A_599 : memref<8x1024xf32, #tpu.memory_space<hbm>>)
    %dma_wait3A_603 = arith.constant 8 : i32
    %dma_wait3A_604 = arith.constant 0 : i32
    %dma_wait3A_605 = tpu.memref_slice %arg11[%dma_wait3A_603, %dma_wait3A_604] : memref<32x1024xf32, #tpu.memory_space<vmem>> -> memref<8x1024xf32, #tpu.memory_space<vmem>>
    %dma_wait3A_606 = arith.constant 0 : i32
    %dma_wait3A_607 = tpu.memref_slice %arg5[%add3A_558, %dma_wait3A_606] : memref<8192x1024xf32, #tpu.memory_space<hbm>> -> memref<8x1024xf32, #tpu.memory_space<hbm>>
    %dma_wait3A_608 = arith.constant 0 : i32
    %dma_wait3A_609 = tpu.memref_slice %arg5[%add3A_558, %dma_wait3A_608] : memref<8192x1024xf32, #tpu.memory_space<hbm>> -> memref<8x1024xf32, #tpu.memory_space<hbm>>
    %dma_wait3A_610 = arith.constant 8 : i32
    %dma_wait3A_611 = arith.constant 0 : i32
    %dma_wait3A_612 = tpu.memref_slice %arg11[%dma_wait3A_610, %dma_wait3A_611] : memref<32x1024xf32, #tpu.memory_space<vmem>> -> memref<8x1024xf32, #tpu.memory_space<vmem>>
    tpu.wait_dma2 semaphore(%arg20 : memref<!tpu.dma_semaphore, #tpu.memory_space<semaphore_mem>>) src(%dma_wait3A_612 : memref<8x1024xf32, #tpu.memory_space<vmem>>) dst(%dma_wait3A_609 : memref<8x1024xf32, #tpu.memory_space<hbm>>)
    %dma_wait3A_613 = arith.constant 16 : i32
    %dma_wait3A_614 = arith.constant 0 : i32
    %dma_wait3A_615 = tpu.memref_slice %arg11[%dma_wait3A_613, %dma_wait3A_614] : memref<32x1024xf32, #tpu.memory_space<vmem>> -> memref<8x1024xf32, #tpu.memory_space<vmem>>
    %dma_wait3A_616 = arith.constant 0 : i32
    %dma_wait3A_617 = tpu.memref_slice %arg5[%add3A_570, %dma_wait3A_616] : memref<8192x1024xf32, #tpu.memory_space<hbm>> -> memref<8x1024xf32, #tpu.memory_space<hbm>>
    %dma_wait3A_618 = arith.constant 0 : i32
    %dma_wait3A_619 = tpu.memref_slice %arg5[%add3A_570, %dma_wait3A_618] : memref<8192x1024xf32, #tpu.memory_space<hbm>> -> memref<8x1024xf32, #tpu.memory_space<hbm>>
    %dma_wait3A_620 = arith.constant 16 : i32
    %dma_wait3A_621 = arith.constant 0 : i32
    %dma_wait3A_622 = tpu.memref_slice %arg11[%dma_wait3A_620, %dma_wait3A_621] : memref<32x1024xf32, #tpu.memory_space<vmem>> -> memref<8x1024xf32, #tpu.memory_space<vmem>>
    tpu.wait_dma2 semaphore(%arg20 : memref<!tpu.dma_semaphore, #tpu.memory_space<semaphore_mem>>) src(%dma_wait3A_622 : memref<8x1024xf32, #tpu.memory_space<vmem>>) dst(%dma_wait3A_619 : memref<8x1024xf32, #tpu.memory_space<hbm>>)
    %dma_wait3A_623 = arith.constant 24 : i32
    %dma_wait3A_624 = arith.constant 0 : i32
    %dma_wait3A_625 = tpu.memref_slice %arg11[%dma_wait3A_623, %dma_wait3A_624] : memref<32x1024xf32, #tpu.memory_space<vmem>> -> memref<8x1024xf32, #tpu.memory_space<vmem>>
    %dma_wait3A_626 = arith.constant 0 : i32
    %dma_wait3A_627 = tpu.memref_slice %arg5[%add3A_582, %dma_wait3A_626] : memref<8192x1024xf32, #tpu.memory_space<hbm>> -> memref<8x1024xf32, #tpu.memory_space<hbm>>
    %dma_wait3A_628 = arith.constant 0 : i32
    %dma_wait3A_629 = tpu.memref_slice %arg5[%add3A_582, %dma_wait3A_628] : memref<8192x1024xf32, #tpu.memory_space<hbm>> -> memref<8x1024xf32, #tpu.memory_space<hbm>>
    %dma_wait3A_630 = arith.constant 24 : i32
    %dma_wait3A_631 = arith.constant 0 : i32
    %dma_wait3A_632 = tpu.memref_slice %arg11[%dma_wait3A_630, %dma_wait3A_631] : memref<32x1024xf32, #tpu.memory_space<vmem>> -> memref<8x1024xf32, #tpu.memory_space<vmem>>
    tpu.wait_dma2 semaphore(%arg20 : memref<!tpu.dma_semaphore, #tpu.memory_space<semaphore_mem>>) src(%dma_wait3A_632 : memref<8x1024xf32, #tpu.memory_space<vmem>>) dst(%dma_wait3A_629 : memref<8x1024xf32, #tpu.memory_space<hbm>>)
    %dma_start3A_633 = arith.constant 7 : i32
    %dma_start3A_634 = arith.constant 0 : i32
    %dma_start3A_635 = tpu.memref_slice %arg6[%dma_start3A_633, %dma_start3A_634] : memref<8x32xi32, #tpu.memory_space<vmem>> -> memref<1x32xi32, #tpu.memory_space<vmem>>
    %dma_start3A_636 = tpu.memref_squeeze %dma_start3A_635 : memref<1x32xi32, #tpu.memory_space<vmem>> -> memref<32xi32, #tpu.memory_space<vmem>>
    %dma_start3A_637 = arith.constant 0 : i32
    %dma_start3A_638 = arith.constant 0 : i32
    %dma_start3A_639 = tpu.memref_slice %arg3[%dma_start3A_637, %dma_start3A_638] : memref<100000x1024xf32, #tpu.memory_space<hbm>> -> memref<100000x1024xf32, #tpu.memory_space<hbm>>
    tpu.enqueue_indirect_dma source(%dma_start3A_639 : memref<100000x1024xf32, #tpu.memory_space<hbm>>) target(%arg11 : memref<32x1024xf32, #tpu.memory_space<vmem>>) offsets(%dma_start3A_636 : memref<32xi32, #tpu.memory_space<vmem>>) semaphore(%arg17 : memref<!tpu.dma_semaphore, #tpu.memory_space<semaphore_mem>>)
    %mul3A_640 = arith.constant 64 : i32
    %mul3A_641 = arith.muli %add3A, %mul3A_640 : i32
    %add3A_642 = arith.constant 56 : i32
    %add3A_643 = arith.addi %mul3A_641, %add3A_642 : i32
    %dma_start3A_644 = arith.constant 0 : i32
    %dma_start3A_645 = tpu.memref_slice %arg4[%add3A_643, %dma_start3A_644] : memref<2048x1024xf32, #tpu.memory_space<hbm>> -> memref<8x1024xf32, #tpu.memory_space<hbm>>
    %dma_start3A_646 = arith.constant 0 : i32
    %dma_start3A_647 = tpu.memref_slice %arg4[%add3A_643, %dma_start3A_646] : memref<2048x1024xf32, #tpu.memory_space<hbm>> -> memref<8x1024xf32, #tpu.memory_space<hbm>>
    tpu.enqueue_dma source(%dma_start3A_647 : memref<8x1024xf32, #tpu.memory_space<hbm>>) target(%arg8 : memref<8x1024xf32, #tpu.memory_space<vmem>>) target_semaphore(%arg14 : memref<!tpu.dma_semaphore, #tpu.memory_space<semaphore_mem>>)
    %dma_wait3A_648 = arith.constant 5 : i32
    %dma_wait3A_649 = arith.constant 0 : i32
    %dma_wait3A_650 = tpu.memref_slice %arg6[%dma_wait3A_648, %dma_wait3A_649] : memref<8x32xi32, #tpu.memory_space<vmem>> -> memref<1x32xi32, #tpu.memory_space<vmem>>
    %dma_wait3A_651 = tpu.memref_squeeze %dma_wait3A_650 : memref<1x32xi32, #tpu.memory_space<vmem>> -> memref<32xi32, #tpu.memory_space<vmem>>
    %dma_wait3A_652 = arith.constant 0 : i32
    %dma_wait3A_653 = arith.constant 0 : i32
    %dma_wait3A_654 = tpu.memref_slice %arg3[%dma_wait3A_652, %dma_wait3A_653] : memref<100000x1024xf32, #tpu.memory_space<hbm>> -> memref<100000x1024xf32, #tpu.memory_space<hbm>>
    tpu.wait_indirect_dma semaphore(%arg18 : memref<!tpu.dma_semaphore, #tpu.memory_space<semaphore_mem>>) src(%dma_wait3A_654 : memref<100000x1024xf32, #tpu.memory_space<hbm>>) dst(%arg12 : memref<32x1024xf32, #tpu.memory_space<vmem>>)
    %dma_wait3A_655 = arith.constant 0 : i32
    %dma_wait3A_656 = tpu.memref_slice %arg4[%add3A_401, %dma_wait3A_655] : memref<2048x1024xf32, #tpu.memory_space<hbm>> -> memref<8x1024xf32, #tpu.memory_space<hbm>>
    %dma_wait3A_657 = arith.constant 0 : i32
    %dma_wait3A_658 = tpu.memref_slice %arg4[%add3A_401, %dma_wait3A_657] : memref<2048x1024xf32, #tpu.memory_space<hbm>> -> memref<8x1024xf32, #tpu.memory_space<hbm>>
    tpu.wait_dma2 semaphore(%arg15 : memref<!tpu.dma_semaphore, #tpu.memory_space<semaphore_mem>>) src(%dma_wait3A_658 : memref<8x1024xf32, #tpu.memory_space<hbm>>) dst(%arg9 : memref<8x1024xf32, #tpu.memory_space<vmem>>)
    %parallel_loop3A_659 = arith.constant 0 : i32
    %parallel_loop3A_660 = arith.constant 512 : i32
    %parallel_loop3A_661 = arith.constant 1 : i32
    scf.for %parallel_loop3A_966 = %parallel_loop3A_659 to %parallel_loop3A_660 step %parallel_loop3A_661  : i32 {
      %parallel_loop3A_967 = arith.constant 64 : i32
      %parallel_loop3A_968 = arith.divsi %parallel_loop3A_966, %parallel_loop3A_967 : i32
      %parallel_loop3A_969 = arith.constant 0 : i32
      %parallel_loop3A_970 = arith.cmpi sgt, %parallel_loop3A_966, %parallel_loop3A_969 : i32
      %parallel_loop3A_971 = arith.extui %parallel_loop3A_970 : i1 to i32
      %parallel_loop3A_972 = arith.constant 0 : i32
      %parallel_loop3A_973 = arith.cmpi slt, %parallel_loop3A_966, %parallel_loop3A_972 : i32
      %parallel_loop3A_974 = arith.extui %parallel_loop3A_973 : i1 to i32
      %parallel_loop3A_975 = arith.subi %parallel_loop3A_971, %parallel_loop3A_974 : i32
      %parallel_loop3A_976 = arith.constant 0 : i32
      %parallel_loop3A_977 = arith.cmpi sgt, %parallel_loop3A_967, %parallel_loop3A_976 : i32
      %parallel_loop3A_978 = arith.extui %parallel_loop3A_977 : i1 to i32
      %parallel_loop3A_979 = arith.constant 0 : i32
      %parallel_loop3A_980 = arith.cmpi slt, %parallel_loop3A_967, %parallel_loop3A_979 : i32
      %parallel_loop3A_981 = arith.extui %parallel_loop3A_980 : i1 to i32
      %parallel_loop3A_982 = arith.subi %parallel_loop3A_978, %parallel_loop3A_981 : i32
      %parallel_loop3A_983 = arith.cmpi ne, %parallel_loop3A_975, %parallel_loop3A_982 : i32
      %parallel_loop3A_984 = arith.remsi %parallel_loop3A_966, %parallel_loop3A_967 : i32
      %parallel_loop3A_985 = arith.constant 0 : i32
      %parallel_loop3A_986 = arith.cmpi ne, %parallel_loop3A_984, %parallel_loop3A_985 : i32
      %parallel_loop3A_987 = arith.andi %parallel_loop3A_983, %parallel_loop3A_986 : i1
      %parallel_loop3A_988 = arith.constant 1 : i32
      %parallel_loop3A_989 = arith.subi %parallel_loop3A_968, %parallel_loop3A_988 : i32
      %parallel_loop3A_990 = arith.select %parallel_loop3A_987, %parallel_loop3A_989, %parallel_loop3A_968 : i32
      %parallel_loop3A_991 = arith.constant 64 : i32
      %parallel_loop3A_992 = arith.constant 0 : i32
      %parallel_loop3A_993 = arith.cmpi eq, %parallel_loop3A_991, %parallel_loop3A_992 : i32
      %parallel_loop3A_994 = arith.constant 1 : i32
      %parallel_loop3A_995 = arith.select %parallel_loop3A_993, %parallel_loop3A_994, %parallel_loop3A_991 : i32
      %parallel_loop3A_996 = arith.remsi %parallel_loop3A_966, %parallel_loop3A_995 : i32
      %parallel_loop3A_997 = arith.constant 0 : i32
      %parallel_loop3A_998 = arith.cmpi ne, %parallel_loop3A_996, %parallel_loop3A_997 : i32
      %parallel_loop3A_999 = arith.constant 0 : i32
      %parallel_loop3A_1000 = arith.cmpi slt, %parallel_loop3A_996, %parallel_loop3A_999 : i32
      %parallel_loop3A_1001 = arith.constant 0 : i32
      %parallel_loop3A_1002 = arith.cmpi slt, %parallel_loop3A_995, %parallel_loop3A_1001 : i32
      %parallel_loop3A_1003 = arith.xori %parallel_loop3A_1000, %parallel_loop3A_1002 : i1
      %parallel_loop3A_1004 = arith.andi %parallel_loop3A_1003, %parallel_loop3A_998 : i1
      %parallel_loop3A_1005 = arith.addi %parallel_loop3A_996, %parallel_loop3A_995 : i32
      %parallel_loop3A_1006 = arith.select %parallel_loop3A_1004, %parallel_loop3A_1005, %parallel_loop3A_996 : i32
      %parallel_loop3A_1007 = arith.constant 16 : i32
      %parallel_loop3A_1008 = arith.muli %parallel_loop3A_1006, %parallel_loop3A_1007 : i32
      %parallel_loop3A_1009 = arith.index_cast %parallel_loop3A_990 : i32 to index
      %parallel_loop3A_1010 = arith.index_cast %parallel_loop3A_1008 : i32 to index
      %parallel_loop3A_1011 = tpu.vector_load %arg9[%parallel_loop3A_1009, %parallel_loop3A_1010] {strides = array<i32>} : memref<8x1024xf32, #tpu.memory_space<vmem>>, vector<1x16xf32>,
      %parallel_loop3A_1012 = vector.shape_cast %parallel_loop3A_1011 : vector<1x16xf32> to vector<16xf32>
      %parallel_loop3A_1013 = arith.constant 0 : i32
      %parallel_loop3A_1014 = arith.addi %parallel_loop3A_1013, %parallel_loop3A_990 : i32
      %parallel_loop3A_1015 = arith.index_cast %parallel_loop3A_1014 : i32 to index
      %parallel_loop3A_1016 = arith.index_cast %parallel_loop3A_1008 : i32 to index
      %parallel_loop3A_1017 = tpu.vector_load %arg12[%parallel_loop3A_1015, %parallel_loop3A_1016] {strides = array<i32>} : memref<32x1024xf32, #tpu.memory_space<vmem>>, vector<1x16xf32>,
      %parallel_loop3A_1018 = vector.shape_cast %parallel_loop3A_1017 : vector<1x16xf32> to vector<16xf32>
      %parallel_loop3A_1019 = vector.shape_cast %parallel_loop3A_1012 : vector<16xf32> to vector<1x16xf32>
      tpu.vector_store %arg12[%parallel_loop3A_1015, %parallel_loop3A_1016], %parallel_loop3A_1019 {add = true, strides = array<i32>} : memref<32x1024xf32, #tpu.memory_space<vmem>>, vector<1x16xf32>,
      %parallel_loop3A_1020 = arith.constant 8 : i32
      %parallel_loop3A_1021 = arith.addi %parallel_loop3A_1020, %parallel_loop3A_990 : i32
      %parallel_loop3A_1022 = arith.index_cast %parallel_loop3A_1021 : i32 to index
      %parallel_loop3A_1023 = arith.index_cast %parallel_loop3A_1008 : i32 to index
      %parallel_loop3A_1024 = tpu.vector_load %arg12[%parallel_loop3A_1022, %parallel_loop3A_1023] {strides = array<i32>} : memref<32x1024xf32, #tpu.memory_space<vmem>>, vector<1x16xf32>,
      %parallel_loop3A_1025 = vector.shape_cast %parallel_loop3A_1024 : vector<1x16xf32> to vector<16xf32>
      %parallel_loop3A_1026 = vector.shape_cast %parallel_loop3A_1012 : vector<16xf32> to vector<1x16xf32>
      tpu.vector_store %arg12[%parallel_loop3A_1022, %parallel_loop3A_1023], %parallel_loop3A_1026 {add = true, strides = array<i32>} : memref<32x1024xf32, #tpu.memory_space<vmem>>, vector<1x16xf32>,
      %parallel_loop3A_1027 = arith.constant 16 : i32
      %parallel_loop3A_1028 = arith.addi %parallel_loop3A_1027, %parallel_loop3A_990 : i32
      %parallel_loop3A_1029 = arith.index_cast %parallel_loop3A_1028 : i32 to index
      %parallel_loop3A_1030 = arith.index_cast %parallel_loop3A_1008 : i32 to index
      %parallel_loop3A_1031 = tpu.vector_load %arg12[%parallel_loop3A_1029, %parallel_loop3A_1030] {strides = array<i32>} : memref<32x1024xf32, #tpu.memory_space<vmem>>, vector<1x16xf32>,
      %parallel_loop3A_1032 = vector.shape_cast %parallel_loop3A_1031 : vector<1x16xf32> to vector<16xf32>
      %parallel_loop3A_1033 = vector.shape_cast %parallel_loop3A_1012 : vector<16xf32> to vector<1x16xf32>
      tpu.vector_store %arg12[%parallel_loop3A_1029, %parallel_loop3A_1030], %parallel_loop3A_1033 {add = true, strides = array<i32>} : memref<32x1024xf32, #tpu.memory_space<vmem>>, vector<1x16xf32>,
      %parallel_loop3A_1034 = arith.constant 24 : i32
      %parallel_loop3A_1035 = arith.addi %parallel_loop3A_1034, %parallel_loop3A_990 : i32
      %parallel_loop3A_1036 = arith.index_cast %parallel_loop3A_1035 : i32 to index
      %parallel_loop3A_1037 = arith.index_cast %parallel_loop3A_1008 : i32 to index
      %parallel_loop3A_1038 = tpu.vector_load %arg12[%parallel_loop3A_1036, %parallel_loop3A_1037] {strides = array<i32>} : memref<32x1024xf32, #tpu.memory_space<vmem>>, vector<1x16xf32>,
      %parallel_loop3A_1039 = vector.shape_cast %parallel_loop3A_1038 : vector<1x16xf32> to vector<16xf32>
      %parallel_loop3A_1040 = vector.shape_cast %parallel_loop3A_1012 : vector<16xf32> to vector<1x16xf32>
      tpu.vector_store %arg12[%parallel_loop3A_1036, %parallel_loop3A_1037], %parallel_loop3A_1040 {add = true, strides = array<i32>} : memref<32x1024xf32, #tpu.memory_space<vmem>>, vector<1x16xf32>,
    } {sc.loop_unroll_factor = 4 : i64, sc.parallel_access}
    %mul3A_662 = arith.constant 64 : i32
    %mul3A_663 = arith.muli %add3A, %mul3A_662 : i32
    %add3A_664 = arith.constant 40 : i32
    %add3A_665 = arith.addi %mul3A_663, %add3A_664 : i32
    %add3A_666 = arith.constant 0 : i32
    %add3A_667 = arith.addi %add3A_666, %add3A_665 : i32
    %dma_start3A_668 = arith.constant 0 : i32
    %dma_start3A_669 = arith.constant 0 : i32
    %dma_start3A_670 = tpu.memref_slice %arg12[%dma_start3A_668, %dma_start3A_669] : memref<32x1024xf32, #tpu.memory_space<vmem>> -> memref<8x1024xf32, #tpu.memory_space<vmem>>
    %dma_start3A_671 = arith.constant 0 : i32
    %dma_start3A_672 = tpu.memref_slice %arg5[%add3A_667, %dma_start3A_671] : memref<8192x1024xf32, #tpu.memory_space<hbm>> -> memref<8x1024xf32, #tpu.memory_space<hbm>>
    %dma_start3A_673 = arith.constant 0 : i32
    %dma_start3A_674 = tpu.memref_slice %arg5[%add3A_667, %dma_start3A_673] : memref<8192x1024xf32, #tpu.memory_space<hbm>> -> memref<8x1024xf32, #tpu.memory_space<hbm>>
    %dma_start3A_675 = arith.constant 0 : i32
    %dma_start3A_676 = arith.constant 0 : i32
    %dma_start3A_677 = tpu.memref_slice %arg12[%dma_start3A_675, %dma_start3A_676] : memref<32x1024xf32, #tpu.memory_space<vmem>> -> memref<8x1024xf32, #tpu.memory_space<vmem>>
    tpu.enqueue_dma source(%dma_start3A_677 : memref<8x1024xf32, #tpu.memory_space<vmem>>) target(%dma_start3A_674 : memref<8x1024xf32, #tpu.memory_space<hbm>>) target_semaphore(%arg21 : memref<!tpu.dma_semaphore, #tpu.memory_space<semaphore_mem>>)
    %add3A_678 = arith.constant 2048 : i32
    %add3A_679 = arith.addi %add3A_678, %add3A_665 : i32
    %dma_start3A_680 = arith.constant 8 : i32
    %dma_start3A_681 = arith.constant 0 : i32
    %dma_start3A_682 = tpu.memref_slice %arg12[%dma_start3A_680, %dma_start3A_681] : memref<32x1024xf32, #tpu.memory_space<vmem>> -> memref<8x1024xf32, #tpu.memory_space<vmem>>
    %dma_start3A_683 = arith.constant 0 : i32
    %dma_start3A_684 = tpu.memref_slice %arg5[%add3A_679, %dma_start3A_683] : memref<8192x1024xf32, #tpu.memory_space<hbm>> -> memref<8x1024xf32, #tpu.memory_space<hbm>>
    %dma_start3A_685 = arith.constant 0 : i32
    %dma_start3A_686 = tpu.memref_slice %arg5[%add3A_679, %dma_start3A_685] : memref<8192x1024xf32, #tpu.memory_space<hbm>> -> memref<8x1024xf32, #tpu.memory_space<hbm>>
    %dma_start3A_687 = arith.constant 8 : i32
    %dma_start3A_688 = arith.constant 0 : i32
    %dma_start3A_689 = tpu.memref_slice %arg12[%dma_start3A_687, %dma_start3A_688] : memref<32x1024xf32, #tpu.memory_space<vmem>> -> memref<8x1024xf32, #tpu.memory_space<vmem>>
    tpu.enqueue_dma source(%dma_start3A_689 : memref<8x1024xf32, #tpu.memory_space<vmem>>) target(%dma_start3A_686 : memref<8x1024xf32, #tpu.memory_space<hbm>>) target_semaphore(%arg21 : memref<!tpu.dma_semaphore, #tpu.memory_space<semaphore_mem>>)
    %add3A_690 = arith.constant 4096 : i32
    %add3A_691 = arith.addi %add3A_690, %add3A_665 : i32
    %dma_start3A_692 = arith.constant 16 : i32
    %dma_start3A_693 = arith.constant 0 : i32
    %dma_start3A_694 = tpu.memref_slice %arg12[%dma_start3A_692, %dma_start3A_693] : memref<32x1024xf32, #tpu.memory_space<vmem>> -> memref<8x1024xf32, #tpu.memory_space<vmem>>
    %dma_start3A_695 = arith.constant 0 : i32
    %dma_start3A_696 = tpu.memref_slice %arg5[%add3A_691, %dma_start3A_695] : memref<8192x1024xf32, #tpu.memory_space<hbm>> -> memref<8x1024xf32, #tpu.memory_space<hbm>>
    %dma_start3A_697 = arith.constant 0 : i32
    %dma_start3A_698 = tpu.memref_slice %arg5[%add3A_691, %dma_start3A_697] : memref<8192x1024xf32, #tpu.memory_space<hbm>> -> memref<8x1024xf32, #tpu.memory_space<hbm>>
    %dma_start3A_699 = arith.constant 16 : i32
    %dma_start3A_700 = arith.constant 0 : i32
    %dma_start3A_701 = tpu.memref_slice %arg12[%dma_start3A_699, %dma_start3A_700] : memref<32x1024xf32, #tpu.memory_space<vmem>> -> memref<8x1024xf32, #tpu.memory_space<vmem>>
    tpu.enqueue_dma source(%dma_start3A_701 : memref<8x1024xf32, #tpu.memory_space<vmem>>) target(%dma_start3A_698 : memref<8x1024xf32, #tpu.memory_space<hbm>>) target_semaphore(%arg21 : memref<!tpu.dma_semaphore, #tpu.memory_space<semaphore_mem>>)
    %add3A_702 = arith.constant 6144 : i32
    %add3A_703 = arith.addi %add3A_702, %add3A_665 : i32
    %dma_start3A_704 = arith.constant 24 : i32
    %dma_start3A_705 = arith.constant 0 : i32
    %dma_start3A_706 = tpu.memref_slice %arg12[%dma_start3A_704, %dma_start3A_705] : memref<32x1024xf32, #tpu.memory_space<vmem>> -> memref<8x1024xf32, #tpu.memory_space<vmem>>
    %dma_start3A_707 = arith.constant 0 : i32
    %dma_start3A_708 = tpu.memref_slice %arg5[%add3A_703, %dma_start3A_707] : memref<8192x1024xf32, #tpu.memory_space<hbm>> -> memref<8x1024xf32, #tpu.memory_space<hbm>>
    %dma_start3A_709 = arith.constant 0 : i32
    %dma_start3A_710 = tpu.memref_slice %arg5[%add3A_703, %dma_start3A_709] : memref<8192x1024xf32, #tpu.memory_space<hbm>> -> memref<8x1024xf32, #tpu.memory_space<hbm>>
    %dma_start3A_711 = arith.constant 24 : i32
    %dma_start3A_712 = arith.constant 0 : i32
    %dma_start3A_713 = tpu.memref_slice %arg12[%dma_start3A_711, %dma_start3A_712] : memref<32x1024xf32, #tpu.memory_space<vmem>> -> memref<8x1024xf32, #tpu.memory_space<vmem>>
    tpu.enqueue_dma source(%dma_start3A_713 : memref<8x1024xf32, #tpu.memory_space<vmem>>) target(%dma_start3A_710 : memref<8x1024xf32, #tpu.memory_space<hbm>>) target_semaphore(%arg21 : memref<!tpu.dma_semaphore, #tpu.memory_space<semaphore_mem>>)
    %dma_wait3A_714 = arith.constant 6 : i32
    %dma_wait3A_715 = arith.constant 0 : i32
    %dma_wait3A_716 = tpu.memref_slice %arg6[%dma_wait3A_714, %dma_wait3A_715] : memref<8x32xi32, #tpu.memory_space<vmem>> -> memref<1x32xi32, #tpu.memory_space<vmem>>
    %dma_wait3A_717 = tpu.memref_squeeze %dma_wait3A_716 : memref<1x32xi32, #tpu.memory_space<vmem>> -> memref<32xi32, #tpu.memory_space<vmem>>
    %dma_wait3A_718 = arith.constant 0 : i32
    %dma_wait3A_719 = arith.constant 0 : i32
    %dma_wait3A_720 = tpu.memref_slice %arg3[%dma_wait3A_718, %dma_wait3A_719] : memref<100000x1024xf32, #tpu.memory_space<hbm>> -> memref<100000x1024xf32, #tpu.memory_space<hbm>>
    tpu.wait_indirect_dma semaphore(%arg16 : memref<!tpu.dma_semaphore, #tpu.memory_space<semaphore_mem>>) src(%dma_wait3A_720 : memref<100000x1024xf32, #tpu.memory_space<hbm>>) dst(%arg10 : memref<32x1024xf32, #tpu.memory_space<vmem>>)
    %dma_wait3A_721 = arith.constant 0 : i32
    %dma_wait3A_722 = tpu.memref_slice %arg4[%add3A_522, %dma_wait3A_721] : memref<2048x1024xf32, #tpu.memory_space<hbm>> -> memref<8x1024xf32, #tpu.memory_space<hbm>>
    %dma_wait3A_723 = arith.constant 0 : i32
    %dma_wait3A_724 = tpu.memref_slice %arg4[%add3A_522, %dma_wait3A_723] : memref<2048x1024xf32, #tpu.memory_space<hbm>> -> memref<8x1024xf32, #tpu.memory_space<hbm>>
    tpu.wait_dma2 semaphore(%arg13 : memref<!tpu.dma_semaphore, #tpu.memory_space<semaphore_mem>>) src(%dma_wait3A_724 : memref<8x1024xf32, #tpu.memory_space<hbm>>) dst(%arg7 : memref<8x1024xf32, #tpu.memory_space<vmem>>)
    %parallel_loop3A_725 = arith.constant 0 : i32
    %parallel_loop3A_726 = arith.constant 512 : i32
    %parallel_loop3A_727 = arith.constant 1 : i32
    scf.for %parallel_loop3A_966 = %parallel_loop3A_725 to %parallel_loop3A_726 step %parallel_loop3A_727  : i32 {
      %parallel_loop3A_967 = arith.constant 64 : i32
      %parallel_loop3A_968 = arith.divsi %parallel_loop3A_966, %parallel_loop3A_967 : i32
      %parallel_loop3A_969 = arith.constant 0 : i32
      %parallel_loop3A_970 = arith.cmpi sgt, %parallel_loop3A_966, %parallel_loop3A_969 : i32
      %parallel_loop3A_971 = arith.extui %parallel_loop3A_970 : i1 to i32
      %parallel_loop3A_972 = arith.constant 0 : i32
      %parallel_loop3A_973 = arith.cmpi slt, %parallel_loop3A_966, %parallel_loop3A_972 : i32
      %parallel_loop3A_974 = arith.extui %parallel_loop3A_973 : i1 to i32
      %parallel_loop3A_975 = arith.subi %parallel_loop3A_971, %parallel_loop3A_974 : i32
      %parallel_loop3A_976 = arith.constant 0 : i32
      %parallel_loop3A_977 = arith.cmpi sgt, %parallel_loop3A_967, %parallel_loop3A_976 : i32
      %parallel_loop3A_978 = arith.extui %parallel_loop3A_977 : i1 to i32
      %parallel_loop3A_979 = arith.constant 0 : i32
      %parallel_loop3A_980 = arith.cmpi slt, %parallel_loop3A_967, %parallel_loop3A_979 : i32
      %parallel_loop3A_981 = arith.extui %parallel_loop3A_980 : i1 to i32
      %parallel_loop3A_982 = arith.subi %parallel_loop3A_978, %parallel_loop3A_981 : i32
      %parallel_loop3A_983 = arith.cmpi ne, %parallel_loop3A_975, %parallel_loop3A_982 : i32
      %parallel_loop3A_984 = arith.remsi %parallel_loop3A_966, %parallel_loop3A_967 : i32
      %parallel_loop3A_985 = arith.constant 0 : i32
      %parallel_loop3A_986 = arith.cmpi ne, %parallel_loop3A_984, %parallel_loop3A_985 : i32
      %parallel_loop3A_987 = arith.andi %parallel_loop3A_983, %parallel_loop3A_986 : i1
      %parallel_loop3A_988 = arith.constant 1 : i32
      %parallel_loop3A_989 = arith.subi %parallel_loop3A_968, %parallel_loop3A_988 : i32
      %parallel_loop3A_990 = arith.select %parallel_loop3A_987, %parallel_loop3A_989, %parallel_loop3A_968 : i32
      %parallel_loop3A_991 = arith.constant 64 : i32
      %parallel_loop3A_992 = arith.constant 0 : i32
      %parallel_loop3A_993 = arith.cmpi eq, %parallel_loop3A_991, %parallel_loop3A_992 : i32
      %parallel_loop3A_994 = arith.constant 1 : i32
      %parallel_loop3A_995 = arith.select %parallel_loop3A_993, %parallel_loop3A_994, %parallel_loop3A_991 : i32
      %parallel_loop3A_996 = arith.remsi %parallel_loop3A_966, %parallel_loop3A_995 : i32
      %parallel_loop3A_997 = arith.constant 0 : i32
      %parallel_loop3A_998 = arith.cmpi ne, %parallel_loop3A_996, %parallel_loop3A_997 : i32
      %parallel_loop3A_999 = arith.constant 0 : i32
      %parallel_loop3A_1000 = arith.cmpi slt, %parallel_loop3A_996, %parallel_loop3A_999 : i32
      %parallel_loop3A_1001 = arith.constant 0 : i32
      %parallel_loop3A_1002 = arith.cmpi slt, %parallel_loop3A_995, %parallel_loop3A_1001 : i32
      %parallel_loop3A_1003 = arith.xori %parallel_loop3A_1000, %parallel_loop3A_1002 : i1
      %parallel_loop3A_1004 = arith.andi %parallel_loop3A_1003, %parallel_loop3A_998 : i1
      %parallel_loop3A_1005 = arith.addi %parallel_loop3A_996, %parallel_loop3A_995 : i32
      %parallel_loop3A_1006 = arith.select %parallel_loop3A_1004, %parallel_loop3A_1005, %parallel_loop3A_996 : i32
      %parallel_loop3A_1007 = arith.constant 16 : i32
      %parallel_loop3A_1008 = arith.muli %parallel_loop3A_1006, %parallel_loop3A_1007 : i32
      %parallel_loop3A_1009 = arith.index_cast %parallel_loop3A_990 : i32 to index
      %parallel_loop3A_1010 = arith.index_cast %parallel_loop3A_1008 : i32 to index
      %parallel_loop3A_1011 = tpu.vector_load %arg7[%parallel_loop3A_1009, %parallel_loop3A_1010] {strides = array<i32>} : memref<8x1024xf32, #tpu.memory_space<vmem>>, vector<1x16xf32>,
      %parallel_loop3A_1012 = vector.shape_cast %parallel_loop3A_1011 : vector<1x16xf32> to vector<16xf32>
      %parallel_loop3A_1013 = arith.constant 0 : i32
      %parallel_loop3A_1014 = arith.addi %parallel_loop3A_1013, %parallel_loop3A_990 : i32
      %parallel_loop3A_1015 = arith.index_cast %parallel_loop3A_1014 : i32 to index
      %parallel_loop3A_1016 = arith.index_cast %parallel_loop3A_1008 : i32 to index
      %parallel_loop3A_1017 = tpu.vector_load %arg10[%parallel_loop3A_1015, %parallel_loop3A_1016] {strides = array<i32>} : memref<32x1024xf32, #tpu.memory_space<vmem>>, vector<1x16xf32>,
      %parallel_loop3A_1018 = vector.shape_cast %parallel_loop3A_1017 : vector<1x16xf32> to vector<16xf32>
      %parallel_loop3A_1019 = vector.shape_cast %parallel_loop3A_1012 : vector<16xf32> to vector<1x16xf32>
      tpu.vector_store %arg10[%parallel_loop3A_1015, %parallel_loop3A_1016], %parallel_loop3A_1019 {add = true, strides = array<i32>} : memref<32x1024xf32, #tpu.memory_space<vmem>>, vector<1x16xf32>,
      %parallel_loop3A_1020 = arith.constant 8 : i32
      %parallel_loop3A_1021 = arith.addi %parallel_loop3A_1020, %parallel_loop3A_990 : i32
      %parallel_loop3A_1022 = arith.index_cast %parallel_loop3A_1021 : i32 to index
      %parallel_loop3A_1023 = arith.index_cast %parallel_loop3A_1008 : i32 to index
      %parallel_loop3A_1024 = tpu.vector_load %arg10[%parallel_loop3A_1022, %parallel_loop3A_1023] {strides = array<i32>} : memref<32x1024xf32, #tpu.memory_space<vmem>>, vector<1x16xf32>,
      %parallel_loop3A_1025 = vector.shape_cast %parallel_loop3A_1024 : vector<1x16xf32> to vector<16xf32>
      %parallel_loop3A_1026 = vector.shape_cast %parallel_loop3A_1012 : vector<16xf32> to vector<1x16xf32>
      tpu.vector_store %arg10[%parallel_loop3A_1022, %parallel_loop3A_1023], %parallel_loop3A_1026 {add = true, strides = array<i32>} : memref<32x1024xf32, #tpu.memory_space<vmem>>, vector<1x16xf32>,
      %parallel_loop3A_1027 = arith.constant 16 : i32
      %parallel_loop3A_1028 = arith.addi %parallel_loop3A_1027, %parallel_loop3A_990 : i32
      %parallel_loop3A_1029 = arith.index_cast %parallel_loop3A_1028 : i32 to index
      %parallel_loop3A_1030 = arith.index_cast %parallel_loop3A_1008 : i32 to index
      %parallel_loop3A_1031 = tpu.vector_load %arg10[%parallel_loop3A_1029, %parallel_loop3A_1030] {strides = array<i32>} : memref<32x1024xf32, #tpu.memory_space<vmem>>, vector<1x16xf32>,
      %parallel_loop3A_1032 = vector.shape_cast %parallel_loop3A_1031 : vector<1x16xf32> to vector<16xf32>
      %parallel_loop3A_1033 = vector.shape_cast %parallel_loop3A_1012 : vector<16xf32> to vector<1x16xf32>
      tpu.vector_store %arg10[%parallel_loop3A_1029, %parallel_loop3A_1030], %parallel_loop3A_1033 {add = true, strides = array<i32>} : memref<32x1024xf32, #tpu.memory_space<vmem>>, vector<1x16xf32>,
      %parallel_loop3A_1034 = arith.constant 24 : i32
      %parallel_loop3A_1035 = arith.addi %parallel_loop3A_1034, %parallel_loop3A_990 : i32
      %parallel_loop3A_1036 = arith.index_cast %parallel_loop3A_1035 : i32 to index
      %parallel_loop3A_1037 = arith.index_cast %parallel_loop3A_1008 : i32 to index
      %parallel_loop3A_1038 = tpu.vector_load %arg10[%parallel_loop3A_1036, %parallel_loop3A_1037] {strides = array<i32>} : memref<32x1024xf32, #tpu.memory_space<vmem>>, vector<1x16xf32>,
      %parallel_loop3A_1039 = vector.shape_cast %parallel_loop3A_1038 : vector<1x16xf32> to vector<16xf32>
      %parallel_loop3A_1040 = vector.shape_cast %parallel_loop3A_1012 : vector<16xf32> to vector<1x16xf32>
      tpu.vector_store %arg10[%parallel_loop3A_1036, %parallel_loop3A_1037], %parallel_loop3A_1040 {add = true, strides = array<i32>} : memref<32x1024xf32, #tpu.memory_space<vmem>>, vector<1x16xf32>,
    } {sc.loop_unroll_factor = 4 : i64, sc.parallel_access}
    %mul3A_728 = arith.constant 64 : i32
    %mul3A_729 = arith.muli %add3A, %mul3A_728 : i32
    %add3A_730 = arith.constant 48 : i32
    %add3A_731 = arith.addi %mul3A_729, %add3A_730 : i32
    %add3A_732 = arith.constant 0 : i32
    %add3A_733 = arith.addi %add3A_732, %add3A_731 : i32
    %dma_start3A_734 = arith.constant 0 : i32
    %dma_start3A_735 = arith.constant 0 : i32
    %dma_start3A_736 = tpu.memref_slice %arg10[%dma_start3A_734, %dma_start3A_735] : memref<32x1024xf32, #tpu.memory_space<vmem>> -> memref<8x1024xf32, #tpu.memory_space<vmem>>
    %dma_start3A_737 = arith.constant 0 : i32
    %dma_start3A_738 = tpu.memref_slice %arg5[%add3A_733, %dma_start3A_737] : memref<8192x1024xf32, #tpu.memory_space<hbm>> -> memref<8x1024xf32, #tpu.memory_space<hbm>>
    %dma_start3A_739 = arith.constant 0 : i32
    %dma_start3A_740 = tpu.memref_slice %arg5[%add3A_733, %dma_start3A_739] : memref<8192x1024xf32, #tpu.memory_space<hbm>> -> memref<8x1024xf32, #tpu.memory_space<hbm>>
    %dma_start3A_741 = arith.constant 0 : i32
    %dma_start3A_742 = arith.constant 0 : i32
    %dma_start3A_743 = tpu.memref_slice %arg10[%dma_start3A_741, %dma_start3A_742] : memref<32x1024xf32, #tpu.memory_space<vmem>> -> memref<8x1024xf32, #tpu.memory_space<vmem>>
    tpu.enqueue_dma source(%dma_start3A_743 : memref<8x1024xf32, #tpu.memory_space<vmem>>) target(%dma_start3A_740 : memref<8x1024xf32, #tpu.memory_space<hbm>>) target_semaphore(%arg19 : memref<!tpu.dma_semaphore, #tpu.memory_space<semaphore_mem>>)
    %add3A_744 = arith.constant 2048 : i32
    %add3A_745 = arith.addi %add3A_744, %add3A_731 : i32
    %dma_start3A_746 = arith.constant 8 : i32
    %dma_start3A_747 = arith.constant 0 : i32
    %dma_start3A_748 = tpu.memref_slice %arg10[%dma_start3A_746, %dma_start3A_747] : memref<32x1024xf32, #tpu.memory_space<vmem>> -> memref<8x1024xf32, #tpu.memory_space<vmem>>
    %dma_start3A_749 = arith.constant 0 : i32
    %dma_start3A_750 = tpu.memref_slice %arg5[%add3A_745, %dma_start3A_749] : memref<8192x1024xf32, #tpu.memory_space<hbm>> -> memref<8x1024xf32, #tpu.memory_space<hbm>>
    %dma_start3A_751 = arith.constant 0 : i32
    %dma_start3A_752 = tpu.memref_slice %arg5[%add3A_745, %dma_start3A_751] : memref<8192x1024xf32, #tpu.memory_space<hbm>> -> memref<8x1024xf32, #tpu.memory_space<hbm>>
    %dma_start3A_753 = arith.constant 8 : i32
    %dma_start3A_754 = arith.constant 0 : i32
    %dma_start3A_755 = tpu.memref_slice %arg10[%dma_start3A_753, %dma_start3A_754] : memref<32x1024xf32, #tpu.memory_space<vmem>> -> memref<8x1024xf32, #tpu.memory_space<vmem>>
    tpu.enqueue_dma source(%dma_start3A_755 : memref<8x1024xf32, #tpu.memory_space<vmem>>) target(%dma_start3A_752 : memref<8x1024xf32, #tpu.memory_space<hbm>>) target_semaphore(%arg19 : memref<!tpu.dma_semaphore, #tpu.memory_space<semaphore_mem>>)
    %add3A_756 = arith.constant 4096 : i32
    %add3A_757 = arith.addi %add3A_756, %add3A_731 : i32
    %dma_start3A_758 = arith.constant 16 : i32
    %dma_start3A_759 = arith.constant 0 : i32
    %dma_start3A_760 = tpu.memref_slice %arg10[%dma_start3A_758, %dma_start3A_759] : memref<32x1024xf32, #tpu.memory_space<vmem>> -> memref<8x1024xf32, #tpu.memory_space<vmem>>
    %dma_start3A_761 = arith.constant 0 : i32
    %dma_start3A_762 = tpu.memref_slice %arg5[%add3A_757, %dma_start3A_761] : memref<8192x1024xf32, #tpu.memory_space<hbm>> -> memref<8x1024xf32, #tpu.memory_space<hbm>>
    %dma_start3A_763 = arith.constant 0 : i32
    %dma_start3A_764 = tpu.memref_slice %arg5[%add3A_757, %dma_start3A_763] : memref<8192x1024xf32, #tpu.memory_space<hbm>> -> memref<8x1024xf32, #tpu.memory_space<hbm>>
    %dma_start3A_765 = arith.constant 16 : i32
    %dma_start3A_766 = arith.constant 0 : i32
    %dma_start3A_767 = tpu.memref_slice %arg10[%dma_start3A_765, %dma_start3A_766] : memref<32x1024xf32, #tpu.memory_space<vmem>> -> memref<8x1024xf32, #tpu.memory_space<vmem>>
    tpu.enqueue_dma source(%dma_start3A_767 : memref<8x1024xf32, #tpu.memory_space<vmem>>) target(%dma_start3A_764 : memref<8x1024xf32, #tpu.memory_space<hbm>>) target_semaphore(%arg19 : memref<!tpu.dma_semaphore, #tpu.memory_space<semaphore_mem>>)
    %add3A_768 = arith.constant 6144 : i32
    %add3A_769 = arith.addi %add3A_768, %add3A_731 : i32
    %dma_start3A_770 = arith.constant 24 : i32
    %dma_start3A_771 = arith.constant 0 : i32
    %dma_start3A_772 = tpu.memref_slice %arg10[%dma_start3A_770, %dma_start3A_771] : memref<32x1024xf32, #tpu.memory_space<vmem>> -> memref<8x1024xf32, #tpu.memory_space<vmem>>
    %dma_start3A_773 = arith.constant 0 : i32
    %dma_start3A_774 = tpu.memref_slice %arg5[%add3A_769, %dma_start3A_773] : memref<8192x1024xf32, #tpu.memory_space<hbm>> -> memref<8x1024xf32, #tpu.memory_space<hbm>>
    %dma_start3A_775 = arith.constant 0 : i32
    %dma_start3A_776 = tpu.memref_slice %arg5[%add3A_769, %dma_start3A_775] : memref<8192x1024xf32, #tpu.memory_space<hbm>> -> memref<8x1024xf32, #tpu.memory_space<hbm>>
    %dma_start3A_777 = arith.constant 24 : i32
    %dma_start3A_778 = arith.constant 0 : i32
    %dma_start3A_779 = tpu.memref_slice %arg10[%dma_start3A_777, %dma_start3A_778] : memref<32x1024xf32, #tpu.memory_space<vmem>> -> memref<8x1024xf32, #tpu.memory_space<vmem>>
    tpu.enqueue_dma source(%dma_start3A_779 : memref<8x1024xf32, #tpu.memory_space<vmem>>) target(%dma_start3A_776 : memref<8x1024xf32, #tpu.memory_space<hbm>>) target_semaphore(%arg19 : memref<!tpu.dma_semaphore, #tpu.memory_space<semaphore_mem>>)
    %dma_wait3A_780 = arith.constant 7 : i32
    %dma_wait3A_781 = arith.constant 0 : i32
    %dma_wait3A_782 = tpu.memref_slice %arg6[%dma_wait3A_780, %dma_wait3A_781] : memref<8x32xi32, #tpu.memory_space<vmem>> -> memref<1x32xi32, #tpu.memory_space<vmem>>
    %dma_wait3A_783 = tpu.memref_squeeze %dma_wait3A_782 : memref<1x32xi32, #tpu.memory_space<vmem>> -> memref<32xi32, #tpu.memory_space<vmem>>
    %dma_wait3A_784 = arith.constant 0 : i32
    %dma_wait3A_785 = arith.constant 0 : i32
    %dma_wait3A_786 = tpu.memref_slice %arg3[%dma_wait3A_784, %dma_wait3A_785] : memref<100000x1024xf32, #tpu.memory_space<hbm>> -> memref<100000x1024xf32, #tpu.memory_space<hbm>>
    tpu.wait_indirect_dma semaphore(%arg17 : memref<!tpu.dma_semaphore, #tpu.memory_space<semaphore_mem>>) src(%dma_wait3A_786 : memref<100000x1024xf32, #tpu.memory_space<hbm>>) dst(%arg11 : memref<32x1024xf32, #tpu.memory_space<vmem>>)
    %dma_wait3A_787 = arith.constant 0 : i32
    %dma_wait3A_788 = tpu.memref_slice %arg4[%add3A_643, %dma_wait3A_787] : memref<2048x1024xf32, #tpu.memory_space<hbm>> -> memref<8x1024xf32, #tpu.memory_space<hbm>>
    %dma_wait3A_789 = arith.constant 0 : i32
    %dma_wait3A_790 = tpu.memref_slice %arg4[%add3A_643, %dma_wait3A_789] : memref<2048x1024xf32, #tpu.memory_space<hbm>> -> memref<8x1024xf32, #tpu.memory_space<hbm>>
    tpu.wait_dma2 semaphore(%arg14 : memref<!tpu.dma_semaphore, #tpu.memory_space<semaphore_mem>>) src(%dma_wait3A_790 : memref<8x1024xf32, #tpu.memory_space<hbm>>) dst(%arg8 : memref<8x1024xf32, #tpu.memory_space<vmem>>)
    %parallel_loop3A_791 = arith.constant 0 : i32
    %parallel_loop3A_792 = arith.constant 512 : i32
    %parallel_loop3A_793 = arith.constant 1 : i32
    scf.for %parallel_loop3A_966 = %parallel_loop3A_791 to %parallel_loop3A_792 step %parallel_loop3A_793  : i32 {
      %parallel_loop3A_967 = arith.constant 64 : i32
      %parallel_loop3A_968 = arith.divsi %parallel_loop3A_966, %parallel_loop3A_967 : i32
      %parallel_loop3A_969 = arith.constant 0 : i32
      %parallel_loop3A_970 = arith.cmpi sgt, %parallel_loop3A_966, %parallel_loop3A_969 : i32
      %parallel_loop3A_971 = arith.extui %parallel_loop3A_970 : i1 to i32
      %parallel_loop3A_972 = arith.constant 0 : i32
      %parallel_loop3A_973 = arith.cmpi slt, %parallel_loop3A_966, %parallel_loop3A_972 : i32
      %parallel_loop3A_974 = arith.extui %parallel_loop3A_973 : i1 to i32
      %parallel_loop3A_975 = arith.subi %parallel_loop3A_971, %parallel_loop3A_974 : i32
      %parallel_loop3A_976 = arith.constant 0 : i32
      %parallel_loop3A_977 = arith.cmpi sgt, %parallel_loop3A_967, %parallel_loop3A_976 : i32
      %parallel_loop3A_978 = arith.extui %parallel_loop3A_977 : i1 to i32
      %parallel_loop3A_979 = arith.constant 0 : i32
      %parallel_loop3A_980 = arith.cmpi slt, %parallel_loop3A_967, %parallel_loop3A_979 : i32
      %parallel_loop3A_981 = arith.extui %parallel_loop3A_980 : i1 to i32
      %parallel_loop3A_982 = arith.subi %parallel_loop3A_978, %parallel_loop3A_981 : i32
      %parallel_loop3A_983 = arith.cmpi ne, %parallel_loop3A_975, %parallel_loop3A_982 : i32
      %parallel_loop3A_984 = arith.remsi %parallel_loop3A_966, %parallel_loop3A_967 : i32
      %parallel_loop3A_985 = arith.constant 0 : i32
      %parallel_loop3A_986 = arith.cmpi ne, %parallel_loop3A_984, %parallel_loop3A_985 : i32
      %parallel_loop3A_987 = arith.andi %parallel_loop3A_983, %parallel_loop3A_986 : i1
      %parallel_loop3A_988 = arith.constant 1 : i32
      %parallel_loop3A_989 = arith.subi %parallel_loop3A_968, %parallel_loop3A_988 : i32
      %parallel_loop3A_990 = arith.select %parallel_loop3A_987, %parallel_loop3A_989, %parallel_loop3A_968 : i32
      %parallel_loop3A_991 = arith.constant 64 : i32
      %parallel_loop3A_992 = arith.constant 0 : i32
      %parallel_loop3A_993 = arith.cmpi eq, %parallel_loop3A_991, %parallel_loop3A_992 : i32
      %parallel_loop3A_994 = arith.constant 1 : i32
      %parallel_loop3A_995 = arith.select %parallel_loop3A_993, %parallel_loop3A_994, %parallel_loop3A_991 : i32
      %parallel_loop3A_996 = arith.remsi %parallel_loop3A_966, %parallel_loop3A_995 : i32
      %parallel_loop3A_997 = arith.constant 0 : i32
      %parallel_loop3A_998 = arith.cmpi ne, %parallel_loop3A_996, %parallel_loop3A_997 : i32
      %parallel_loop3A_999 = arith.constant 0 : i32
      %parallel_loop3A_1000 = arith.cmpi slt, %parallel_loop3A_996, %parallel_loop3A_999 : i32
      %parallel_loop3A_1001 = arith.constant 0 : i32
      %parallel_loop3A_1002 = arith.cmpi slt, %parallel_loop3A_995, %parallel_loop3A_1001 : i32
      %parallel_loop3A_1003 = arith.xori %parallel_loop3A_1000, %parallel_loop3A_1002 : i1
      %parallel_loop3A_1004 = arith.andi %parallel_loop3A_1003, %parallel_loop3A_998 : i1
      %parallel_loop3A_1005 = arith.addi %parallel_loop3A_996, %parallel_loop3A_995 : i32
      %parallel_loop3A_1006 = arith.select %parallel_loop3A_1004, %parallel_loop3A_1005, %parallel_loop3A_996 : i32
      %parallel_loop3A_1007 = arith.constant 16 : i32
      %parallel_loop3A_1008 = arith.muli %parallel_loop3A_1006, %parallel_loop3A_1007 : i32
      %parallel_loop3A_1009 = arith.index_cast %parallel_loop3A_990 : i32 to index
      %parallel_loop3A_1010 = arith.index_cast %parallel_loop3A_1008 : i32 to index
      %parallel_loop3A_1011 = tpu.vector_load %arg8[%parallel_loop3A_1009, %parallel_loop3A_1010] {strides = array<i32>} : memref<8x1024xf32, #tpu.memory_space<vmem>>, vector<1x16xf32>,
      %parallel_loop3A_1012 = vector.shape_cast %parallel_loop3A_1011 : vector<1x16xf32> to vector<16xf32>
      %parallel_loop3A_1013 = arith.constant 0 : i32
      %parallel_loop3A_1014 = arith.addi %parallel_loop3A_1013, %parallel_loop3A_990 : i32
      %parallel_loop3A_1015 = arith.index_cast %parallel_loop3A_1014 : i32 to index
      %parallel_loop3A_1016 = arith.index_cast %parallel_loop3A_1008 : i32 to index
      %parallel_loop3A_1017 = tpu.vector_load %arg11[%parallel_loop3A_1015, %parallel_loop3A_1016] {strides = array<i32>} : memref<32x1024xf32, #tpu.memory_space<vmem>>, vector<1x16xf32>,
      %parallel_loop3A_1018 = vector.shape_cast %parallel_loop3A_1017 : vector<1x16xf32> to vector<16xf32>
      %parallel_loop3A_1019 = vector.shape_cast %parallel_loop3A_1012 : vector<16xf32> to vector<1x16xf32>
      tpu.vector_store %arg11[%parallel_loop3A_1015, %parallel_loop3A_1016], %parallel_loop3A_1019 {add = true, strides = array<i32>} : memref<32x1024xf32, #tpu.memory_space<vmem>>, vector<1x16xf32>,
      %parallel_loop3A_1020 = arith.constant 8 : i32
      %parallel_loop3A_1021 = arith.addi %parallel_loop3A_1020, %parallel_loop3A_990 : i32
      %parallel_loop3A_1022 = arith.index_cast %parallel_loop3A_1021 : i32 to index
      %parallel_loop3A_1023 = arith.index_cast %parallel_loop3A_1008 : i32 to index
      %parallel_loop3A_1024 = tpu.vector_load %arg11[%parallel_loop3A_1022, %parallel_loop3A_1023] {strides = array<i32>} : memref<32x1024xf32, #tpu.memory_space<vmem>>, vector<1x16xf32>,
      %parallel_loop3A_1025 = vector.shape_cast %parallel_loop3A_1024 : vector<1x16xf32> to vector<16xf32>
      %parallel_loop3A_1026 = vector.shape_cast %parallel_loop3A_1012 : vector<16xf32> to vector<1x16xf32>
      tpu.vector_store %arg11[%parallel_loop3A_1022, %parallel_loop3A_1023], %parallel_loop3A_1026 {add = true, strides = array<i32>} : memref<32x1024xf32, #tpu.memory_space<vmem>>, vector<1x16xf32>,
      %parallel_loop3A_1027 = arith.constant 16 : i32
      %parallel_loop3A_1028 = arith.addi %parallel_loop3A_1027, %parallel_loop3A_990 : i32
      %parallel_loop3A_1029 = arith.index_cast %parallel_loop3A_1028 : i32 to index
      %parallel_loop3A_1030 = arith.index_cast %parallel_loop3A_1008 : i32 to index
      %parallel_loop3A_1031 = tpu.vector_load %arg11[%parallel_loop3A_1029, %parallel_loop3A_1030] {strides = array<i32>} : memref<32x1024xf32, #tpu.memory_space<vmem>>, vector<1x16xf32>,
      %parallel_loop3A_1032 = vector.shape_cast %parallel_loop3A_1031 : vector<1x16xf32> to vector<16xf32>
      %parallel_loop3A_1033 = vector.shape_cast %parallel_loop3A_1012 : vector<16xf32> to vector<1x16xf32>
      tpu.vector_store %arg11[%parallel_loop3A_1029, %parallel_loop3A_1030], %parallel_loop3A_1033 {add = true, strides = array<i32>} : memref<32x1024xf32, #tpu.memory_space<vmem>>, vector<1x16xf32>,
      %parallel_loop3A_1034 = arith.constant 24 : i32
      %parallel_loop3A_1035 = arith.addi %parallel_loop3A_1034, %parallel_loop3A_990 : i32
      %parallel_loop3A_1036 = arith.index_cast %parallel_loop3A_1035 : i32 to index
      %parallel_loop3A_1037 = arith.index_cast %parallel_loop3A_1008 : i32 to index
      %parallel_loop3A_1038 = tpu.vector_load %arg11[%parallel_loop3A_1036, %parallel_loop3A_1037] {strides = array<i32>} : memref<32x1024xf32, #tpu.memory_space<vmem>>, vector<1x16xf32>,
      %parallel_loop3A_1039 = vector.shape_cast %parallel_loop3A_1038 : vector<1x16xf32> to vector<16xf32>
      %parallel_loop3A_1040 = vector.shape_cast %parallel_loop3A_1012 : vector<16xf32> to vector<1x16xf32>
      tpu.vector_store %arg11[%parallel_loop3A_1036, %parallel_loop3A_1037], %parallel_loop3A_1040 {add = true, strides = array<i32>} : memref<32x1024xf32, #tpu.memory_space<vmem>>, vector<1x16xf32>,
    } {sc.loop_unroll_factor = 4 : i64, sc.parallel_access}
    %mul3A_794 = arith.constant 64 : i32
    %mul3A_795 = arith.muli %add3A, %mul3A_794 : i32
    %add3A_796 = arith.constant 56 : i32
    %add3A_797 = arith.addi %mul3A_795, %add3A_796 : i32
    %add3A_798 = arith.constant 0 : i32
    %add3A_799 = arith.addi %add3A_798, %add3A_797 : i32
    %dma_start3A_800 = arith.constant 0 : i32
    %dma_start3A_801 = arith.constant 0 : i32
    %dma_start3A_802 = tpu.memref_slice %arg11[%dma_start3A_800, %dma_start3A_801] : memref<32x1024xf32, #tpu.memory_space<vmem>> -> memref<8x1024xf32, #tpu.memory_space<vmem>>
    %dma_start3A_803 = arith.constant 0 : i32
    %dma_start3A_804 = tpu.memref_slice %arg5[%add3A_799, %dma_start3A_803] : memref<8192x1024xf32, #tpu.memory_space<hbm>> -> memref<8x1024xf32, #tpu.memory_space<hbm>>
    %dma_start3A_805 = arith.constant 0 : i32
    %dma_start3A_806 = tpu.memref_slice %arg5[%add3A_799, %dma_start3A_805] : memref<8192x1024xf32, #tpu.memory_space<hbm>> -> memref<8x1024xf32, #tpu.memory_space<hbm>>
    %dma_start3A_807 = arith.constant 0 : i32
    %dma_start3A_808 = arith.constant 0 : i32
    %dma_start3A_809 = tpu.memref_slice %arg11[%dma_start3A_807, %dma_start3A_808] : memref<32x1024xf32, #tpu.memory_space<vmem>> -> memref<8x1024xf32, #tpu.memory_space<vmem>>
    tpu.enqueue_dma source(%dma_start3A_809 : memref<8x1024xf32, #tpu.memory_space<vmem>>) target(%dma_start3A_806 : memref<8x1024xf32, #tpu.memory_space<hbm>>) target_semaphore(%arg20 : memref<!tpu.dma_semaphore, #tpu.memory_space<semaphore_mem>>)
    %add3A_810 = arith.constant 2048 : i32
    %add3A_811 = arith.addi %add3A_810, %add3A_797 : i32
    %dma_start3A_812 = arith.constant 8 : i32
    %dma_start3A_813 = arith.constant 0 : i32
    %dma_start3A_814 = tpu.memref_slice %arg11[%dma_start3A_812, %dma_start3A_813] : memref<32x1024xf32, #tpu.memory_space<vmem>> -> memref<8x1024xf32, #tpu.memory_space<vmem>>
    %dma_start3A_815 = arith.constant 0 : i32
    %dma_start3A_816 = tpu.memref_slice %arg5[%add3A_811, %dma_start3A_815] : memref<8192x1024xf32, #tpu.memory_space<hbm>> -> memref<8x1024xf32, #tpu.memory_space<hbm>>
    %dma_start3A_817 = arith.constant 0 : i32
    %dma_start3A_818 = tpu.memref_slice %arg5[%add3A_811, %dma_start3A_817] : memref<8192x1024xf32, #tpu.memory_space<hbm>> -> memref<8x1024xf32, #tpu.memory_space<hbm>>
    %dma_start3A_819 = arith.constant 8 : i32
    %dma_start3A_820 = arith.constant 0 : i32
    %dma_start3A_821 = tpu.memref_slice %arg11[%dma_start3A_819, %dma_start3A_820] : memref<32x1024xf32, #tpu.memory_space<vmem>> -> memref<8x1024xf32, #tpu.memory_space<vmem>>
    tpu.enqueue_dma source(%dma_start3A_821 : memref<8x1024xf32, #tpu.memory_space<vmem>>) target(%dma_start3A_818 : memref<8x1024xf32, #tpu.memory_space<hbm>>) target_semaphore(%arg20 : memref<!tpu.dma_semaphore, #tpu.memory_space<semaphore_mem>>)
    %add3A_822 = arith.constant 4096 : i32
    %add3A_823 = arith.addi %add3A_822, %add3A_797 : i32
    %dma_start3A_824 = arith.constant 16 : i32
    %dma_start3A_825 = arith.constant 0 : i32
    %dma_start3A_826 = tpu.memref_slice %arg11[%dma_start3A_824, %dma_start3A_825] : memref<32x1024xf32, #tpu.memory_space<vmem>> -> memref<8x1024xf32, #tpu.memory_space<vmem>>
    %dma_start3A_827 = arith.constant 0 : i32
    %dma_start3A_828 = tpu.memref_slice %arg5[%add3A_823, %dma_start3A_827] : memref<8192x1024xf32, #tpu.memory_space<hbm>> -> memref<8x1024xf32, #tpu.memory_space<hbm>>
    %dma_start3A_829 = arith.constant 0 : i32
    %dma_start3A_830 = tpu.memref_slice %arg5[%add3A_823, %dma_start3A_829] : memref<8192x1024xf32, #tpu.memory_space<hbm>> -> memref<8x1024xf32, #tpu.memory_space<hbm>>
    %dma_start3A_831 = arith.constant 16 : i32
    %dma_start3A_832 = arith.constant 0 : i32
    %dma_start3A_833 = tpu.memref_slice %arg11[%dma_start3A_831, %dma_start3A_832] : memref<32x1024xf32, #tpu.memory_space<vmem>> -> memref<8x1024xf32, #tpu.memory_space<vmem>>
    tpu.enqueue_dma source(%dma_start3A_833 : memref<8x1024xf32, #tpu.memory_space<vmem>>) target(%dma_start3A_830 : memref<8x1024xf32, #tpu.memory_space<hbm>>) target_semaphore(%arg20 : memref<!tpu.dma_semaphore, #tpu.memory_space<semaphore_mem>>)
    %add3A_834 = arith.constant 6144 : i32
    %add3A_835 = arith.addi %add3A_834, %add3A_797 : i32
    %dma_start3A_836 = arith.constant 24 : i32
    %dma_start3A_837 = arith.constant 0 : i32
    %dma_start3A_838 = tpu.memref_slice %arg11[%dma_start3A_836, %dma_start3A_837] : memref<32x1024xf32, #tpu.memory_space<vmem>> -> memref<8x1024xf32, #tpu.memory_space<vmem>>
    %dma_start3A_839 = arith.constant 0 : i32
    %dma_start3A_840 = tpu.memref_slice %arg5[%add3A_835, %dma_start3A_839] : memref<8192x1024xf32, #tpu.memory_space<hbm>> -> memref<8x1024xf32, #tpu.memory_space<hbm>>
    %dma_start3A_841 = arith.constant 0 : i32
    %dma_start3A_842 = tpu.memref_slice %arg5[%add3A_835, %dma_start3A_841] : memref<8192x1024xf32, #tpu.memory_space<hbm>> -> memref<8x1024xf32, #tpu.memory_space<hbm>>
    %dma_start3A_843 = arith.constant 24 : i32
    %dma_start3A_844 = arith.constant 0 : i32
    %dma_start3A_845 = tpu.memref_slice %arg11[%dma_start3A_843, %dma_start3A_844] : memref<32x1024xf32, #tpu.memory_space<vmem>> -> memref<8x1024xf32, #tpu.memory_space<vmem>>
    tpu.enqueue_dma source(%dma_start3A_845 : memref<8x1024xf32, #tpu.memory_space<vmem>>) target(%dma_start3A_842 : memref<8x1024xf32, #tpu.memory_space<hbm>>) target_semaphore(%arg20 : memref<!tpu.dma_semaphore, #tpu.memory_space<semaphore_mem>>)
    %dma_wait3A_846 = arith.constant 0 : i32
    %dma_wait3A_847 = arith.constant 0 : i32
    %dma_wait3A_848 = tpu.memref_slice %arg10[%dma_wait3A_846, %dma_wait3A_847] : memref<32x1024xf32, #tpu.memory_space<vmem>> -> memref<8x1024xf32, #tpu.memory_space<vmem>>
    %dma_wait3A_849 = arith.constant 0 : i32
    %dma_wait3A_850 = tpu.memref_slice %arg5[%add3A_733, %dma_wait3A_849] : memref<8192x1024xf32, #tpu.memory_space<hbm>> -> memref<8x1024xf32, #tpu.memory_space<hbm>>
    %dma_wait3A_851 = arith.constant 0 : i32
    %dma_wait3A_852 = tpu.memref_slice %arg5[%add3A_733, %dma_wait3A_851] : memref<8192x1024xf32, #tpu.memory_space<hbm>> -> memref<8x1024xf32, #tpu.memory_space<hbm>>
    %dma_wait3A_853 = arith.constant 0 : i32
    %dma_wait3A_854 = arith.constant 0 : i32
    %dma_wait3A_855 = tpu.memref_slice %arg10[%dma_wait3A_853, %dma_wait3A_854] : memref<32x1024xf32, #tpu.memory_space<vmem>> -> memref<8x1024xf32, #tpu.memory_space<vmem>>
    tpu.wait_dma2 semaphore(%arg19 : memref<!tpu.dma_semaphore, #tpu.memory_space<semaphore_mem>>) src(%dma_wait3A_855 : memref<8x1024xf32, #tpu.memory_space<vmem>>) dst(%dma_wait3A_852 : memref<8x1024xf32, #tpu.memory_space<hbm>>)
    %dma_wait3A_856 = arith.constant 8 : i32
    %dma_wait3A_857 = arith.constant 0 : i32
    %dma_wait3A_858 = tpu.memref_slice %arg10[%dma_wait3A_856, %dma_wait3A_857] : memref<32x1024xf32, #tpu.memory_space<vmem>> -> memref<8x1024xf32, #tpu.memory_space<vmem>>
    %dma_wait3A_859 = arith.constant 0 : i32
    %dma_wait3A_860 = tpu.memref_slice %arg5[%add3A_745, %dma_wait3A_859] : memref<8192x1024xf32, #tpu.memory_space<hbm>> -> memref<8x1024xf32, #tpu.memory_space<hbm>>
    %dma_wait3A_861 = arith.constant 0 : i32
    %dma_wait3A_862 = tpu.memref_slice %arg5[%add3A_745, %dma_wait3A_861] : memref<8192x1024xf32, #tpu.memory_space<hbm>> -> memref<8x1024xf32, #tpu.memory_space<hbm>>
    %dma_wait3A_863 = arith.constant 8 : i32
    %dma_wait3A_864 = arith.constant 0 : i32
    %dma_wait3A_865 = tpu.memref_slice %arg10[%dma_wait3A_863, %dma_wait3A_864] : memref<32x1024xf32, #tpu.memory_space<vmem>> -> memref<8x1024xf32, #tpu.memory_space<vmem>>
    tpu.wait_dma2 semaphore(%arg19 : memref<!tpu.dma_semaphore, #tpu.memory_space<semaphore_mem>>) src(%dma_wait3A_865 : memref<8x1024xf32, #tpu.memory_space<vmem>>) dst(%dma_wait3A_862 : memref<8x1024xf32, #tpu.memory_space<hbm>>)
    %dma_wait3A_866 = arith.constant 16 : i32
    %dma_wait3A_867 = arith.constant 0 : i32
    %dma_wait3A_868 = tpu.memref_slice %arg10[%dma_wait3A_866, %dma_wait3A_867] : memref<32x1024xf32, #tpu.memory_space<vmem>> -> memref<8x1024xf32, #tpu.memory_space<vmem>>
    %dma_wait3A_869 = arith.constant 0 : i32
    %dma_wait3A_870 = tpu.memref_slice %arg5[%add3A_757, %dma_wait3A_869] : memref<8192x1024xf32, #tpu.memory_space<hbm>> -> memref<8x1024xf32, #tpu.memory_space<hbm>>
    %dma_wait3A_871 = arith.constant 0 : i32
    %dma_wait3A_872 = tpu.memref_slice %arg5[%add3A_757, %dma_wait3A_871] : memref<8192x1024xf32, #tpu.memory_space<hbm>> -> memref<8x1024xf32, #tpu.memory_space<hbm>>
    %dma_wait3A_873 = arith.constant 16 : i32
    %dma_wait3A_874 = arith.constant 0 : i32
    %dma_wait3A_875 = tpu.memref_slice %arg10[%dma_wait3A_873, %dma_wait3A_874] : memref<32x1024xf32, #tpu.memory_space<vmem>> -> memref<8x1024xf32, #tpu.memory_space<vmem>>
    tpu.wait_dma2 semaphore(%arg19 : memref<!tpu.dma_semaphore, #tpu.memory_space<semaphore_mem>>) src(%dma_wait3A_875 : memref<8x1024xf32, #tpu.memory_space<vmem>>) dst(%dma_wait3A_872 : memref<8x1024xf32, #tpu.memory_space<hbm>>)
    %dma_wait3A_876 = arith.constant 24 : i32
    %dma_wait3A_877 = arith.constant 0 : i32
    %dma_wait3A_878 = tpu.memref_slice %arg10[%dma_wait3A_876, %dma_wait3A_877] : memref<32x1024xf32, #tpu.memory_space<vmem>> -> memref<8x1024xf32, #tpu.memory_space<vmem>>
    %dma_wait3A_879 = arith.constant 0 : i32
    %dma_wait3A_880 = tpu.memref_slice %arg5[%add3A_769, %dma_wait3A_879] : memref<8192x1024xf32, #tpu.memory_space<hbm>> -> memref<8x1024xf32, #tpu.memory_space<hbm>>
    %dma_wait3A_881 = arith.constant 0 : i32
    %dma_wait3A_882 = tpu.memref_slice %arg5[%add3A_769, %dma_wait3A_881] : memref<8192x1024xf32, #tpu.memory_space<hbm>> -> memref<8x1024xf32, #tpu.memory_space<hbm>>
    %dma_wait3A_883 = arith.constant 24 : i32
    %dma_wait3A_884 = arith.constant 0 : i32
    %dma_wait3A_885 = tpu.memref_slice %arg10[%dma_wait3A_883, %dma_wait3A_884] : memref<32x1024xf32, #tpu.memory_space<vmem>> -> memref<8x1024xf32, #tpu.memory_space<vmem>>
    tpu.wait_dma2 semaphore(%arg19 : memref<!tpu.dma_semaphore, #tpu.memory_space<semaphore_mem>>) src(%dma_wait3A_885 : memref<8x1024xf32, #tpu.memory_space<vmem>>) dst(%dma_wait3A_882 : memref<8x1024xf32, #tpu.memory_space<hbm>>)
    %dma_wait3A_886 = arith.constant 0 : i32
    %dma_wait3A_887 = arith.constant 0 : i32
    %dma_wait3A_888 = tpu.memref_slice %arg11[%dma_wait3A_886, %dma_wait3A_887] : memref<32x1024xf32, #tpu.memory_space<vmem>> -> memref<8x1024xf32, #tpu.memory_space<vmem>>
    %dma_wait3A_889 = arith.constant 0 : i32
    %dma_wait3A_890 = tpu.memref_slice %arg5[%add3A_799, %dma_wait3A_889] : memref<8192x1024xf32, #tpu.memory_space<hbm>> -> memref<8x1024xf32, #tpu.memory_space<hbm>>
    %dma_wait3A_891 = arith.constant 0 : i32
    %dma_wait3A_892 = tpu.memref_slice %arg5[%add3A_799, %dma_wait3A_891] : memref<8192x1024xf32, #tpu.memory_space<hbm>> -> memref<8x1024xf32, #tpu.memory_space<hbm>>
    %dma_wait3A_893 = arith.constant 0 : i32
    %dma_wait3A_894 = arith.constant 0 : i32
    %dma_wait3A_895 = tpu.memref_slice %arg11[%dma_wait3A_893, %dma_wait3A_894] : memref<32x1024xf32, #tpu.memory_space<vmem>> -> memref<8x1024xf32, #tpu.memory_space<vmem>>
    tpu.wait_dma2 semaphore(%arg20 : memref<!tpu.dma_semaphore, #tpu.memory_space<semaphore_mem>>) src(%dma_wait3A_895 : memref<8x1024xf32, #tpu.memory_space<vmem>>) dst(%dma_wait3A_892 : memref<8x1024xf32, #tpu.memory_space<hbm>>)
    %dma_wait3A_896 = arith.constant 8 : i32
    %dma_wait3A_897 = arith.constant 0 : i32
    %dma_wait3A_898 = tpu.memref_slice %arg11[%dma_wait3A_896, %dma_wait3A_897] : memref<32x1024xf32, #tpu.memory_space<vmem>> -> memref<8x1024xf32, #tpu.memory_space<vmem>>
    %dma_wait3A_899 = arith.constant 0 : i32
    %dma_wait3A_900 = tpu.memref_slice %arg5[%add3A_811, %dma_wait3A_899] : memref<8192x1024xf32, #tpu.memory_space<hbm>> -> memref<8x1024xf32, #tpu.memory_space<hbm>>
    %dma_wait3A_901 = arith.constant 0 : i32
    %dma_wait3A_902 = tpu.memref_slice %arg5[%add3A_811, %dma_wait3A_901] : memref<8192x1024xf32, #tpu.memory_space<hbm>> -> memref<8x1024xf32, #tpu.memory_space<hbm>>
    %dma_wait3A_903 = arith.constant 8 : i32
    %dma_wait3A_904 = arith.constant 0 : i32
    %dma_wait3A_905 = tpu.memref_slice %arg11[%dma_wait3A_903, %dma_wait3A_904] : memref<32x1024xf32, #tpu.memory_space<vmem>> -> memref<8x1024xf32, #tpu.memory_space<vmem>>
    tpu.wait_dma2 semaphore(%arg20 : memref<!tpu.dma_semaphore, #tpu.memory_space<semaphore_mem>>) src(%dma_wait3A_905 : memref<8x1024xf32, #tpu.memory_space<vmem>>) dst(%dma_wait3A_902 : memref<8x1024xf32, #tpu.memory_space<hbm>>)
    %dma_wait3A_906 = arith.constant 16 : i32
    %dma_wait3A_907 = arith.constant 0 : i32
    %dma_wait3A_908 = tpu.memref_slice %arg11[%dma_wait3A_906, %dma_wait3A_907] : memref<32x1024xf32, #tpu.memory_space<vmem>> -> memref<8x1024xf32, #tpu.memory_space<vmem>>
    %dma_wait3A_909 = arith.constant 0 : i32
    %dma_wait3A_910 = tpu.memref_slice %arg5[%add3A_823, %dma_wait3A_909] : memref<8192x1024xf32, #tpu.memory_space<hbm>> -> memref<8x1024xf32, #tpu.memory_space<hbm>>
    %dma_wait3A_911 = arith.constant 0 : i32
    %dma_wait3A_912 = tpu.memref_slice %arg5[%add3A_823, %dma_wait3A_911] : memref<8192x1024xf32, #tpu.memory_space<hbm>> -> memref<8x1024xf32, #tpu.memory_space<hbm>>
    %dma_wait3A_913 = arith.constant 16 : i32
    %dma_wait3A_914 = arith.constant 0 : i32
    %dma_wait3A_915 = tpu.memref_slice %arg11[%dma_wait3A_913, %dma_wait3A_914] : memref<32x1024xf32, #tpu.memory_space<vmem>> -> memref<8x1024xf32, #tpu.memory_space<vmem>>
    tpu.wait_dma2 semaphore(%arg20 : memref<!tpu.dma_semaphore, #tpu.memory_space<semaphore_mem>>) src(%dma_wait3A_915 : memref<8x1024xf32, #tpu.memory_space<vmem>>) dst(%dma_wait3A_912 : memref<8x1024xf32, #tpu.memory_space<hbm>>)
    %dma_wait3A_916 = arith.constant 24 : i32
    %dma_wait3A_917 = arith.constant 0 : i32
    %dma_wait3A_918 = tpu.memref_slice %arg11[%dma_wait3A_916, %dma_wait3A_917] : memref<32x1024xf32, #tpu.memory_space<vmem>> -> memref<8x1024xf32, #tpu.memory_space<vmem>>
    %dma_wait3A_919 = arith.constant 0 : i32
    %dma_wait3A_920 = tpu.memref_slice %arg5[%add3A_835, %dma_wait3A_919] : memref<8192x1024xf32, #tpu.memory_space<hbm>> -> memref<8x1024xf32, #tpu.memory_space<hbm>>
    %dma_wait3A_921 = arith.constant 0 : i32
    %dma_wait3A_922 = tpu.memref_slice %arg5[%add3A_835, %dma_wait3A_921] : memref<8192x1024xf32, #tpu.memory_space<hbm>> -> memref<8x1024xf32, #tpu.memory_space<hbm>>
    %dma_wait3A_923 = arith.constant 24 : i32
    %dma_wait3A_924 = arith.constant 0 : i32
    %dma_wait3A_925 = tpu.memref_slice %arg11[%dma_wait3A_923, %dma_wait3A_924] : memref<32x1024xf32, #tpu.memory_space<vmem>> -> memref<8x1024xf32, #tpu.memory_space<vmem>>
    tpu.wait_dma2 semaphore(%arg20 : memref<!tpu.dma_semaphore, #tpu.memory_space<semaphore_mem>>) src(%dma_wait3A_925 : memref<8x1024xf32, #tpu.memory_space<vmem>>) dst(%dma_wait3A_922 : memref<8x1024xf32, #tpu.memory_space<hbm>>)
    %dma_wait3A_926 = arith.constant 0 : i32
    %dma_wait3A_927 = arith.constant 0 : i32
    %dma_wait3A_928 = tpu.memref_slice %arg12[%dma_wait3A_926, %dma_wait3A_927] : memref<32x1024xf32, #tpu.memory_space<vmem>> -> memref<8x1024xf32, #tpu.memory_space<vmem>>
    %dma_wait3A_929 = arith.constant 0 : i32
    %dma_wait3A_930 = tpu.memref_slice %arg5[%add3A_667, %dma_wait3A_929] : memref<8192x1024xf32, #tpu.memory_space<hbm>> -> memref<8x1024xf32, #tpu.memory_space<hbm>>
    %dma_wait3A_931 = arith.constant 0 : i32
    %dma_wait3A_932 = tpu.memref_slice %arg5[%add3A_667, %dma_wait3A_931] : memref<8192x1024xf32, #tpu.memory_space<hbm>> -> memref<8x1024xf32, #tpu.memory_space<hbm>>
    %dma_wait3A_933 = arith.constant 0 : i32
    %dma_wait3A_934 = arith.constant 0 : i32
    %dma_wait3A_935 = tpu.memref_slice %arg12[%dma_wait3A_933, %dma_wait3A_934] : memref<32x1024xf32, #tpu.memory_space<vmem>> -> memref<8x1024xf32, #tpu.memory_space<vmem>>
    tpu.wait_dma2 semaphore(%arg21 : memref<!tpu.dma_semaphore, #tpu.memory_space<semaphore_mem>>) src(%dma_wait3A_935 : memref<8x1024xf32, #tpu.memory_space<vmem>>) dst(%dma_wait3A_932 : memref<8x1024xf32, #tpu.memory_space<hbm>>)
    %dma_wait3A_936 = arith.constant 8 : i32
    %dma_wait3A_937 = arith.constant 0 : i32
    %dma_wait3A_938 = tpu.memref_slice %arg12[%dma_wait3A_936, %dma_wait3A_937] : memref<32x1024xf32, #tpu.memory_space<vmem>> -> memref<8x1024xf32, #tpu.memory_space<vmem>>
    %dma_wait3A_939 = arith.constant 0 : i32
    %dma_wait3A_940 = tpu.memref_slice %arg5[%add3A_679, %dma_wait3A_939] : memref<8192x1024xf32, #tpu.memory_space<hbm>> -> memref<8x1024xf32, #tpu.memory_space<hbm>>
    %dma_wait3A_941 = arith.constant 0 : i32
    %dma_wait3A_942 = tpu.memref_slice %arg5[%add3A_679, %dma_wait3A_941] : memref<8192x1024xf32, #tpu.memory_space<hbm>> -> memref<8x1024xf32, #tpu.memory_space<hbm>>
    %dma_wait3A_943 = arith.constant 8 : i32
    %dma_wait3A_944 = arith.constant 0 : i32
    %dma_wait3A_945 = tpu.memref_slice %arg12[%dma_wait3A_943, %dma_wait3A_944] : memref<32x1024xf32, #tpu.memory_space<vmem>> -> memref<8x1024xf32, #tpu.memory_space<vmem>>
    tpu.wait_dma2 semaphore(%arg21 : memref<!tpu.dma_semaphore, #tpu.memory_space<semaphore_mem>>) src(%dma_wait3A_945 : memref<8x1024xf32, #tpu.memory_space<vmem>>) dst(%dma_wait3A_942 : memref<8x1024xf32, #tpu.memory_space<hbm>>)
    %dma_wait3A_946 = arith.constant 16 : i32
    %dma_wait3A_947 = arith.constant 0 : i32
    %dma_wait3A_948 = tpu.memref_slice %arg12[%dma_wait3A_946, %dma_wait3A_947] : memref<32x1024xf32, #tpu.memory_space<vmem>> -> memref<8x1024xf32, #tpu.memory_space<vmem>>
    %dma_wait3A_949 = arith.constant 0 : i32
    %dma_wait3A_950 = tpu.memref_slice %arg5[%add3A_691, %dma_wait3A_949] : memref<8192x1024xf32, #tpu.memory_space<hbm>> -> memref<8x1024xf32, #tpu.memory_space<hbm>>
    %dma_wait3A_951 = arith.constant 0 : i32
    %dma_wait3A_952 = tpu.memref_slice %arg5[%add3A_691, %dma_wait3A_951] : memref<8192x1024xf32, #tpu.memory_space<hbm>> -> memref<8x1024xf32, #tpu.memory_space<hbm>>
    %dma_wait3A_953 = arith.constant 16 : i32
    %dma_wait3A_954 = arith.constant 0 : i32
    %dma_wait3A_955 = tpu.memref_slice %arg12[%dma_wait3A_953, %dma_wait3A_954] : memref<32x1024xf32, #tpu.memory_space<vmem>> -> memref<8x1024xf32, #tpu.memory_space<vmem>>
    tpu.wait_dma2 semaphore(%arg21 : memref<!tpu.dma_semaphore, #tpu.memory_space<semaphore_mem>>) src(%dma_wait3A_955 : memref<8x1024xf32, #tpu.memory_space<vmem>>) dst(%dma_wait3A_952 : memref<8x1024xf32, #tpu.memory_space<hbm>>)
    %dma_wait3A_956 = arith.constant 24 : i32
    %dma_wait3A_957 = arith.constant 0 : i32
    %dma_wait3A_958 = tpu.memref_slice %arg12[%dma_wait3A_956, %dma_wait3A_957] : memref<32x1024xf32, #tpu.memory_space<vmem>> -> memref<8x1024xf32, #tpu.memory_space<vmem>>
    %dma_wait3A_959 = arith.constant 0 : i32
    %dma_wait3A_960 = tpu.memref_slice %arg5[%add3A_703, %dma_wait3A_959] : memref<8192x1024xf32, #tpu.memory_space<hbm>> -> memref<8x1024xf32, #tpu.memory_space<hbm>>
    %dma_wait3A_961 = arith.constant 0 : i32
    %dma_wait3A_962 = tpu.memref_slice %arg5[%add3A_703, %dma_wait3A_961] : memref<8192x1024xf32, #tpu.memory_space<hbm>> -> memref<8x1024xf32, #tpu.memory_space<hbm>>
    %dma_wait3A_963 = arith.constant 24 : i32
    %dma_wait3A_964 = arith.constant 0 : i32
    %dma_wait3A_965 = tpu.memref_slice %arg12[%dma_wait3A_963, %dma_wait3A_964] : memref<32x1024xf32, #tpu.memory_space<vmem>> -> memref<8x1024xf32, #tpu.memory_space<vmem>>
    tpu.wait_dma2 semaphore(%arg21 : memref<!tpu.dma_semaphore, #tpu.memory_space<semaphore_mem>>) src(%dma_wait3A_965 : memref<8x1024xf32, #tpu.memory_space<vmem>>) dst(%dma_wait3A_962 : memref<8x1024xf32, #tpu.memory_space<hbm>>)
    return
  }
}

</mosaic_0001>

<sc_bundles>
// kernel: _emb.3.cloned.1.call-start
scs
__scs_entry_jumppad:
0x0: {  	(pc) =	sbr.rel $0x88, $3  }
0x1: {  	(tag) =	ssettag $0x0;
	lr =	simm.s32 $0x1  }
0x2: {  	[smem:$0x3F9E] =	sst lr;
	_ =	strace $0xD0000000  }
0x3: {  	_ = 	snop  }
0x4: {  	_ = 	snop  }
0x5: {  	_ = 	snop  }
0x6: {  	_ = 	snop  }
0x7: {  	_ = 	snop  }
__scs_overlays_trampoline_lowered:
0x8: {  	[smem:$0x3FAD] =	sst s0  }
0x9: {  	[smem:$0x3FAE] =	sst s1  }
0xa: {  	[smem:$0x3FAF] =	sst s2  }
0xb: {  	[smem:$0x3FB0] =	sst s3  }
0xc: {  	[smem:$0x3FB1] =	sst s4  }
0xd: {  	[smem:$0x3FB2] =	sst s5  }
0xe: {  	[smem:$0x3FB3] =	sst s6  }
0xf: {  	[smem:$0x3FB4] =	sst s7  }
0x10: {  	[smem:$0x3FB5] =	sst s8  }
0x11: {  	[smem:$0x3FB6] =	sst s9;
	s0 =	simm.s32 @!p0 $0x0  }
0x12: {  	s1 =	sld [smem:$0x3F9C];
	s0 =	simm.s32 @p0 $0x1  }
0x13: {  	[smem:$0x3FB7] =	sst s0;
	s0 =	simm.s32 @!p1 $0x0  }
0x14: {  	s2 =	sld [smem:$0x3F9B];
	s0 =	simm.s32 @p1 $0x1  }
0x15: {  	[smem:$0x3FB8] =	sst s0;
	s0 =	simm.s32 @!p2 $0x0  }
0x16: {  	s3 =	sld [smem:$0x3FDB];
	s0 =	simm.s32 @p2 $0x1  }
0x17: {  	s4 =	simm.s32 $0x1BF5;
	[smem:$0x3FBA] =	sst s0  }
0x18: {  	s0 =	sld [smem:$0x3F9D];
	_ =	swait.ge [sflag:s4], $0x0  }
0x19: {  	s7 =	sld [smem:$0x3F9E]  }
0x1a: {  	s8 =	sadd.s32 $0xFFFFE003, lr  }
0x1b: {  	s9 =	sadd.s32 $0xFFFFFEF7, lr;
	s5 =	simm.s32 $0xFFFFFFFF;
	p2 =	slt.u32 s8, $0xFFFFF086  }
0x1c: {  	p1 =	slt.u32 s9, $0xF7A;
	s5 =	simm.s32 @!p2 $0x0  }
0x1d: {  	s5 =	simm.s32 @p1 $0x1;
	p0 =	seq.s32 s7, s2  }
0x1e: {  	s7 =	smul.u32 @!p0 $0xF7A, s2;
	p2 =	seq.s32 @!p0 s5, $0x0  }
0x1f: {  	s9 =	smul.u32 $0xF7A, s1;
	s8 =	simm.s32 @!p0 $0x1BF5;
	p2 =	por !p2, p0  }
0x20: {  	[sflag:s8] =	ssyncset.s32 @!p0 $0xFFFFF086;
	s6 =	sadd.s32 @!p0 s3, s7;
	s7 =	simm.s32 @!p0 $0x108  }
0x21: {  	s3 =	sadd.s32 s3, s9;
	s6 =	sadd.s32 @!p0 $0x88, s6;
	s7 =	simm.s32 @p2 $0x1082  }
0x22: {  	[simem:s7], [sflag:s8] =	dma.local @!p0 [hbm:s6], $0xF7A  }
0x23: {  	s9 =	sor.u32 $0xD0000000, s2;
	s6 =	simm.s32 $0x108;
	_ =	swait.ge @!p0 [sflag:s8], $0x0  }
0x24: {  	s3 =	sadd.s32 $0x88, s3;
	s6 =	simm.s32 @!p1 $0x1082;
	[sflag:s4] =	ssyncset.s32 $0xFFFFF086  }
0x25: {  	[simem:s6], [sflag:s4] =	dma.local [hbm:s3], $0xF7A  }
0x26: {  	[smem:$0x3F9E] =	sst s1;
	(tag) =	ssettag s2;
	_ =	strace s9  }
0x27: {  	s1 =	sld [smem:$0x3FAE]  }
0x28: {  	s2 =	sld [smem:$0x3FAF]  }
0x29: {  	s4 =	sld [smem:$0x3FB1]  }
0x2a: {  	p0 =	seq.s32 s5, $0x0;
	s5 =	sld [smem:$0x3FB2]  }
0x2b: {  	s6 =	sld [smem:$0x3FB3]  }
0x2c: {  	s7 =	sld [smem:$0x3FB4]  }
0x2d: {  	s3 =	simm.s32 $0x108;
	s8 =	sld [smem:$0x3FB5]  }
0x2e: {  	s3 =	simm.s32 @!p0 $0x1082;
	s9 =	sld [smem:$0x3FB6]  }
0x2f: {  	lr =	sadd.s32 s0, s3;
	s0 =	sld [smem:$0x3FAD]  }
0x30: {  	s3 =	sld [smem:$0x3FB0]  }
0x31: {  	[smem:$0x3FB9] =	sst s10  }
0x32: {  	s10 =	sld [smem:$0x3FB7];
	_ =	sdelay $0x3  }
0x33: {  	p0 =	seq.s32 s10, $0x1;
	s10 =	sld [smem:$0x3FB9];
	_ =	sdelay $0x3  }
0x34: {  	[smem:$0x3FB9] =	sst s10  }
0x35: {  	s10 =	sld [smem:$0x3FB8];
	_ =	sdelay $0x3  }
0x36: {  	p1 =	seq.s32 s10, $0x1;
	s10 =	sld [smem:$0x3FB9];
	_ =	sdelay $0x3  }
0x37: {  	[smem:$0x3FB9] =	sst s10  }
0x38: {  	s10 =	sld [smem:$0x3FBA]  }
0x39: {  	_ = 	snop;
	(pc) =	sbr.ind lr, $3  }
0x3a: {  	_ = 	snop  }
0x3b: {  	_ = 	snop  }
0x3c: {  	p2 =	seq.s32 s10, $0x1;
	s10 =	sld [smem:$0x3FB9]  }
0x3d: {  	_ =	shalt  }
0x3e: {  	_ =	shalt  }
0x3f: {  	_ =	shalt  }
0x40: {  	_ =	shalt  }
0x41: {  	_ =	shalt  }
0x42: {  	_ =	shalt  }
0x43: {  	_ =	shalt  }
0x44: {  	_ =	shalt  }
0x45: {  	_ =	shalt  }
0x46: {  	_ =	shalt  }
0x47: {  	_ =	shalt  }
0x48: {  	_ =	shalt  }
0x49: {  	_ =	shalt  }
0x4a: {  	_ =	shalt  }
0x4b: {  	_ =	shalt  }
0x4c: {  	_ =	shalt  }
0x4d: {  	_ =	shalt  }
0x4e: {  	_ =	shalt  }
0x4f: {  	_ =	shalt  }
0x50: {  	_ =	shalt  }
0x51: {  	_ =	shalt  }
0x52: {  	_ =	shalt  }
0x53: {  	_ =	shalt  }
0x54: {  	_ =	shalt  }
0x55: {  	_ =	shalt  }
0x56: {  	_ =	shalt  }
0x57: {  	_ =	shalt  }
0x58: {  	_ =	shalt  }
0x59: {  	_ =	shalt  }
0x5a: {  	_ =	shalt  }
0x5b: {  	_ =	shalt  }
0x5c: {  	_ =	shalt  }
0x5d: {  	_ =	shalt  }
0x5e: {  	_ =	shalt  }
0x5f: {  	_ =	shalt  }
0x60: {  	_ =	shalt  }
0x61: {  	_ =	shalt  }
0x62: {  	_ =	shalt  }
0x63: {  	_ =	shalt  }
0x64: {  	_ =	shalt  }
0x65: {  	_ =	shalt  }
0x66: {  	_ =	shalt  }
0x67: {  	_ =	shalt  }
0x68: {  	_ =	shalt  }
0x69: {  	_ =	shalt  }
0x6a: {  	_ =	shalt  }
0x6b: {  	_ =	shalt  }
0x6c: {  	_ =	shalt  }
0x6d: {  	_ =	shalt  }
0x6e: {  	_ =	shalt  }
0x6f: {  	_ =	shalt  }
0x70: {  	_ =	shalt  }
0x71: {  	_ =	shalt  }
0x72: {  	_ =	shalt  }
0x73: {  	_ =	shalt  }
0x74: {  	_ =	shalt  }
0x75: {  	_ =	shalt  }
0x76: {  	_ =	shalt  }
0x77: {  	_ =	shalt  }
0x78: {  	_ =	shalt  }
0x79: {  	_ =	shalt  }
0x7a: {  	_ =	shalt  }
0x7b: {  	_ =	shalt  }
0x7c: {  	_ =	shalt  }
0x7d: {  	_ =	shalt  }
0x7e: {  	_ =	shalt  }
0x7f: {  	_ =	shalt  }
0x80: {  	_ =	shalt  }
0x81: {  	_ =	shalt  }
0x82: {  	_ =	shalt  }
0x83: {  	_ =	shalt  }
0x84: {  	_ =	shalt  }
0x85: {  	_ =	shalt  }
0x86: {  	_ =	shalt  }
0x87: {  	_ =	shalt  }
.Lfunc_end0:
.L_simem_size_0:
called_computation_lowered:
.L_overlay_start_0:
0x88: {  	s2 =	sld [smem:$0x3FD9]  }
0x89: {  	s3 =	sld [smem:$0x3FFE];
	_ =	sdelay $0x1  }
0x8a: {  	s1 =	srdreg.scid  }
0x8b: {  	s0 =	sand.u32 $0x1, s1  }
0x8c: {  	s18 =	sshll.u32 s0, $0xA;
	s2 =	sadd.s32 s3, s2  }
0x8d: {  	s2 =	sadd.s32 s2, s18  }
0x8e: {  	[smem:$0x3FC5] =	sst s2  }
0x8f: {  	_ = 	snop  }
0x90: {  	s2 =	sld [smem:$0x3FC9]  }
0x91: {  	s19 =	sld [smem:$0x3FC8]  }
0x92: {  	s4 =	sld [smem:$0x3FC7]  }
0x93: {  	s5 =	sld [smem:$0x3FD0];
	(tm) =	ssettm $0x1  }
0x94: {  	s6 =	sld [smem:$0x3FFB];
	_ =	sdelay $0x3  }
0x95: {  	_ =	strace s6  }
0x96: {  	s6 =	sld [smem:$0x3FFC];
	_ =	sdelay $0x3  }
0x97: {  	_ =	strace s6  }
0x98: {  	s6 =	sld [smem:$0x3FFD];
	_ =	sdelay $0x3  }
0x99: {  	_ =	strace s6  }
0x9a: {  	_ =	strace $0x8FFFFFFF  }
0x9b: {  	s20 =	sld [smem:$0x3FDB];
	_ =	sdelay $0x1  }
0x9c: {  	s7 =	simm.s32 $_scs_section_size  }
0x9d: {  	s8 =	simm.s32 $_size__tile_overlayer_lowered;
	s9 =	simm.s32 $_tile_overlayer_lowered  }
0x9e: {  	s23 =	simm.s32 $0x1BFF;
	s22 =	sshll.u32 s9, $0x1;
	s6 =	sadd.s32 s7, s20  }
0x9f: {  	s10 =	simm.s32 $0x0;
	s21 =	sshll.u32 s8, $0x1;
	s8 =	sadd.s32 s22, s6  }
0xa0: {  	[timem:s10], [sflag:s23] =	dma.local [hbm:s8], s21  }
0xa1: {  	_ =	swait.ge [sflag:s23], s21  }
0xa2: {  	s7 =	ssub.s32 $0x0, s21;
	[sflag:s23] =	ssyncset.done $0x0  }
0xa3: {  	[sflag:s23] =	ssyncadd.s32 s7;
	_ =	sdelay $0x1  }
0xa4: {  	s24 =	simm.s32 $0x1B8B  }
0xa5: {  	_ =	swait.ge [sflag:s24], $0x1  }
0xa6: {  	[sflag:s24] =	ssyncset.done $0x0  }
0xa7: {  	s25 =	simm.s32 $0x1B8E;
	[sflag:s24] =	ssyncadd.s32 $0xFFFFFFFF  }
0xa8: {  	s26 =	simm.s32 $execute0_lowered;
	[smem:$0x3FD2] =	sst s25  }
0xa9: {  	s7 =	sshll.u32 s26, $0x1;
	_ =	strace $0x80000046;
	[dreg:$0x1] =	wrdreg $0xFFFFFFFF  }
0xaa: {  	s28 =	simm.s32 $_size_execute0_lowered;
	s6 =	sadd.s32 s6, s7;
	[dreg:$0x0] =	wrdreg $0x0  }
0xab: {  	s7 =	sshll.u32 s28, $0x1;
	[dreg:$0x2] =	wrdreg s6  }
0xac: {  	[dreg:$0x3] =	wrdreg s7  }
0xad: {  	[dreg:$0x4] =	wrdreg $0xC0  }
0xae: {  	_ =	task [dreg:s10], $0x5FFFF  }
0xaf: {  	[dreg:$0x1] =	wrdreg $0xFFFFFFFF  }
0xb0: {  	[dreg:$0x0] =	wrdreg $0x60  }
0xb1: {  	[dreg:$0x2] =	wrdreg s2  }
0xb2: {  	[dreg:$0x3] =	wrdreg s19  }
0xb3: {  	[dreg:$0x4] =	wrdreg s4  }
0xb4: {  	[dreg:$0x5] =	wrdreg s5  }
0xb5: {  	[dreg:$0x6] =	wrdreg $0x9  }
0xb6: {  	_ =	task.clear_ibuf [dreg:s10], $0x7FFFF;
	_ =	strace $0x90000046  }
0xb7: {  	s29 =	simm.s32 $0x9;
	_ =	strace $0x80000048  }
0xb8: {  	_ =	swait.ge [sflag:s29], $0x1  }
0xb9: {  	[sflag:s29] =	ssyncadd.s32 $0xFFFFFFFF  }
0xba: {  	_ =	strace $0x90000048  }
0xbb: {  	_ =	sfence  }
0xbc: {  	s30 =	sld [smem:$0x0];
	_ =	sdelay $0x2  }
0xbd: {  	s31 =	sshll.u32 s1, $0xD;
	s1 =	sshrl.u32 s1, $0x2  }
0xbe: {  	s3 =	sand.u32 $0x4000, s31;
	s1 =	sadd.s32 s1, s30  }
0xbf: {  	s0 =	sor.u32 s3, s0;
	s1 =	sshll.u32 s1, $0x11  }
0xc0: {  	s0 =	sor.u32 s1, s0  }
0xc1: {  	s0 =	sadd.s32 $0x8F2B, s0  }
0xc2: {  	[sflag:s0] =	ssyncadd.remote.s32 $0x1  }
0xc3: {  	_ =	sfence.sel $0xFFFF  }
0xc4: {  	[dreg:$0x0] =	wrdreg $0xFFFFFFFF;
	(pc) =	sbr.abs _section_cstart, $3  }
0xc5: {  	[dreg:$0x1] =	wrdreg $0xFFFFFFFF  }
0xc6: {  	_ =	task.clear_ibuf [dreg:s10], $0x2FFFF;
	_ =	strace $0x9FFFFFFF  }
0xc7: {  	(tm) =	ssettm $0x7FFFFFFF  }
tec
execute0_lowered:
.L_overlay_start_1:
0x0: {  	(tag) =	ssettag $0x1  }
0x1: {  	s0 =	rddreg [dreg:$0x0]  }
0x2: {  	s3 =	srdreg.scid;
	s6 =	stileid.u32  }
0x3: {  	s2 =	rddreg [dreg:$0x1];
	s5 =	sand.u32 $0x1, s3;
	s6 =	sshll.u32 s6, $0x1  }
0x4: {  	s1 =	rddreg [dreg:$0x2];
	s8 =	sor.u32 s5, s6  }
0x5: {  	s4 =	rddreg [dreg:$0x3];
	s3 =	simm.s32 $0x0;
	s6 =	sshll.u32 s8, $0x7  }
0x6: {  	[smem:$0x7FF] =	sst s3;
	s16 =	sshll.u32 s8, $0xD;
	s0 =	sadd.s32 s0, s6  }
0x7: {  	_ =	strace $0x80000047;
	s8 =	sadd.s32 s1, s16;
	[dreg:$0x5] =	wrdreg s0  }
0x8: {  	s17 =	sor.u32 $0x400, s16;
	s13 =	sadd.s32 s4, s16;
	[dreg:$0x6] =	wrdreg s8  }
0x9: {  	s18 =	sor.u32 $0x800, s16;
	s10 =	sadd.s32 s1, s17;
	[dreg:$0x9] =	wrdreg s13  }
0xa: {  	s11 =	sor.u32 $0xC00, s16;
	s12 =	sadd.s32 s1, s18;
	[dreg:$0x7] =	wrdreg s10  }
0xb: {  	s19 =	sadd.s32 s1, s11;
	[dreg:$0x8] =	wrdreg s12  }
0xc: {  	s20 =	sor.u32 $0x1000, s16;
	s8 =	sadd.s32 s4, s17;
	[dreg:$0xa] =	wrdreg s19  }
0xd: {  	s21 =	sor.u32 $0x1400, s16;
	s14 =	sadd.s32 s1, s20;
	[dreg:$0xb] =	wrdreg s8  }
0xe: {  	s22 =	sadd.s32 s1, s21;
	[dreg:$0xc] =	wrdreg s14  }
0xf: {  	s24 =	sor.u32 $0x1800, s16;
	s23 =	sadd.s32 s4, s11;
	[dreg:$0xe] =	wrdreg s22  }
0x10: {  	s25 =	sadd.s32 s1, s24;
	[dreg:$0xf] =	wrdreg s23  }
0x11: {  	s7 =	ssub.s32 $0x2, s5;
	s26 =	sadd.s32 s4, s21;
	[dreg:$0x10] =	wrdreg s25  }
0x12: {  	s15 =	sshrl.u32 s7, $0x1;
	s28 =	sadd.s32 s4, s24;
	[dreg:$0x13] =	wrdreg s26  }
0x13: {  	s9 =	ssub.s32 s7, s15;
	s29 =	sadd.s32 $0x40000, s13;
	[dreg:$0x14] =	wrdreg s28  }
0x14: {  	s30 =	smax.u32 s9, $0x1;
	[dreg:$0x16] =	wrdreg s29  }
0x15: {  	s9 =	sadd.s32 $0x80400, s13;
	[dreg:$0x17] =	wrdreg s30  }
0x16: {  	s11 =	sadd.s32 $0x40800, s13;
	[dreg:$0x1b] =	wrdreg s9  }
0x17: {  	s15 =	sadd.s32 $0x40C00, s13;
	[dreg:$0x1d] =	wrdreg s11  }
0x18: {  	s0 =	sor.u32 $0x1C00, s16;
	s16 =	sadd.s32 $0x80C00, s13;
	[smem:$0x7EF] =	sst s15  }
0x19: {  	s17 =	sadd.s32 $0xC0C00, s13;
	[smem:$0x7F0] =	sst s16  }
0x1a: {  	s21 =	sadd.s32 $0x41400, s13;
	[smem:$0x7F1] =	sst s17  }
0x1b: {  	s24 =	sadd.s32 $0x41800, s13;
	[smem:$0x7F5] =	sst s21  }
0x1c: {  	s10 =	sadd.s32 s4, s18;
	[smem:$0x7F8] =	sst s24  }
0x1d: {  	s8 =	sadd.s32 s4, s20;
	[dreg:$0xd] =	wrdreg s10  }
0x1e: {  	s1 =	sadd.s32 s1, s0;
	[dreg:$0x11] =	wrdreg s8  }
0x1f: {  	s0 =	sadd.s32 s4, s0;
	[dreg:$0x12] =	wrdreg s1  }
0x20: {  	s4 =	sadd.s32 $0xC0000, s13;
	[dreg:$0x15] =	wrdreg s0  }
0x21: {  	s12 =	sadd.s32 $0x80800, s13;
	[dreg:$0x19] =	wrdreg s4  }
0x22: {  	s14 =	sadd.s32 $0xC0800, s13;
	[dreg:$0x1e] =	wrdreg s12  }
0x23: {  	s18 =	sadd.s32 $0x41000, s13;
	[dreg:$0x1f] =	wrdreg s14  }
0x24: {  	s19 =	sadd.s32 $0x81000, s13;
	[smem:$0x7F2] =	sst s18  }
0x25: {  	s20 =	sadd.s32 $0xC1000, s13;
	[smem:$0x7F3] =	sst s19  }
0x26: {  	s22 =	sadd.s32 $0x81400, s13;
	[smem:$0x7F4] =	sst s20  }
0x27: {  	s31 =	simm.s32 $0x9;
	s23 =	sadd.s32 $0xC1400, s13;
	[smem:$0x7F6] =	sst s22  }
0x28: {  	s5 =	sadd.s32 $0x100, s2;
	s25 =	sadd.s32 $0x81800, s13;
	[smem:$0x7F7] =	sst s23  }
0x29: {  	s6 =	sadd.s32 $0x200, s2;
	s26 =	sadd.s32 $0xC1800, s13;
	[smem:$0x7F9] =	sst s25  }
0x2a: {  	s7 =	sadd.s32 $0x300, s2;
	s28 =	sadd.s32 $0x41C00, s13;
	[smem:$0x7FA] =	sst s26  }
0x2b: {  	s29 =	sadd.s32 $0x81C00, s13;
	s30 =	sadd.s32 $0xC1C00, s13;
	[smem:$0x7FB] =	sst s28  }
0x2c: {  	s9 =	simm.s32 $0x10400;
	s11 =	simm.s32 $0x14400;
	[smem:$0x7FC] =	sst s29  }
0x2d: {  	s24 =	simm.s32 $0x8;
	s1 =	sadd.s32 $0x80000, s13;
	[smem:$0x7FD] =	sst s30  }
0x2e: {  	s8 =	sadd.s32 $0x40400, s13;
	s10 =	sadd.s32 $0xC0400, s13;
	[dreg:$0x18] =	wrdreg s1  }
0x2f: {  	v2 =	vlaneseq.u32;
	s22 =	simm.s32 $0x8400;
	s23 =	simm.s32 $0xA400;
	[dreg:$0x1a] =	wrdreg s8  }
0x30: {  	vm0 =	vmmov $0xffff;
	v1 =	vshrl.u32 v2, $0x3;
	s19 =	simm.s32 $0xC400;
	s20 =	simm.s32 $0x7;
	[dreg:$0x1c] =	wrdreg s10  }
0x31: {  	v0 =	vand.u32 $0x7, v2;
	v2 =	vor.u32 $0x8, v2;
	v1 =	vmul.u32 $0x8, v1;
	s8 =	simm.s32 $0xE400;
	s10 =	simm.s32 $0x12400;
	s1 =	simm.s32 $0x0  }
.LBB2_1:
0x32: {  	s0 =	rddreg [dreg:$0x5];
	s16 =	simm.s32 $0xA  }
0x33: {  	[tilespmem:s3], [sflag:$0xA] =	stream.linear.gather [hbm4b:s0+s3], $0x400, $0x38;
	[tilespmem:$0x1E400] =	vst v63  }
0x34: {  	_ =	swait.ge [sflag:s16], $0x400  }
0x35: {  	[sflag:s16] =	ssyncset.done $0x0  }
0x36: {  	[sflag:s16] =	ssyncadd.s32 $0xFFFFFC00  }
0x37: {  	v3 =	vld [tilespmem:$0x0];
	_ =	sdelay $0x4  }
0x38: {  	v4 =	vshll.u32 v3, $0x3  }
0x39: {  	v3 =	vand.u32 $0x7, v3;
	v4 =	vand.u32 $0xFFFFFFC0, v4  }
0x3a: {  	v3 =	vor.u32 v3, v4  }
0x3b: {  	v4 =	vperm.xlane v3, v0;
	_ =	sdelay $0x1  }
0x3c: {  	v4 =	vadd.s32 v1, v4;
	_ =	sdelay $0x3  }
0x3d: {  	s17 =	simm.s32 $0x6400  }
0x3e: {  	[tilespmem:s17], [sflag:$0x4] =	stream.indirect_vreg.gather [hbm4b:s2+s3], $0x80, v4, vm0, $0xb8;
	[tilespmem:$0x1E400] =	vst v63  }
0x3f: {  	s18 =	simm.s32 $0x6C00;
	v3 =	vperm.xlane v3, v2  }
0x40: {  	[tilespmem:s18], [sflag:$0x4] =	stream.indirect_vreg.gather [hbm4b:s5+s3], $0x80, v4, vm0, $0xb8;
	[tilespmem:$0x1E400] =	vst v63  }
0x41: {  	s21 =	simm.s32 $0x7400;
	v3 =	vadd.s32 v1, v3  }
0x42: {  	[tilespmem:s21], [sflag:$0x4] =	stream.indirect_vreg.gather [hbm4b:s6+s3], $0x80, v4, vm0, $0xb8;
	[tilespmem:$0x1E400] =	vst v63  }
0x43: {  	s25 =	simm.s32 $0x7C00  }
0x44: {  	[tilespmem:s25], [sflag:$0x4] =	stream.indirect_vreg.gather [hbm4b:s7+s3], $0x80, v4, vm0, $0xb8;
	[tilespmem:$0x1E400] =	vst v63  }
0x45: {  	_ = 	snop  }
0x46: {  	[tilespmem:s22], [sflag:$0x4] =	stream.indirect_vreg.gather [hbm4b:s2+s3], $0x80, v3, vm0, $0xb8;
	[tilespmem:$0x1E400] =	vst v63  }
0x47: {  	s26 =	simm.s32 $0x8C00  }
0x48: {  	[tilespmem:s26], [sflag:$0x4] =	stream.indirect_vreg.gather [hbm4b:s5+s3], $0x80, v3, vm0, $0xb8;
	[tilespmem:$0x1E400] =	vst v63  }
0x49: {  	s28 =	simm.s32 $0x9400  }
0x4a: {  	[tilespmem:s28], [sflag:$0x4] =	stream.indirect_vreg.gather [hbm4b:s6+s3], $0x80, v3, vm0, $0xb8;
	[tilespmem:$0x1E400] =	vst v63  }
0x4b: {  	s29 =	simm.s32 $0x9C00  }
0x4c: {  	[tilespmem:s29], [sflag:$0x4] =	stream.indirect_vreg.gather [hbm4b:s7+s3], $0x80, v3, vm0, $0xb8;
	[tilespmem:$0x1E400] =	vst v63  }
0x4d: {  	v3 =	vld [tilespmem:$0x10];
	_ =	sdelay $0x4  }
0x4e: {  	v4 =	vshll.u32 v3, $0x3  }
0x4f: {  	v3 =	vand.u32 $0x7, v3;
	v4 =	vand.u32 $0xFFFFFFC0, v4  }
0x50: {  	v3 =	vor.u32 v3, v4  }
0x51: {  	v4 =	vperm.xlane v3, v0;
	_ =	sdelay $0x1  }
0x52: {  	v4 =	vadd.s32 v1, v4;
	_ =	sdelay $0x4  }
0x53: {  	[tilespmem:s23], [sflag:$0x4] =	stream.indirect_vreg.gather [hbm4b:s2+s3], $0x80, v4, vm0, $0xb8;
	[tilespmem:$0x1E400] =	vst v63  }
0x54: {  	s30 =	simm.s32 $0xAC00;
	v3 =	vperm.xlane v3, v2  }
0x55: {  	[tilespmem:s30], [sflag:$0x4] =	stream.indirect_vreg.gather [hbm4b:s5+s3], $0x80, v4, vm0, $0xb8;
	[tilespmem:$0x1E400] =	vst v63  }
0x56: {  	s4 =	simm.s32 $0xB400;
	v3 =	vadd.s32 v1, v3  }
0x57: {  	[tilespmem:s4], [sflag:$0x4] =	stream.indirect_vreg.gather [hbm4b:s6+s3], $0x80, v4, vm0, $0xb8;
	[tilespmem:$0x1E400] =	vst v63  }
0x58: {  	s12 =	simm.s32 $0xBC00  }
0x59: {  	[tilespmem:s12], [sflag:$0x4] =	stream.indirect_vreg.gather [hbm4b:s7+s3], $0x80, v4, vm0, $0xb8;
	[tilespmem:$0x1E400] =	vst v63  }
0x5a: {  	_ = 	snop  }
0x5b: {  	[tilespmem:s19], [sflag:$0x4] =	stream.indirect_vreg.gather [hbm4b:s2+s3], $0x80, v3, vm0, $0xb8;
	[tilespmem:$0x1E400] =	vst v63  }
0x5c: {  	s13 =	simm.s32 $0xCC00  }
0x5d: {  	[tilespmem:s13], [sflag:$0x4] =	stream.indirect_vreg.gather [hbm4b:s5+s3], $0x80, v3, vm0, $0xb8;
	[tilespmem:$0x1E400] =	vst v63  }
0x5e: {  	s14 =	simm.s32 $0xD400  }
0x5f: {  	[tilespmem:s14], [sflag:$0x4] =	stream.indirect_vreg.gather [hbm4b:s6+s3], $0x80, v3, vm0, $0xb8;
	[tilespmem:$0x1E400] =	vst v63  }
0x60: {  	s15 =	simm.s32 $0xDC00  }
0x61: {  	[tilespmem:s15], [sflag:$0x4] =	stream.indirect_vreg.gather [hbm4b:s7+s3], $0x80, v3, vm0, $0xb8;
	[tilespmem:$0x1E400] =	vst v63  }
0x62: {  	s16 =	rddreg [dreg:$0x6];
	s4 =	simm.s32 $0x400  }
0x63: {  	[tilespmem:s4], [sflag:$0x1] =	stream.linear.gather [hbm4b:s16+s3], $0x2000, $0x38;
	[tilespmem:$0x1E400] =	vst v63  }
0x64: {  	v3 =	vld [tilespmem:$0x80];
	_ =	sdelay $0x4  }
0x65: {  	v4 =	vshll.u32 v3, $0x3  }
0x66: {  	v3 =	vand.u32 $0x7, v3;
	v4 =	vand.u32 $0xFFFFFFC0, v4  }
0x67: {  	v3 =	vor.u32 v3, v4  }
0x68: {  	v4 =	vperm.xlane v3, v0;
	_ =	sdelay $0x1  }
0x69: {  	v4 =	vadd.s32 v1, v4;
	_ =	sdelay $0x4  }
0x6a: {  	[tilespmem:s8], [sflag:$0x5] =	stream.indirect_vreg.gather [hbm4b:s2+s3], $0x80, v4, vm0, $0xb8;
	[tilespmem:$0x1E400] =	vst v63  }
0x6b: {  	s17 =	simm.s32 $0xEC00;
	v3 =	vperm.xlane v3, v2  }
0x6c: {  	[tilespmem:s17], [sflag:$0x5] =	stream.indirect_vreg.gather [hbm4b:s5+s3], $0x80, v4, vm0, $0xb8;
	[tilespmem:$0x1E400] =	vst v63  }
0x6d: {  	s18 =	simm.s32 $0xF400;
	v3 =	vadd.s32 v1, v3  }
0x6e: {  	[tilespmem:s18], [sflag:$0x5] =	stream.indirect_vreg.gather [hbm4b:s6+s3], $0x80, v4, vm0, $0xb8;
	[tilespmem:$0x1E400] =	vst v63  }
0x6f: {  	s19 =	simm.s32 $0xFC00  }
0x70: {  	[tilespmem:s19], [sflag:$0x5] =	stream.indirect_vreg.gather [hbm4b:s7+s3], $0x80, v4, vm0, $0xb8;
	[tilespmem:$0x1E400] =	vst v63  }
0x71: {  	_ = 	snop  }
0x72: {  	[tilespmem:s9], [sflag:$0x5] =	stream.indirect_vreg.gather [hbm4b:s2+s3], $0x80, v3, vm0, $0xb8;
	[tilespmem:$0x1E400] =	vst v63  }
0x73: {  	s21 =	simm.s32 $0x10C00  }
0x74: {  	[tilespmem:s21], [sflag:$0x5] =	stream.indirect_vreg.gather [hbm4b:s5+s3], $0x80, v3, vm0, $0xb8;
	[tilespmem:$0x1E400] =	vst v63  }
0x75: {  	s22 =	simm.s32 $0x11400  }
0x76: {  	[tilespmem:s22], [sflag:$0x5] =	stream.indirect_vreg.gather [hbm4b:s6+s3], $0x80, v3, vm0, $0xb8;
	[tilespmem:$0x1E400] =	vst v63  }
0x77: {  	s23 =	simm.s32 $0x11C00  }
0x78: {  	[tilespmem:s23], [sflag:$0x5] =	stream.indirect_vreg.gather [hbm4b:s7+s3], $0x80, v3, vm0, $0xb8;
	[tilespmem:$0x1E400] =	vst v63  }
0x79: {  	v3 =	vld [tilespmem:$0x90];
	_ =	sdelay $0x4  }
0x7a: {  	v4 =	vshll.u32 v3, $0x3  }
0x7b: {  	v3 =	vand.u32 $0x7, v3;
	v4 =	vand.u32 $0xFFFFFFC0, v4  }
0x7c: {  	v3 =	vor.u32 v3, v4  }
0x7d: {  	v4 =	vperm.xlane v3, v0;
	_ =	sdelay $0x1  }
0x7e: {  	v4 =	vadd.s32 v1, v4;
	_ =	sdelay $0x4  }
0x7f: {  	[tilespmem:s10], [sflag:$0x5] =	stream.indirect_vreg.gather [hbm4b:s2+s3], $0x80, v4, vm0, $0xb8;
	[tilespmem:$0x1E400] =	vst v63  }
0x80: {  	s25 =	simm.s32 $0x12C00;
	v3 =	vperm.xlane v3, v2  }
0x81: {  	[tilespmem:s25], [sflag:$0x5] =	stream.indirect_vreg.gather [hbm4b:s5+s3], $0x80, v4, vm0, $0xb8;
	[tilespmem:$0x1E400] =	vst v63  }
0x82: {  	s26 =	simm.s32 $0x13400;
	v3 =	vadd.s32 v1, v3  }
0x83: {  	[tilespmem:s26], [sflag:$0x5] =	stream.indirect_vreg.gather [hbm4b:s6+s3], $0x80, v4, vm0, $0xb8;
	[tilespmem:$0x1E400] =	vst v63  }
0x84: {  	s28 =	simm.s32 $0x13C00  }
0x85: {  	[tilespmem:s28], [sflag:$0x5] =	stream.indirect_vreg.gather [hbm4b:s7+s3], $0x80, v4, vm0, $0xb8;
	[tilespmem:$0x1E400] =	vst v63  }
0x86: {  	_ = 	snop  }
0x87: {  	[tilespmem:s11], [sflag:$0x5] =	stream.indirect_vreg.gather [hbm4b:s2+s3], $0x80, v3, vm0, $0xb8;
	[tilespmem:$0x1E400] =	vst v63  }
0x88: {  	s29 =	simm.s32 $0x14C00  }
0x89: {  	[tilespmem:s29], [sflag:$0x5] =	stream.indirect_vreg.gather [hbm4b:s5+s3], $0x80, v3, vm0, $0xb8;
	[tilespmem:$0x1E400] =	vst v63  }
0x8a: {  	s30 =	simm.s32 $0x15400  }
0x8b: {  	[tilespmem:s30], [sflag:$0x5] =	stream.indirect_vreg.gather [hbm4b:s6+s3], $0x80, v3, vm0, $0xb8;
	[tilespmem:$0x1E400] =	vst v63  }
0x8c: {  	s4 =	simm.s32 $0x15C00  }
0x8d: {  	[tilespmem:s4], [sflag:$0x5] =	stream.indirect_vreg.gather [hbm4b:s7+s3], $0x80, v3, vm0, $0xb8;
	[tilespmem:$0x1E400] =	vst v63  }
0x8e: {  	s8 =	rddreg [dreg:$0x7];
	s9 =	simm.s32 $0x2400  }
0x8f: {  	[tilespmem:s9], [sflag:$0x2] =	stream.linear.gather [hbm4b:s8+s3], $0x2000, $0x38;
	[tilespmem:$0x1E400] =	vst v63  }
0x90: {  	v3 =	vld [tilespmem:$0x100];
	_ =	sdelay $0x4  }
0x91: {  	v4 =	vshll.u32 v3, $0x3  }
0x92: {  	v3 =	vand.u32 $0x7, v3;
	v4 =	vand.u32 $0xFFFFFFC0, v4  }
0x93: {  	v3 =	vor.u32 v3, v4  }
0x94: {  	v4 =	vperm.xlane v3, v0;
	_ =	sdelay $0x1  }
0x95: {  	v4 =	vadd.s32 v1, v4;
	_ =	sdelay $0x3  }
0x96: {  	s10 =	simm.s32 $0x16400  }
0x97: {  	[tilespmem:s10], [sflag:$0x6] =	stream.indirect_vreg.gather [hbm4b:s2+s3], $0x80, v4, vm0, $0xb8;
	[tilespmem:$0x1E400] =	vst v63  }
0x98: {  	s11 =	simm.s32 $0x16C00;
	v3 =	vperm.xlane v3, v2  }
0x99: {  	[tilespmem:s11], [sflag:$0x6] =	stream.indirect_vreg.gather [hbm4b:s5+s3], $0x80, v4, vm0, $0xb8;
	[tilespmem:$0x1E400] =	vst v63  }
0x9a: {  	s12 =	simm.s32 $0x17400;
	v3 =	vadd.s32 v1, v3  }
0x9b: {  	[tilespmem:s12], [sflag:$0x6] =	stream.indirect_vreg.gather [hbm4b:s6+s3], $0x80, v4, vm0, $0xb8;
	[tilespmem:$0x1E400] =	vst v63  }
0x9c: {  	s13 =	simm.s32 $0x17C00  }
0x9d: {  	[tilespmem:s13], [sflag:$0x6] =	stream.indirect_vreg.gather [hbm4b:s7+s3], $0x80, v4, vm0, $0xb8;
	[tilespmem:$0x1E400] =	vst v63  }
0x9e: {  	s14 =	simm.s32 $0x18400  }
0x9f: {  	[tilespmem:s14], [sflag:$0x6] =	stream.indirect_vreg.gather [hbm4b:s2+s3], $0x80, v3, vm0, $0xb8;
	[tilespmem:$0x1E400] =	vst v63  }
0xa0: {  	s15 =	simm.s32 $0x18C00  }
0xa1: {  	[tilespmem:s15], [sflag:$0x6] =	stream.indirect_vreg.gather [hbm4b:s5+s3], $0x80, v3, vm0, $0xb8;
	[tilespmem:$0x1E400] =	vst v63  }
0xa2: {  	s16 =	simm.s32 $0x19400  }
0xa3: {  	[tilespmem:s16], [sflag:$0x6] =	stream.indirect_vreg.gather [hbm4b:s6+s3], $0x80, v3, vm0, $0xb8;
	[tilespmem:$0x1E400] =	vst v63  }
0xa4: {  	s17 =	simm.s32 $0x19C00  }
0xa5: {  	[tilespmem:s17], [sflag:$0x6] =	stream.indirect_vreg.gather [hbm4b:s7+s3], $0x80, v3, vm0, $0xb8;
	[tilespmem:$0x1E400] =	vst v63  }
0xa6: {  	v3 =	vld [tilespmem:$0x110];
	_ =	sdelay $0x4  }
0xa7: {  	v4 =	vshll.u32 v3, $0x3  }
0xa8: {  	v3 =	vand.u32 $0x7, v3;
	v4 =	vand.u32 $0xFFFFFFC0, v4  }
0xa9: {  	v3 =	vor.u32 v3, v4  }
0xaa: {  	v4 =	vperm.xlane v3, v0;
	_ =	sdelay $0x1  }
0xab: {  	v4 =	vadd.s32 v1, v4;
	_ =	sdelay $0x3  }
0xac: {  	s18 =	simm.s32 $0x1A400  }
0xad: {  	[tilespmem:s18], [sflag:$0x6] =	stream.indirect_vreg.gather [hbm4b:s2+s3], $0x80, v4, vm0, $0xb8;
	[tilespmem:$0x1E400] =	vst v63  }
0xae: {  	s19 =	simm.s32 $0x1AC00;
	v3 =	vperm.xlane v3, v2  }
0xaf: {  	[tilespmem:s19], [sflag:$0x6] =	stream.indirect_vreg.gather [hbm4b:s5+s3], $0x80, v4, vm0, $0xb8;
	[tilespmem:$0x1E400] =	vst v63  }
0xb0: {  	s21 =	simm.s32 $0x1B400;
	v3 =	vadd.s32 v1, v3  }
0xb1: {  	[tilespmem:s21], [sflag:$0x6] =	stream.indirect_vreg.gather [hbm4b:s6+s3], $0x80, v4, vm0, $0xb8;
	[tilespmem:$0x1E400] =	vst v63  }
0xb2: {  	s22 =	simm.s32 $0x1BC00  }
0xb3: {  	[tilespmem:s22], [sflag:$0x6] =	stream.indirect_vreg.gather [hbm4b:s7+s3], $0x80, v4, vm0, $0xb8;
	[tilespmem:$0x1E400] =	vst v63  }
0xb4: {  	s23 =	simm.s32 $0x1C400  }
0xb5: {  	[tilespmem:s23], [sflag:$0x6] =	stream.indirect_vreg.gather [hbm4b:s2+s3], $0x80, v3, vm0, $0xb8;
	[tilespmem:$0x1E400] =	vst v63  }
0xb6: {  	s25 =	simm.s32 $0x1CC00  }
0xb7: {  	[tilespmem:s25], [sflag:$0x6] =	stream.indirect_vreg.gather [hbm4b:s5+s3], $0x80, v3, vm0, $0xb8;
	[tilespmem:$0x1E400] =	vst v63  }
0xb8: {  	s26 =	simm.s32 $0x1D400  }
0xb9: {  	[tilespmem:s26], [sflag:$0x6] =	stream.indirect_vreg.gather [hbm4b:s6+s3], $0x80, v3, vm0, $0xb8;
	[tilespmem:$0x1E400] =	vst v63  }
0xba: {  	s28 =	simm.s32 $0x1DC00  }
0xbb: {  	[tilespmem:s28], [sflag:$0x6] =	stream.indirect_vreg.gather [hbm4b:s7+s3], $0x80, v3, vm0, $0xb8;
	[tilespmem:$0x1E400] =	vst v63  }
0xbc: {  	s29 =	rddreg [dreg:$0x8];
	s30 =	simm.s32 $0x4400;
	s8 =	simm.s32 $0x4  }
0xbd: {  	[tilespmem:s30], [sflag:$0x3] =	stream.linear.gather [hbm4b:s29+s3], $0x2000, $0x38;
	[tilespmem:$0x1E400] =	vst v63  }
0xbe: {  	_ =	swait.ge [sflag:s8], $0x8000  }
0xbf: {  	s9 =	simm.s32 $0x1;
	[sflag:s8] =	ssyncset.done $0x0  }
0xc0: {  	s10 =	simm.s32 $0x0;
	s12 =	sand.u32 $0x40, s3;
	[sflag:s8] =	ssyncadd.s32 $0xFFFF8000  }
0xc1: {  	s16 =	sand.u32 $0x1C00, s3;
	s17 =	sand.u32 $0xFFFFFF80, s10;
	_ =	swait.ge [sflag:s9], $0x2000  }
0xc2: {  	s13 =	sor.u32 $0x30, s12;
	s11 =	sadd.s32 s16, s17;
	[sflag:s9] =	ssyncset.done $0x0  }
0xc3: {  	s14 =	sor.u32 s13, s11;
	s8 =	sand.u32 $0x3FFFFF80, s10;
	[sflag:s9] =	ssyncadd.s32 $0xFFFFE000  }
0xc4: {  	s15 =	sor.u32 s12, s11;
	s8 =	sadd.s32 s16, s8;
	s16 =	sor.u32 $0x10, s12;
	v4 =	vld [tilespmem:s14+$0x400]  }
0xc5: {  	s21 =	sor.u32 s16, s11;
	v5 =	vld [tilespmem:s15+$0x400]  }
0xc6: {  	v3 =	vld [tilespmem:s21+$0x400];
	_ =	sdelay $0x2  }
0xc7: {  	[tilespmem:s14+$0x6400] =	vst.add.f32.msk $0xffff, v4  }
0xc8: {  	s10 =	sadd.s32 $0x8400, s8;
	[tilespmem:s15+$0x6400] =	vst.add.f32.msk $0xffff, v5  }
0xc9: {  	s18 =	sor.u32 s13, s10;
	[tilespmem:s21+$0x6400] =	vst.add.f32.msk $0xffff, v3  }
0xca: {  	s23 =	sor.u32 s12, s10;
	[tilespmem:s18+$0x0] =	vst.add.f32.msk $0xffff, v4  }
0xcb: {  	s30 =	sadd.s32 $0xA400, s8;
	s29 =	sor.u32 s16, s10;
	[tilespmem:s23+$0x0] =	vst.add.f32.msk $0xffff, v5  }
0xcc: {  	s22 =	sadd.s32 $0xC400, s8;
	s19 =	sor.u32 s13, s30;
	[tilespmem:s29+$0x0] =	vst.add.f32.msk $0xffff, v3  }
0xcd: {  	s28 =	sor.u32 $0x20, s12;
	s8 =	sor.u32 s13, s22;
	[tilespmem:s19+$0x0] =	vst.add.f32.msk $0xffff, v4  }
0xce: {  	s25 =	sor.u32 s12, s30;
	s9 =	sor.u32 s28, s11;
	[tilespmem:s8+$0x0] =	vst.add.f32.msk $0xffff, v4  }
0xcf: {  	s26 =	sor.u32 s12, s22;
	s13 =	sor.u32 s28, s22;
	s11 =	simm.s32 $0x0;
	v4 =	vld [tilespmem:s9+$0x400]  }
0xd0: {  	s14 =	sor.u32 s28, s10;
	s15 =	sor.u32 s28, s30;
	s10 =	simm.s32 $0x0;
	[tilespmem:s25+$0x0] =	vst.add.f32.msk $0xffff, v5  }
0xd1: {  	s25 =	sor.u32 s16, s30;
	s16 =	sor.u32 s16, s22;
	s8 =	simm.s32 $0x0;
	[tilespmem:s26+$0x0] =	vst.add.f32.msk $0xffff, v5  }
.LBB2_2:
0xd2: {  	s8 =	sadd.s32 $0x4, s8;
	[tilespmem:s25+$0x0] =	vst.add.f32.msk $0xffff, v3  }
0xd3: {  	s10 =	sadd.s32 $0x40, s10;
	s11 =	sadd.s32 $0x200, s11;
	s4 =	sshll.u32 s8, $0x1;
	[tilespmem:s16+$0x0] =	vst.add.f32.msk $0xffff, v3  }
0xd4: {  	s16 =	sand.u32 $0x40, s10;
	s25 =	sand.u32 $0x1C00, s11;
	s30 =	sand.u32 $0xFFFFFF80, s4;
	[tilespmem:s9+$0x6400] =	vst.add.f32.msk $0xffff, v4  }
0xd5: {  	s12 =	sor.u32 $0x30, s16;
	s9 =	sadd.s32 s25, s30;
	s30 =	sor.u32 $0x10, s16;
	[tilespmem:s14+$0x0] =	vst.add.f32.msk $0xffff, v4  }
0xd6: {  	s21 =	sor.u32 $0x20, s16;
	s17 =	sor.u32 s16, s9;
	s14 =	sor.u32 s12, s9;
	[tilespmem:s15+$0x0] =	vst.add.f32.msk $0xffff, v4  }
0xd7: {  	p0 =	slt.u32 s8, $0x1FC;
	s26 =	sor.u32 s30, s9;
	s9 =	sor.u32 s21, s9;
	v5 =	vld [tilespmem:s14+$0x400]  }
0xd8: {  	v6 =	vld [tilespmem:s17+$0x400]  }
0xd9: {  	s4 =	sand.u32 $0x3FFFFF80, s4;
	v3 =	vld [tilespmem:s26+$0x400]  }
0xda: {  	s4 =	sadd.s32 s25, s4;
	v7 =	vld [tilespmem:s9+$0x400]  }
0xdb: {  	s15 =	sadd.s32 $0x8400, s4;
	[tilespmem:s13+$0x0] =	vst.add.f32.msk $0xffff, v4  }
0xdc: {  	s0 =	sor.u32 s16, s15;
	s13 =	sadd.s32 $0xA400, s4;
	[tilespmem:s14+$0x6400] =	vst.add.f32.msk $0xffff, v5;
	s14 =	sor.u32 s12, s15  }
0xdd: {  	s4 =	sadd.s32 $0xC400, s4;
	s28 =	sor.u32 s16, s13;
	[tilespmem:s14+$0x0] =	vst.add.f32.msk $0xffff, v5;
	s14 =	sor.u32 s12, s13  }
0xde: {  	s18 =	sor.u32 s30, s15;
	s29 =	sor.u32 s16, s4;
	s12 =	sor.u32 s12, s4;
	[tilespmem:s14+$0x0] =	vst.add.f32.msk $0xffff, v5  }
0xdf: {  	s25 =	sor.u32 s30, s13;
	s16 =	sor.u32 s30, s4;
	s14 =	sor.u32 s21, s15;
	[tilespmem:s12+$0x0] =	vst.add.f32.msk $0xffff, v5;
	v4 =	vmov v7  }
0xe0: {  	s15 =	sor.u32 s21, s13;
	s13 =	sor.u32 s21, s4;
	[tilespmem:s17+$0x6400] =	vst.add.f32.msk $0xffff, v6  }
.Ltmp0:
0xe1: {  	[tilespmem:s0+$0x0] =	vst.add.f32.msk $0xffff, v6;
	(pc) =	sbr.rel @p0 .LBB2_2-.Ltmp0, $4  }
0xe2: {  	[tilespmem:s28+$0x0] =	vst.add.f32.msk $0xffff, v6  }
0xe3: {  	[tilespmem:s29+$0x0] =	vst.add.f32.msk $0xffff, v6  }
0xe4: {  	[tilespmem:s26+$0x6400] =	vst.add.f32.msk $0xffff, v3  }
0xe5: {  	[tilespmem:s18+$0x0] =	vst.add.f32.msk $0xffff, v3  }
0xe6: {  	[tilespmem:s25+$0x0] =	vst.add.f32.msk $0xffff, v3  }
0xe7: {  	[tilespmem:s9+$0x6400] =	vst.add.f32.msk $0xffff, v4  }
0xe8: {  	[tilespmem:s16+$0x0] =	vst.add.f32.msk $0xffff, v3  }
0xe9: {  	[tilespmem:s14+$0x0] =	vst.add.f32.msk $0xffff, v4  }
0xea: {  	[tilespmem:s15+$0x0] =	vst.add.f32.msk $0xffff, v4  }
0xeb: {  	[tilespmem:s13+$0x0] =	vst.add.f32.msk $0xffff, v4  }
0xec: {  	s8 =	simm.s32 $0x0;
	s4 =	simm.s32 $0x6400;
	s0 =	rddreg [dreg:$0x9]  }
0xed: {  	[hbm4b:s0+s8] =	stream.linear.scatter [tilespmem:s4], [sflag:$0x7], $0x2000, $0x38;
	[tilespmem:$0x1E400] =	vst v63  }
0xee: {  	s23 =	simm.s32 $0x8400;
	s22 =	rddreg [dreg:$0x16]  }
0xef: {  	[hbm4b:s22+s8] =	stream.linear.scatter [tilespmem:s23], [sflag:$0x7], $0x2000, $0x38;
	[tilespmem:$0x1E400] =	vst v63  }
0xf0: {  	s10 =	simm.s32 $0xA400;
	s25 =	rddreg [dreg:$0x18]  }
0xf1: {  	[hbm4b:s25+s8] =	stream.linear.scatter [tilespmem:s10], [sflag:$0x7], $0x2000, $0x38;
	[tilespmem:$0x1E400] =	vst v63  }
0xf2: {  	s11 =	simm.s32 $0xC400;
	s26 =	rddreg [dreg:$0x19]  }
0xf3: {  	[hbm4b:s26+s8] =	stream.linear.scatter [tilespmem:s11], [sflag:$0x7], $0x2000, $0x38;
	[tilespmem:$0x1E400] =	vst v63  }
0xf4: {  	_ =	swait.ge [sflag:s20], $0x2000  }
0xf5: {  	[sflag:s20] =	ssyncset.done $0x0  }
0xf6: {  	[sflag:s20] =	ssyncadd.s32 $0xFFFFE000  }
0xf7: {  	_ =	swait.ge [sflag:s20], $0x2000  }
0xf8: {  	[sflag:s20] =	ssyncset.done $0x0  }
0xf9: {  	[sflag:s20] =	ssyncadd.s32 $0xFFFFE000  }
0xfa: {  	_ =	swait.ge [sflag:s20], $0x2000  }
0xfb: {  	[sflag:s20] =	ssyncset.done $0x0  }
0xfc: {  	[sflag:s20] =	ssyncadd.s32 $0xFFFFE000  }
0xfd: {  	_ =	swait.ge [sflag:s20], $0x2000  }
0xfe: {  	[sflag:s20] =	ssyncset.done $0x0  }
0xff: {  	[sflag:s20] =	ssyncadd.s32 $0xFFFFE000  }
0x100: {  	v3 =	vld [tilespmem:$0x180];
	_ =	sdelay $0x4  }
0x101: {  	v4 =	vshll.u32 v3, $0x3  }
0x102: {  	v3 =	vand.u32 $0x7, v3;
	v4 =	vand.u32 $0xFFFFFFC0, v4  }
0x103: {  	v3 =	vor.u32 v3, v4  }
0x104: {  	v4 =	vperm.xlane v3, v0;
	_ =	sdelay $0x1  }
0x105: {  	v4 =	vadd.s32 v1, v4;
	_ =	sdelay $0x4  }
0x106: {  	[tilespmem:s4], [sflag:$0x4] =	stream.indirect_vreg.gather [hbm4b:s2+s8], $0x80, v4, vm0, $0xb8;
	[tilespmem:$0x1E400] =	vst v63  }
0x107: {  	s28 =	simm.s32 $0x6C00;
	v3 =	vperm.xlane v3, v2  }
0x108: {  	[tilespmem:s28], [sflag:$0x4] =	stream.indirect_vreg.gather [hbm4b:s5+s8], $0x80, v4, vm0, $0xb8;
	[tilespmem:$0x1E400] =	vst v63  }
0x109: {  	s29 =	simm.s32 $0x7400;
	v3 =	vadd.s32 v1, v3  }
0x10a: {  	[tilespmem:s29], [sflag:$0x4] =	stream.indirect_vreg.gather [hbm4b:s6+s8], $0x80, v4, vm0, $0xb8;
	[tilespmem:$0x1E400] =	vst v63  }
0x10b: {  	s30 =	simm.s32 $0x7C00  }
0x10c: {  	[tilespmem:s30], [sflag:$0x4] =	stream.indirect_vreg.gather [hbm4b:s7+s8], $0x80, v4, vm0, $0xb8;
	[tilespmem:$0x1E400] =	vst v63  }
0x10d: {  	_ = 	snop  }
0x10e: {  	[tilespmem:s23], [sflag:$0x4] =	stream.indirect_vreg.gather [hbm4b:s2+s8], $0x80, v3, vm0, $0xb8;
	[tilespmem:$0x1E400] =	vst v63  }
0x10f: {  	s4 =	simm.s32 $0x8C00  }
0x110: {  	[tilespmem:s4], [sflag:$0x4] =	stream.indirect_vreg.gather [hbm4b:s5+s8], $0x80, v3, vm0, $0xb8;
	[tilespmem:$0x1E400] =	vst v63  }
0x111: {  	s9 =	simm.s32 $0x9400  }
0x112: {  	[tilespmem:s9], [sflag:$0x4] =	stream.indirect_vreg.gather [hbm4b:s6+s8], $0x80, v3, vm0, $0xb8;
	[tilespmem:$0x1E400] =	vst v63  }
0x113: {  	s12 =	simm.s32 $0x9C00  }
0x114: {  	[tilespmem:s12], [sflag:$0x4] =	stream.indirect_vreg.gather [hbm4b:s7+s8], $0x80, v3, vm0, $0xb8;
	[tilespmem:$0x1E400] =	vst v63  }
0x115: {  	v3 =	vld [tilespmem:$0x190];
	_ =	sdelay $0x4  }
0x116: {  	v4 =	vshll.u32 v3, $0x3  }
0x117: {  	v3 =	vand.u32 $0x7, v3;
	v4 =	vand.u32 $0xFFFFFFC0, v4  }
0x118: {  	v3 =	vor.u32 v3, v4  }
0x119: {  	v4 =	vperm.xlane v3, v0;
	_ =	sdelay $0x1  }
0x11a: {  	v4 =	vadd.s32 v1, v4;
	_ =	sdelay $0x4  }
0x11b: {  	[tilespmem:s10], [sflag:$0x4] =	stream.indirect_vreg.gather [hbm4b:s2+s8], $0x80, v4, vm0, $0xb8;
	[tilespmem:$0x1E400] =	vst v63  }
0x11c: {  	s13 =	simm.s32 $0xAC00;
	v3 =	vperm.xlane v3, v2  }
0x11d: {  	[tilespmem:s13], [sflag:$0x4] =	stream.indirect_vreg.gather [hbm4b:s5+s8], $0x80, v4, vm0, $0xb8;
	[tilespmem:$0x1E400] =	vst v63  }
0x11e: {  	s14 =	simm.s32 $0xB400;
	v3 =	vadd.s32 v1, v3  }
0x11f: {  	[tilespmem:s14], [sflag:$0x4] =	stream.indirect_vreg.gather [hbm4b:s6+s8], $0x80, v4, vm0, $0xb8;
	[tilespmem:$0x1E400] =	vst v63  }
0x120: {  	s15 =	simm.s32 $0xBC00  }
0x121: {  	[tilespmem:s15], [sflag:$0x4] =	stream.indirect_vreg.gather [hbm4b:s7+s8], $0x80, v4, vm0, $0xb8;
	[tilespmem:$0x1E400] =	vst v63  }
0x122: {  	_ = 	snop  }
0x123: {  	[tilespmem:s11], [sflag:$0x4] =	stream.indirect_vreg.gather [hbm4b:s2+s8], $0x80, v3, vm0, $0xb8;
	[tilespmem:$0x1E400] =	vst v63  }
0x124: {  	s16 =	simm.s32 $0xCC00  }
0x125: {  	[tilespmem:s16], [sflag:$0x4] =	stream.indirect_vreg.gather [hbm4b:s5+s8], $0x80, v3, vm0, $0xb8;
	[tilespmem:$0x1E400] =	vst v63  }
0x126: {  	s17 =	simm.s32 $0xD400  }
0x127: {  	[tilespmem:s17], [sflag:$0x4] =	stream.indirect_vreg.gather [hbm4b:s6+s8], $0x80, v3, vm0, $0xb8;
	[tilespmem:$0x1E400] =	vst v63  }
0x128: {  	s18 =	simm.s32 $0xDC00  }
0x129: {  	[tilespmem:s18], [sflag:$0x4] =	stream.indirect_vreg.gather [hbm4b:s7+s8], $0x80, v3, vm0, $0xb8;
	[tilespmem:$0x1E400] =	vst v63  }
0x12a: {  	s21 =	simm.s32 $0x400;
	s22 =	simm.s32 $0x5;
	s19 =	rddreg [dreg:$0xa]  }
0x12b: {  	[tilespmem:s21], [sflag:$0x1] =	stream.linear.gather [hbm4b:s19+s8], $0x2000, $0x38;
	[tilespmem:$0x1E400] =	vst v63  }
0x12c: {  	_ =	swait.ge [sflag:s22], $0x8000  }
0x12d: {  	s25 =	sand.u32 $0x40, s8;
	[sflag:s22] =	ssyncset.done $0x0  }
0x12e: {  	s23 =	simm.s32 $0x0;
	s12 =	simm.s32 $0x2;
	[sflag:s22] =	ssyncadd.s32 $0xFFFF8000  }
0x12f: {  	s14 =	sand.u32 $0x1C00, s8;
	s15 =	sand.u32 $0xFFFFFF80, s23;
	_ =	swait.ge [sflag:s12], $0x2000  }
0x130: {  	s10 =	sadd.s32 s14, s15;
	s16 =	sor.u32 $0x30, s25;
	[sflag:s12] =	ssyncset.done $0x0  }
0x131: {  	s17 =	sor.u32 s16, s10;
	[sflag:s12] =	ssyncadd.s32 $0xFFFFE000  }
0x132: {  	s18 =	sor.u32 s25, s10;
	v3 =	vld [tilespmem:s17+$0x2400]  }
0x133: {  	v4 =	vld [tilespmem:s18+$0x2400];
	_ =	sdelay $0x1  }
0x134: {  	s0 =	sand.u32 $0x3FFFFF80, s23  }
0x135: {  	s0 =	sadd.s32 s14, s0  }
0x136: {  	s9 =	sadd.s32 $0x10400, s0;
	[tilespmem:s17+$0xE400] =	vst.add.f32.msk $0xffff, v3  }
0x137: {  	s19 =	sadd.s32 $0x12400, s0;
	s21 =	sor.u32 s16, s9;
	[tilespmem:s18+$0xE400] =	vst.add.f32.msk $0xffff, v4  }
0x138: {  	s0 =	sadd.s32 $0x14400, s0;
	s22 =	sor.u32 s16, s19;
	[tilespmem:s21+$0x0] =	vst.add.f32.msk $0xffff, v3  }
0x139: {  	s23 =	sor.u32 $0x10, s25;
	s11 =	sor.u32 s16, s0;
	[tilespmem:s22+$0x0] =	vst.add.f32.msk $0xffff, v3  }
0x13a: {  	s26 =	sor.u32 s23, s10;
	[tilespmem:s11+$0x0] =	vst.add.f32.msk $0xffff, v3  }
0x13b: {  	s28 =	sor.u32 s25, s9;
	v3 =	vld [tilespmem:s26+$0x2400]  }
0x13c: {  	s29 =	sor.u32 s25, s19;
	[tilespmem:s28+$0x0] =	vst.add.f32.msk $0xffff, v4  }
0x13d: {  	s4 =	sor.u32 $0x20, s25;
	s30 =	sor.u32 s25, s0;
	[tilespmem:s29+$0x0] =	vst.add.f32.msk $0xffff, v4  }
0x13e: {  	s10 =	sor.u32 s4, s10;
	[tilespmem:s30+$0x0] =	vst.add.f32.msk $0xffff, v4  }
0x13f: {  	s14 =	sor.u32 s4, s9;
	s25 =	sor.u32 s23, s19;
	v4 =	vld [tilespmem:s10+$0x2400]  }
0x140: {  	s15 =	sor.u32 s4, s19;
	s13 =	sor.u32 s4, s0;
	s17 =	sor.u32 s23, s9;
	[tilespmem:s26+$0xE400] =	vst.add.f32.msk $0xffff, v3  }
0x141: {  	s16 =	sor.u32 s23, s0;
	s9 =	simm.s32 $0x0;
	s11 =	simm.s32 $0x0;
	[tilespmem:s17+$0x0] =	vst.add.f32.msk $0xffff, v3  }
.LBB2_4:
0x142: {  	s9 =	sadd.s32 $0x4, s9;
	[tilespmem:s25+$0x0] =	vst.add.f32.msk $0xffff, v3  }
0x143: {  	s8 =	sadd.s32 $0x40, s8;
	s11 =	sadd.s32 $0x200, s11;
	s0 =	sshll.u32 s9, $0x1;
	[tilespmem:s16+$0x0] =	vst.add.f32.msk $0xffff, v3  }
0x144: {  	s4 =	sand.u32 $0x40, s8;
	s12 =	sand.u32 $0x1C00, s11;
	s16 =	sand.u32 $0xFFFFFF80, s0;
	[tilespmem:s10+$0xE400] =	vst.add.f32.msk $0xffff, v4  }
0x145: {  	s17 =	sor.u32 $0x30, s4;
	s10 =	sadd.s32 s12, s16;
	s16 =	sor.u32 $0x10, s4;
	[tilespmem:s14+$0x0] =	vst.add.f32.msk $0xffff, v4  }
0x146: {  	s21 =	sor.u32 $0x20, s4;
	s18 =	sor.u32 s4, s10;
	s14 =	sor.u32 s17, s10;
	[tilespmem:s15+$0x0] =	vst.add.f32.msk $0xffff, v4  }
0x147: {  	p0 =	slt.u32 s9, $0x1FC;
	s26 =	sor.u32 s16, s10;
	s10 =	sor.u32 s21, s10;
	v5 =	vld [tilespmem:s14+$0x2400]  }
0x148: {  	v6 =	vld [tilespmem:s18+$0x2400]  }
0x149: {  	s0 =	sand.u32 $0x3FFFFF80, s0;
	v3 =	vld [tilespmem:s26+$0x2400]  }
0x14a: {  	s0 =	sadd.s32 s12, s0;
	v7 =	vld [tilespmem:s10+$0x2400]  }
0x14b: {  	s12 =	sadd.s32 $0x10400, s0;
	[tilespmem:s13+$0x0] =	vst.add.f32.msk $0xffff, v4  }
0x14c: {  	s28 =	sor.u32 s4, s12;
	s13 =	sadd.s32 $0x12400, s0;
	[tilespmem:s14+$0xE400] =	vst.add.f32.msk $0xffff, v5;
	s14 =	sor.u32 s17, s12  }
0x14d: {  	s0 =	sadd.s32 $0x14400, s0;
	s29 =	sor.u32 s4, s13;
	[tilespmem:s14+$0x0] =	vst.add.f32.msk $0xffff, v5;
	s14 =	sor.u32 s17, s13  }
0x14e: {  	s30 =	sor.u32 s16, s12;
	s4 =	sor.u32 s4, s0;
	s15 =	sor.u32 s17, s0;
	[tilespmem:s14+$0x0] =	vst.add.f32.msk $0xffff, v5  }
0x14f: {  	s25 =	sor.u32 s16, s13;
	s16 =	sor.u32 s16, s0;
	s14 =	sor.u32 s21, s12;
	[tilespmem:s15+$0x0] =	vst.add.f32.msk $0xffff, v5;
	v4 =	vmov v7  }
0x150: {  	s15 =	sor.u32 s21, s13;
	s13 =	sor.u32 s21, s0;
	[tilespmem:s18+$0xE400] =	vst.add.f32.msk $0xffff, v6  }
.Ltmp1:
0x151: {  	[tilespmem:s28+$0x0] =	vst.add.f32.msk $0xffff, v6;
	(pc) =	sbr.rel @p0 .LBB2_4-.Ltmp1, $4  }
0x152: {  	[tilespmem:s29+$0x0] =	vst.add.f32.msk $0xffff, v6  }
0x153: {  	[tilespmem:s4+$0x0] =	vst.add.f32.msk $0xffff, v6  }
0x154: {  	[tilespmem:s26+$0xE400] =	vst.add.f32.msk $0xffff, v3  }
0x155: {  	[tilespmem:s30+$0x0] =	vst.add.f32.msk $0xffff, v3  }
0x156: {  	[tilespmem:s25+$0x0] =	vst.add.f32.msk $0xffff, v3  }
0x157: {  	[tilespmem:s10+$0xE400] =	vst.add.f32.msk $0xffff, v4  }
0x158: {  	[tilespmem:s16+$0x0] =	vst.add.f32.msk $0xffff, v3  }
0x159: {  	[tilespmem:s14+$0x0] =	vst.add.f32.msk $0xffff, v4  }
0x15a: {  	[tilespmem:s15+$0x0] =	vst.add.f32.msk $0xffff, v4  }
0x15b: {  	[tilespmem:s13+$0x0] =	vst.add.f32.msk $0xffff, v4  }
0x15c: {  	s8 =	simm.s32 $0x0;
	s4 =	simm.s32 $0xE400;
	s0 =	rddreg [dreg:$0xb]  }
0x15d: {  	[hbm4b:s0+s8] =	stream.linear.scatter [tilespmem:s4], [sflag:$0x8], $0x2000, $0x38;
	[tilespmem:$0x1E400] =	vst v63  }
0x15e: {  	s9 =	simm.s32 $0x10400;
	s22 =	rddreg [dreg:$0x1a]  }
0x15f: {  	[hbm4b:s22+s8] =	stream.linear.scatter [tilespmem:s9], [sflag:$0x8], $0x2000, $0x38;
	[tilespmem:$0x1E400] =	vst v63  }
0x160: {  	s25 =	simm.s32 $0x12400;
	s23 =	rddreg [dreg:$0x1b]  }
0x161: {  	[hbm4b:s23+s8] =	stream.linear.scatter [tilespmem:s25], [sflag:$0x8], $0x2000, $0x38;
	[tilespmem:$0x1E400] =	vst v63  }
0x162: {  	s11 =	simm.s32 $0x14400;
	s26 =	rddreg [dreg:$0x1c]  }
0x163: {  	[hbm4b:s26+s8] =	stream.linear.scatter [tilespmem:s11], [sflag:$0x8], $0x2000, $0x38;
	[tilespmem:$0x1E400] =	vst v63  }
0x164: {  	_ =	swait.ge [sflag:s24], $0x2000  }
0x165: {  	[sflag:s24] =	ssyncset.done $0x0  }
0x166: {  	[sflag:s24] =	ssyncadd.s32 $0xFFFFE000  }
0x167: {  	_ =	swait.ge [sflag:s24], $0x2000  }
0x168: {  	[sflag:s24] =	ssyncset.done $0x0  }
0x169: {  	[sflag:s24] =	ssyncadd.s32 $0xFFFFE000  }
0x16a: {  	_ =	swait.ge [sflag:s24], $0x2000  }
0x16b: {  	[sflag:s24] =	ssyncset.done $0x0  }
0x16c: {  	[sflag:s24] =	ssyncadd.s32 $0xFFFFE000  }
0x16d: {  	_ =	swait.ge [sflag:s24], $0x2000  }
0x16e: {  	[sflag:s24] =	ssyncset.done $0x0  }
0x16f: {  	[sflag:s24] =	ssyncadd.s32 $0xFFFFE000  }
0x170: {  	v3 =	vld [tilespmem:$0x200];
	_ =	sdelay $0x4  }
0x171: {  	v4 =	vshll.u32 v3, $0x3  }
0x172: {  	v3 =	vand.u32 $0x7, v3;
	v4 =	vand.u32 $0xFFFFFFC0, v4  }
0x173: {  	v3 =	vor.u32 v3, v4  }
0x174: {  	v4 =	vperm.xlane v3, v0;
	_ =	sdelay $0x1  }
0x175: {  	v4 =	vadd.s32 v1, v4;
	_ =	sdelay $0x4  }
0x176: {  	[tilespmem:s4], [sflag:$0x5] =	stream.indirect_vreg.gather [hbm4b:s2+s8], $0x80, v4, vm0, $0xb8;
	[tilespmem:$0x1E400] =	vst v63  }
0x177: {  	s28 =	simm.s32 $0xEC00;
	v3 =	vperm.xlane v3, v2  }
0x178: {  	[tilespmem:s28], [sflag:$0x5] =	stream.indirect_vreg.gather [hbm4b:s5+s8], $0x80, v4, vm0, $0xb8;
	[tilespmem:$0x1E400] =	vst v63  }
0x179: {  	s29 =	simm.s32 $0xF400;
	v3 =	vadd.s32 v1, v3  }
0x17a: {  	[tilespmem:s29], [sflag:$0x5] =	stream.indirect_vreg.gather [hbm4b:s6+s8], $0x80, v4, vm0, $0xb8;
	[tilespmem:$0x1E400] =	vst v63  }
0x17b: {  	s30 =	simm.s32 $0xFC00  }
0x17c: {  	[tilespmem:s30], [sflag:$0x5] =	stream.indirect_vreg.gather [hbm4b:s7+s8], $0x80, v4, vm0, $0xb8;
	[tilespmem:$0x1E400] =	vst v63  }
0x17d: {  	_ = 	snop  }
0x17e: {  	[tilespmem:s9], [sflag:$0x5] =	stream.indirect_vreg.gather [hbm4b:s2+s8], $0x80, v3, vm0, $0xb8;
	[tilespmem:$0x1E400] =	vst v63  }
0x17f: {  	s4 =	simm.s32 $0x10C00  }
0x180: {  	[tilespmem:s4], [sflag:$0x5] =	stream.indirect_vreg.gather [hbm4b:s5+s8], $0x80, v3, vm0, $0xb8;
	[tilespmem:$0x1E400] =	vst v63  }
0x181: {  	s9 =	simm.s32 $0x11400  }
0x182: {  	[tilespmem:s9], [sflag:$0x5] =	stream.indirect_vreg.gather [hbm4b:s6+s8], $0x80, v3, vm0, $0xb8;
	[tilespmem:$0x1E400] =	vst v63  }
0x183: {  	s12 =	simm.s32 $0x11C00  }
0x184: {  	[tilespmem:s12], [sflag:$0x5] =	stream.indirect_vreg.gather [hbm4b:s7+s8], $0x80, v3, vm0, $0xb8;
	[tilespmem:$0x1E400] =	vst v63  }
0x185: {  	v3 =	vld [tilespmem:$0x210];
	_ =	sdelay $0x4  }
0x186: {  	v4 =	vshll.u32 v3, $0x3  }
0x187: {  	v3 =	vand.u32 $0x7, v3;
	v4 =	vand.u32 $0xFFFFFFC0, v4  }
0x188: {  	v3 =	vor.u32 v3, v4  }
0x189: {  	v4 =	vperm.xlane v3, v0;
	_ =	sdelay $0x1  }
0x18a: {  	v4 =	vadd.s32 v1, v4;
	_ =	sdelay $0x4  }
0x18b: {  	[tilespmem:s25], [sflag:$0x5] =	stream.indirect_vreg.gather [hbm4b:s2+s8], $0x80, v4, vm0, $0xb8;
	[tilespmem:$0x1E400] =	vst v63  }
0x18c: {  	s13 =	simm.s32 $0x12C00;
	v3 =	vperm.xlane v3, v2  }
0x18d: {  	[tilespmem:s13], [sflag:$0x5] =	stream.indirect_vreg.gather [hbm4b:s5+s8], $0x80, v4, vm0, $0xb8;
	[tilespmem:$0x1E400] =	vst v63  }
0x18e: {  	s14 =	simm.s32 $0x13400;
	v3 =	vadd.s32 v1, v3  }
0x18f: {  	[tilespmem:s14], [sflag:$0x5] =	stream.indirect_vreg.gather [hbm4b:s6+s8], $0x80, v4, vm0, $0xb8;
	[tilespmem:$0x1E400] =	vst v63  }
0x190: {  	s15 =	simm.s32 $0x13C00  }
0x191: {  	[tilespmem:s15], [sflag:$0x5] =	stream.indirect_vreg.gather [hbm4b:s7+s8], $0x80, v4, vm0, $0xb8;
	[tilespmem:$0x1E400] =	vst v63  }
0x192: {  	_ = 	snop  }
0x193: {  	[tilespmem:s11], [sflag:$0x5] =	stream.indirect_vreg.gather [hbm4b:s2+s8], $0x80, v3, vm0, $0xb8;
	[tilespmem:$0x1E400] =	vst v63  }
0x194: {  	s16 =	simm.s32 $0x14C00  }
0x195: {  	[tilespmem:s16], [sflag:$0x5] =	stream.indirect_vreg.gather [hbm4b:s5+s8], $0x80, v3, vm0, $0xb8;
	[tilespmem:$0x1E400] =	vst v63  }
0x196: {  	s17 =	simm.s32 $0x15400  }
0x197: {  	[tilespmem:s17], [sflag:$0x5] =	stream.indirect_vreg.gather [hbm4b:s6+s8], $0x80, v3, vm0, $0xb8;
	[tilespmem:$0x1E400] =	vst v63  }
0x198: {  	s18 =	simm.s32 $0x15C00  }
0x199: {  	[tilespmem:s18], [sflag:$0x5] =	stream.indirect_vreg.gather [hbm4b:s7+s8], $0x80, v3, vm0, $0xb8;
	[tilespmem:$0x1E400] =	vst v63  }
0x19a: {  	s21 =	simm.s32 $0x2400;
	s22 =	simm.s32 $0x6;
	s19 =	rddreg [dreg:$0xc]  }
0x19b: {  	[tilespmem:s21], [sflag:$0x2] =	stream.linear.gather [hbm4b:s19+s8], $0x2000, $0x38;
	[tilespmem:$0x1E400] =	vst v63  }
0x19c: {  	_ =	swait.ge [sflag:s22], $0x8000  }
0x19d: {  	s23 =	simm.s32 $0x0;
	[sflag:s22] =	ssyncset.done $0x0  }
0x19e: {  	s12 =	simm.s32 $0x3;
	s25 =	sand.u32 $0x40, s8;
	[sflag:s22] =	ssyncadd.s32 $0xFFFF8000  }
0x19f: {  	s14 =	sand.u32 $0x1C00, s8;
	s15 =	sand.u32 $0xFFFFFF80, s23;
	_ =	swait.ge [sflag:s12], $0x2000  }
0x1a0: {  	s10 =	sadd.s32 s14, s15;
	s16 =	sor.u32 $0x30, s25;
	[sflag:s12] =	ssyncset.done $0x0  }
0x1a1: {  	s17 =	sor.u32 s16, s10;
	[sflag:s12] =	ssyncadd.s32 $0xFFFFE000  }
0x1a2: {  	s18 =	sor.u32 s25, s10;
	v3 =	vld [tilespmem:s17+$0x4400]  }
0x1a3: {  	v4 =	vld [tilespmem:s18+$0x4400];
	_ =	sdelay $0x1  }
0x1a4: {  	s0 =	sand.u32 $0x3FFFFF80, s23  }
0x1a5: {  	s0 =	sadd.s32 s14, s0  }
0x1a6: {  	s9 =	sadd.s32 $0x18400, s0;
	[tilespmem:s17+$0x16400] =	vst.add.f32.msk $0xffff, v3  }
0x1a7: {  	s19 =	sadd.s32 $0x1A400, s0;
	s21 =	sor.u32 s16, s9;
	[tilespmem:s18+$0x16400] =	vst.add.f32.msk $0xffff, v4  }
0x1a8: {  	s0 =	sadd.s32 $0x1C400, s0;
	s22 =	sor.u32 s16, s19;
	[tilespmem:s21+$0x0] =	vst.add.f32.msk $0xffff, v3  }
0x1a9: {  	s23 =	sor.u32 $0x10, s25;
	s11 =	sor.u32 s16, s0;
	[tilespmem:s22+$0x0] =	vst.add.f32.msk $0xffff, v3  }
0x1aa: {  	s26 =	sor.u32 s23, s10;
	[tilespmem:s11+$0x0] =	vst.add.f32.msk $0xffff, v3  }
0x1ab: {  	s28 =	sor.u32 s25, s9;
	v3 =	vld [tilespmem:s26+$0x4400]  }
0x1ac: {  	s29 =	sor.u32 s25, s19;
	[tilespmem:s28+$0x0] =	vst.add.f32.msk $0xffff, v4  }
0x1ad: {  	s4 =	sor.u32 $0x20, s25;
	s30 =	sor.u32 s25, s0;
	[tilespmem:s29+$0x0] =	vst.add.f32.msk $0xffff, v4  }
0x1ae: {  	s10 =	sor.u32 s4, s10;
	[tilespmem:s30+$0x0] =	vst.add.f32.msk $0xffff, v4  }
0x1af: {  	s14 =	sor.u32 s4, s9;
	s25 =	sor.u32 s23, s19;
	v4 =	vld [tilespmem:s10+$0x4400]  }
0x1b0: {  	s15 =	sor.u32 s4, s19;
	s13 =	sor.u32 s4, s0;
	s17 =	sor.u32 s23, s9;
	[tilespmem:s26+$0x16400] =	vst.add.f32.msk $0xffff, v3  }
0x1b1: {  	s16 =	sor.u32 s23, s0;
	s9 =	simm.s32 $0x0;
	s11 =	simm.s32 $0x0;
	[tilespmem:s17+$0x0] =	vst.add.f32.msk $0xffff, v3  }
.LBB2_6:
0x1b2: {  	s9 =	sadd.s32 $0x4, s9;
	[tilespmem:s25+$0x0] =	vst.add.f32.msk $0xffff, v3  }
0x1b3: {  	s8 =	sadd.s32 $0x40, s8;
	s11 =	sadd.s32 $0x200, s11;
	s0 =	sshll.u32 s9, $0x1;
	[tilespmem:s16+$0x0] =	vst.add.f32.msk $0xffff, v3  }
0x1b4: {  	s4 =	sand.u32 $0x40, s8;
	s12 =	sand.u32 $0x1C00, s11;
	s16 =	sand.u32 $0xFFFFFF80, s0;
	[tilespmem:s10+$0x16400] =	vst.add.f32.msk $0xffff, v4  }
0x1b5: {  	s17 =	sor.u32 $0x30, s4;
	s10 =	sadd.s32 s12, s16;
	s16 =	sor.u32 $0x10, s4;
	[tilespmem:s14+$0x0] =	vst.add.f32.msk $0xffff, v4  }
0x1b6: {  	s21 =	sor.u32 $0x20, s4;
	s18 =	sor.u32 s4, s10;
	s14 =	sor.u32 s17, s10;
	[tilespmem:s15+$0x0] =	vst.add.f32.msk $0xffff, v4  }
0x1b7: {  	p0 =	slt.u32 s9, $0x1FC;
	s26 =	sor.u32 s16, s10;
	s10 =	sor.u32 s21, s10;
	v5 =	vld [tilespmem:s14+$0x4400]  }
0x1b8: {  	v6 =	vld [tilespmem:s18+$0x4400]  }
0x1b9: {  	s0 =	sand.u32 $0x3FFFFF80, s0;
	v3 =	vld [tilespmem:s26+$0x4400]  }
0x1ba: {  	s0 =	sadd.s32 s12, s0;
	v7 =	vld [tilespmem:s10+$0x4400]  }
0x1bb: {  	s12 =	sadd.s32 $0x18400, s0;
	[tilespmem:s13+$0x0] =	vst.add.f32.msk $0xffff, v4  }
0x1bc: {  	s28 =	sor.u32 s4, s12;
	s13 =	sadd.s32 $0x1A400, s0;
	[tilespmem:s14+$0x16400] =	vst.add.f32.msk $0xffff, v5;
	s14 =	sor.u32 s17, s12  }
0x1bd: {  	s0 =	sadd.s32 $0x1C400, s0;
	s29 =	sor.u32 s4, s13;
	[tilespmem:s14+$0x0] =	vst.add.f32.msk $0xffff, v5;
	s14 =	sor.u32 s17, s13  }
0x1be: {  	s30 =	sor.u32 s16, s12;
	s4 =	sor.u32 s4, s0;
	s15 =	sor.u32 s17, s0;
	[tilespmem:s14+$0x0] =	vst.add.f32.msk $0xffff, v5  }
0x1bf: {  	s25 =	sor.u32 s16, s13;
	s16 =	sor.u32 s16, s0;
	s14 =	sor.u32 s21, s12;
	[tilespmem:s15+$0x0] =	vst.add.f32.msk $0xffff, v5;
	v4 =	vmov v7  }
0x1c0: {  	s15 =	sor.u32 s21, s13;
	s13 =	sor.u32 s21, s0;
	[tilespmem:s18+$0x16400] =	vst.add.f32.msk $0xffff, v6  }
.Ltmp2:
0x1c1: {  	[tilespmem:s28+$0x0] =	vst.add.f32.msk $0xffff, v6;
	(pc) =	sbr.rel @p0 .LBB2_6-.Ltmp2, $4  }
0x1c2: {  	[tilespmem:s29+$0x0] =	vst.add.f32.msk $0xffff, v6  }
0x1c3: {  	[tilespmem:s4+$0x0] =	vst.add.f32.msk $0xffff, v6  }
0x1c4: {  	[tilespmem:s26+$0x16400] =	vst.add.f32.msk $0xffff, v3  }
0x1c5: {  	[tilespmem:s30+$0x0] =	vst.add.f32.msk $0xffff, v3  }
0x1c6: {  	[tilespmem:s25+$0x0] =	vst.add.f32.msk $0xffff, v3  }
0x1c7: {  	[tilespmem:s10+$0x16400] =	vst.add.f32.msk $0xffff, v4  }
0x1c8: {  	[tilespmem:s16+$0x0] =	vst.add.f32.msk $0xffff, v3  }
0x1c9: {  	[tilespmem:s14+$0x0] =	vst.add.f32.msk $0xffff, v4  }
0x1ca: {  	[tilespmem:s15+$0x0] =	vst.add.f32.msk $0xffff, v4  }
0x1cb: {  	[tilespmem:s13+$0x0] =	vst.add.f32.msk $0xffff, v4  }
0x1cc: {  	s8 =	simm.s32 $0x0;
	s4 =	simm.s32 $0x16400;
	s0 =	rddreg [dreg:$0xd]  }
0x1cd: {  	[hbm4b:s0+s8] =	stream.linear.scatter [tilespmem:s4], [sflag:$0x9], $0x2000, $0x38;
	[tilespmem:$0x1E400] =	vst v63  }
0x1ce: {  	s9 =	simm.s32 $0x18400;
	s22 =	rddreg [dreg:$0x1d]  }
0x1cf: {  	[hbm4b:s22+s8] =	stream.linear.scatter [tilespmem:s9], [sflag:$0x9], $0x2000, $0x38;
	[tilespmem:$0x1E400] =	vst v63  }
0x1d0: {  	s25 =	simm.s32 $0x1A400;
	s23 =	rddreg [dreg:$0x1e]  }
0x1d1: {  	[hbm4b:s23+s8] =	stream.linear.scatter [tilespmem:s25], [sflag:$0x9], $0x2000, $0x38;
	[tilespmem:$0x1E400] =	vst v63  }
0x1d2: {  	s11 =	simm.s32 $0x1C400;
	s26 =	rddreg [dreg:$0x1f]  }
0x1d3: {  	[hbm4b:s26+s8] =	stream.linear.scatter [tilespmem:s11], [sflag:$0x9], $0x2000, $0x38;
	[tilespmem:$0x1E400] =	vst v63  }
0x1d4: {  	_ =	swait.ge [sflag:s31], $0x2000  }
0x1d5: {  	[sflag:s31] =	ssyncset.done $0x0  }
0x1d6: {  	[sflag:s31] =	ssyncadd.s32 $0xFFFFE000  }
0x1d7: {  	_ =	swait.ge [sflag:s31], $0x2000  }
0x1d8: {  	[sflag:s31] =	ssyncset.done $0x0  }
0x1d9: {  	[sflag:s31] =	ssyncadd.s32 $0xFFFFE000  }
0x1da: {  	_ =	swait.ge [sflag:s31], $0x2000  }
0x1db: {  	[sflag:s31] =	ssyncset.done $0x0  }
0x1dc: {  	[sflag:s31] =	ssyncadd.s32 $0xFFFFE000  }
0x1dd: {  	_ =	swait.ge [sflag:s31], $0x2000  }
0x1de: {  	[sflag:s31] =	ssyncset.done $0x0  }
0x1df: {  	[sflag:s31] =	ssyncadd.s32 $0xFFFFE000  }
0x1e0: {  	v3 =	vld [tilespmem:$0x280];
	_ =	sdelay $0x4  }
0x1e1: {  	v4 =	vshll.u32 v3, $0x3  }
0x1e2: {  	v3 =	vand.u32 $0x7, v3;
	v4 =	vand.u32 $0xFFFFFFC0, v4  }
0x1e3: {  	v3 =	vor.u32 v3, v4  }
0x1e4: {  	v4 =	vperm.xlane v3, v0;
	_ =	sdelay $0x1  }
0x1e5: {  	v4 =	vadd.s32 v1, v4;
	_ =	sdelay $0x4  }
0x1e6: {  	[tilespmem:s4], [sflag:$0x6] =	stream.indirect_vreg.gather [hbm4b:s2+s8], $0x80, v4, vm0, $0xb8;
	[tilespmem:$0x1E400] =	vst v63  }
0x1e7: {  	s28 =	simm.s32 $0x16C00;
	v3 =	vperm.xlane v3, v2  }
0x1e8: {  	[tilespmem:s28], [sflag:$0x6] =	stream.indirect_vreg.gather [hbm4b:s5+s8], $0x80, v4, vm0, $0xb8;
	[tilespmem:$0x1E400] =	vst v63  }
0x1e9: {  	s29 =	simm.s32 $0x17400;
	v3 =	vadd.s32 v1, v3  }
0x1ea: {  	[tilespmem:s29], [sflag:$0x6] =	stream.indirect_vreg.gather [hbm4b:s6+s8], $0x80, v4, vm0, $0xb8;
	[tilespmem:$0x1E400] =	vst v63  }
0x1eb: {  	s30 =	simm.s32 $0x17C00  }
0x1ec: {  	[tilespmem:s30], [sflag:$0x6] =	stream.indirect_vreg.gather [hbm4b:s7+s8], $0x80, v4, vm0, $0xb8;
	[tilespmem:$0x1E400] =	vst v63  }
0x1ed: {  	_ = 	snop  }
0x1ee: {  	[tilespmem:s9], [sflag:$0x6] =	stream.indirect_vreg.gather [hbm4b:s2+s8], $0x80, v3, vm0, $0xb8;
	[tilespmem:$0x1E400] =	vst v63  }
0x1ef: {  	s4 =	simm.s32 $0x18C00  }
0x1f0: {  	[tilespmem:s4], [sflag:$0x6] =	stream.indirect_vreg.gather [hbm4b:s5+s8], $0x80, v3, vm0, $0xb8;
	[tilespmem:$0x1E400] =	vst v63  }
0x1f1: {  	s9 =	simm.s32 $0x19400  }
0x1f2: {  	[tilespmem:s9], [sflag:$0x6] =	stream.indirect_vreg.gather [hbm4b:s6+s8], $0x80, v3, vm0, $0xb8;
	[tilespmem:$0x1E400] =	vst v63  }
0x1f3: {  	s12 =	simm.s32 $0x19C00  }
0x1f4: {  	[tilespmem:s12], [sflag:$0x6] =	stream.indirect_vreg.gather [hbm4b:s7+s8], $0x80, v3, vm0, $0xb8;
	[tilespmem:$0x1E400] =	vst v63  }
0x1f5: {  	v3 =	vld [tilespmem:$0x290];
	_ =	sdelay $0x4  }
0x1f6: {  	v4 =	vshll.u32 v3, $0x3  }
0x1f7: {  	v3 =	vand.u32 $0x7, v3;
	v4 =	vand.u32 $0xFFFFFFC0, v4  }
0x1f8: {  	v3 =	vor.u32 v3, v4  }
0x1f9: {  	v4 =	vperm.xlane v3, v0;
	_ =	sdelay $0x1  }
0x1fa: {  	v4 =	vadd.s32 v1, v4;
	_ =	sdelay $0x4  }
0x1fb: {  	[tilespmem:s25], [sflag:$0x6] =	stream.indirect_vreg.gather [hbm4b:s2+s8], $0x80, v4, vm0, $0xb8;
	[tilespmem:$0x1E400] =	vst v63  }
0x1fc: {  	s13 =	simm.s32 $0x1AC00;
	v3 =	vperm.xlane v3, v2  }
0x1fd: {  	[tilespmem:s13], [sflag:$0x6] =	stream.indirect_vreg.gather [hbm4b:s5+s8], $0x80, v4, vm0, $0xb8;
	[tilespmem:$0x1E400] =	vst v63  }
0x1fe: {  	s14 =	simm.s32 $0x1B400;
	v3 =	vadd.s32 v1, v3  }
0x1ff: {  	[tilespmem:s14], [sflag:$0x6] =	stream.indirect_vreg.gather [hbm4b:s6+s8], $0x80, v4, vm0, $0xb8;
	[tilespmem:$0x1E400] =	vst v63  }
0x200: {  	s15 =	simm.s32 $0x1BC00  }
0x201: {  	[tilespmem:s15], [sflag:$0x6] =	stream.indirect_vreg.gather [hbm4b:s7+s8], $0x80, v4, vm0, $0xb8;
	[tilespmem:$0x1E400] =	vst v63  }
0x202: {  	_ = 	snop  }
0x203: {  	[tilespmem:s11], [sflag:$0x6] =	stream.indirect_vreg.gather [hbm4b:s2+s8], $0x80, v3, vm0, $0xb8;
	[tilespmem:$0x1E400] =	vst v63  }
0x204: {  	s16 =	simm.s32 $0x1CC00  }
0x205: {  	[tilespmem:s16], [sflag:$0x6] =	stream.indirect_vreg.gather [hbm4b:s5+s8], $0x80, v3, vm0, $0xb8;
	[tilespmem:$0x1E400] =	vst v63  }
0x206: {  	s17 =	simm.s32 $0x1D400  }
0x207: {  	[tilespmem:s17], [sflag:$0x6] =	stream.indirect_vreg.gather [hbm4b:s6+s8], $0x80, v3, vm0, $0xb8;
	[tilespmem:$0x1E400] =	vst v63  }
0x208: {  	s18 =	simm.s32 $0x1DC00  }
0x209: {  	[tilespmem:s18], [sflag:$0x6] =	stream.indirect_vreg.gather [hbm4b:s7+s8], $0x80, v3, vm0, $0xb8;
	[tilespmem:$0x1E400] =	vst v63  }
0x20a: {  	s21 =	simm.s32 $0x4400;
	s22 =	simm.s32 $0x4;
	s19 =	rddreg [dreg:$0xe]  }
0x20b: {  	[tilespmem:s21], [sflag:$0x3] =	stream.linear.gather [hbm4b:s19+s8], $0x2000, $0x38;
	[tilespmem:$0x1E400] =	vst v63  }
0x20c: {  	_ =	swait.ge [sflag:s22], $0x8000  }
0x20d: {  	s23 =	simm.s32 $0x0;
	[sflag:s22] =	ssyncset.done $0x0  }
0x20e: {  	s12 =	simm.s32 $0x1;
	s25 =	sand.u32 $0x40, s8;
	[sflag:s22] =	ssyncadd.s32 $0xFFFF8000  }
0x20f: {  	s14 =	sand.u32 $0x1C00, s8;
	s15 =	sand.u32 $0xFFFFFF80, s23;
	_ =	swait.ge [sflag:s12], $0x2000  }
0x210: {  	s10 =	sadd.s32 s14, s15;
	s16 =	sor.u32 $0x30, s25;
	[sflag:s12] =	ssyncset.done $0x0  }
0x211: {  	s17 =	sor.u32 s16, s10;
	[sflag:s12] =	ssyncadd.s32 $0xFFFFE000  }
0x212: {  	s18 =	sor.u32 s25, s10;
	v3 =	vld [tilespmem:s17+$0x400]  }
0x213: {  	v4 =	vld [tilespmem:s18+$0x400];
	_ =	sdelay $0x1  }
0x214: {  	s0 =	sand.u32 $0x3FFFFF80, s23  }
0x215: {  	s0 =	sadd.s32 s14, s0  }
0x216: {  	s9 =	sadd.s32 $0x8400, s0;
	[tilespmem:s17+$0x6400] =	vst.add.f32.msk $0xffff, v3  }
0x217: {  	s19 =	sadd.s32 $0xA400, s0;
	s21 =	sor.u32 s16, s9;
	[tilespmem:s18+$0x6400] =	vst.add.f32.msk $0xffff, v4  }
0x218: {  	s0 =	sadd.s32 $0xC400, s0;
	s22 =	sor.u32 s16, s19;
	[tilespmem:s21+$0x0] =	vst.add.f32.msk $0xffff, v3  }
0x219: {  	s23 =	sor.u32 $0x10, s25;
	s11 =	sor.u32 s16, s0;
	[tilespmem:s22+$0x0] =	vst.add.f32.msk $0xffff, v3  }
0x21a: {  	s26 =	sor.u32 s23, s10;
	[tilespmem:s11+$0x0] =	vst.add.f32.msk $0xffff, v3  }
0x21b: {  	s28 =	sor.u32 s25, s9;
	v3 =	vld [tilespmem:s26+$0x400]  }
0x21c: {  	s29 =	sor.u32 s25, s19;
	[tilespmem:s28+$0x0] =	vst.add.f32.msk $0xffff, v4  }
0x21d: {  	s4 =	sor.u32 $0x20, s25;
	s30 =	sor.u32 s25, s0;
	[tilespmem:s29+$0x0] =	vst.add.f32.msk $0xffff, v4  }
0x21e: {  	s10 =	sor.u32 s4, s10;
	[tilespmem:s30+$0x0] =	vst.add.f32.msk $0xffff, v4  }
0x21f: {  	s14 =	sor.u32 s4, s9;
	s25 =	sor.u32 s23, s19;
	v4 =	vld [tilespmem:s10+$0x400]  }
0x220: {  	s15 =	sor.u32 s4, s19;
	s13 =	sor.u32 s4, s0;
	s17 =	sor.u32 s23, s9;
	[tilespmem:s26+$0x6400] =	vst.add.f32.msk $0xffff, v3  }
0x221: {  	s16 =	sor.u32 s23, s0;
	s9 =	simm.s32 $0x0;
	s11 =	simm.s32 $0x0;
	[tilespmem:s17+$0x0] =	vst.add.f32.msk $0xffff, v3  }
.LBB2_8:
0x222: {  	s9 =	sadd.s32 $0x4, s9;
	[tilespmem:s25+$0x0] =	vst.add.f32.msk $0xffff, v3  }
0x223: {  	s8 =	sadd.s32 $0x40, s8;
	s11 =	sadd.s32 $0x200, s11;
	s0 =	sshll.u32 s9, $0x1;
	[tilespmem:s16+$0x0] =	vst.add.f32.msk $0xffff, v3  }
0x224: {  	s4 =	sand.u32 $0x40, s8;
	s12 =	sand.u32 $0x1C00, s11;
	s16 =	sand.u32 $0xFFFFFF80, s0;
	[tilespmem:s10+$0x6400] =	vst.add.f32.msk $0xffff, v4  }
0x225: {  	s17 =	sor.u32 $0x30, s4;
	s10 =	sadd.s32 s12, s16;
	s16 =	sor.u32 $0x10, s4;
	[tilespmem:s14+$0x0] =	vst.add.f32.msk $0xffff, v4  }
0x226: {  	s21 =	sor.u32 $0x20, s4;
	s18 =	sor.u32 s4, s10;
	s14 =	sor.u32 s17, s10;
	[tilespmem:s15+$0x0] =	vst.add.f32.msk $0xffff, v4  }
0x227: {  	p0 =	slt.u32 s9, $0x1FC;
	s26 =	sor.u32 s16, s10;
	s10 =	sor.u32 s21, s10;
	v5 =	vld [tilespmem:s14+$0x400]  }
0x228: {  	v6 =	vld [tilespmem:s18+$0x400]  }
0x229: {  	s0 =	sand.u32 $0x3FFFFF80, s0;
	v3 =	vld [tilespmem:s26+$0x400]  }
0x22a: {  	s0 =	sadd.s32 s12, s0;
	v7 =	vld [tilespmem:s10+$0x400]  }
0x22b: {  	s12 =	sadd.s32 $0x8400, s0;
	[tilespmem:s13+$0x0] =	vst.add.f32.msk $0xffff, v4  }
0x22c: {  	s28 =	sor.u32 s4, s12;
	s13 =	sadd.s32 $0xA400, s0;
	[tilespmem:s14+$0x6400] =	vst.add.f32.msk $0xffff, v5;
	s14 =	sor.u32 s17, s12  }
0x22d: {  	s0 =	sadd.s32 $0xC400, s0;
	s29 =	sor.u32 s4, s13;
	[tilespmem:s14+$0x0] =	vst.add.f32.msk $0xffff, v5;
	s14 =	sor.u32 s17, s13  }
0x22e: {  	s30 =	sor.u32 s16, s12;
	s4 =	sor.u32 s4, s0;
	s15 =	sor.u32 s17, s0;
	[tilespmem:s14+$0x0] =	vst.add.f32.msk $0xffff, v5  }
0x22f: {  	s25 =	sor.u32 s16, s13;
	s16 =	sor.u32 s16, s0;
	s14 =	sor.u32 s21, s12;
	[tilespmem:s15+$0x0] =	vst.add.f32.msk $0xffff, v5;
	v4 =	vmov v7  }
0x230: {  	s15 =	sor.u32 s21, s13;
	s13 =	sor.u32 s21, s0;
	[tilespmem:s18+$0x6400] =	vst.add.f32.msk $0xffff, v6  }
.Ltmp3:
0x231: {  	[tilespmem:s28+$0x0] =	vst.add.f32.msk $0xffff, v6;
	(pc) =	sbr.rel @p0 .LBB2_8-.Ltmp3, $4  }
0x232: {  	[tilespmem:s29+$0x0] =	vst.add.f32.msk $0xffff, v6  }
0x233: {  	[tilespmem:s4+$0x0] =	vst.add.f32.msk $0xffff, v6  }
0x234: {  	[tilespmem:s26+$0x6400] =	vst.add.f32.msk $0xffff, v3  }
0x235: {  	[tilespmem:s30+$0x0] =	vst.add.f32.msk $0xffff, v3  }
0x236: {  	[tilespmem:s25+$0x0] =	vst.add.f32.msk $0xffff, v3  }
0x237: {  	[tilespmem:s10+$0x6400] =	vst.add.f32.msk $0xffff, v4  }
0x238: {  	[tilespmem:s16+$0x0] =	vst.add.f32.msk $0xffff, v3  }
0x239: {  	[tilespmem:s14+$0x0] =	vst.add.f32.msk $0xffff, v4  }
0x23a: {  	[tilespmem:s15+$0x0] =	vst.add.f32.msk $0xffff, v4  }
0x23b: {  	[tilespmem:s13+$0x0] =	vst.add.f32.msk $0xffff, v4  }
0x23c: {  	s0 =	rddreg [dreg:$0xf]  }
0x23d: {  	s8 =	simm.s32 $0x0;
	s4 =	simm.s32 $0x6400;
	s18 =	sld [smem:$0x7EF]  }
0x23e: {  	[hbm4b:s0+s8] =	stream.linear.scatter [tilespmem:s4], [sflag:$0x7], $0x2000, $0x38;
	[tilespmem:$0x1E400] =	vst v63  }
0x23f: {  	s9 =	simm.s32 $0x8400;
	s19 =	sld [smem:$0x7F0]  }
0x240: {  	[hbm4b:s18+s8] =	stream.linear.scatter [tilespmem:s9], [sflag:$0x7], $0x2000, $0x38;
	[tilespmem:$0x1E400] =	vst v63  }
0x241: {  	s21 =	simm.s32 $0xA400;
	s23 =	sld [smem:$0x7F1]  }
0x242: {  	[hbm4b:s19+s8] =	stream.linear.scatter [tilespmem:s21], [sflag:$0x7], $0x2000, $0x38;
	[tilespmem:$0x1E400] =	vst v63  }
0x243: {  	s11 =	simm.s32 $0xC400  }
0x244: {  	[hbm4b:s23+s8] =	stream.linear.scatter [tilespmem:s11], [sflag:$0x7], $0x2000, $0x38;
	[tilespmem:$0x1E400] =	vst v63  }
0x245: {  	_ =	swait.ge [sflag:s20], $0x2000  }
0x246: {  	[sflag:s20] =	ssyncset.done $0x0  }
0x247: {  	[sflag:s20] =	ssyncadd.s32 $0xFFFFE000  }
0x248: {  	_ =	swait.ge [sflag:s20], $0x2000  }
0x249: {  	[sflag:s20] =	ssyncset.done $0x0  }
0x24a: {  	[sflag:s20] =	ssyncadd.s32 $0xFFFFE000  }
0x24b: {  	_ =	swait.ge [sflag:s20], $0x2000  }
0x24c: {  	[sflag:s20] =	ssyncset.done $0x0  }
0x24d: {  	[sflag:s20] =	ssyncadd.s32 $0xFFFFE000  }
0x24e: {  	_ =	swait.ge [sflag:s20], $0x2000  }
0x24f: {  	[sflag:s20] =	ssyncset.done $0x0  }
0x250: {  	[sflag:s20] =	ssyncadd.s32 $0xFFFFE000  }
0x251: {  	v3 =	vld [tilespmem:$0x300];
	_ =	sdelay $0x4  }
0x252: {  	v4 =	vshll.u32 v3, $0x3  }
0x253: {  	v3 =	vand.u32 $0x7, v3;
	v4 =	vand.u32 $0xFFFFFFC0, v4  }
0x254: {  	v3 =	vor.u32 v3, v4  }
0x255: {  	v4 =	vperm.xlane v3, v0;
	_ =	sdelay $0x1  }
0x256: {  	v4 =	vadd.s32 v1, v4;
	_ =	sdelay $0x4  }
0x257: {  	[tilespmem:s4], [sflag:$0x4] =	stream.indirect_vreg.gather [hbm4b:s2+s8], $0x80, v4, vm0, $0xb8;
	[tilespmem:$0x1E400] =	vst v63  }
0x258: {  	s25 =	simm.s32 $0x6C00;
	v3 =	vperm.xlane v3, v2  }
0x259: {  	[tilespmem:s25], [sflag:$0x4] =	stream.indirect_vreg.gather [hbm4b:s5+s8], $0x80, v4, vm0, $0xb8;
	[tilespmem:$0x1E400] =	vst v63  }
0x25a: {  	s26 =	simm.s32 $0x7400;
	v3 =	vadd.s32 v1, v3  }
0x25b: {  	[tilespmem:s26], [sflag:$0x4] =	stream.indirect_vreg.gather [hbm4b:s6+s8], $0x80, v4, vm0, $0xb8;
	[tilespmem:$0x1E400] =	vst v63  }
0x25c: {  	s28 =	simm.s32 $0x7C00  }
0x25d: {  	[tilespmem:s28], [sflag:$0x4] =	stream.indirect_vreg.gather [hbm4b:s7+s8], $0x80, v4, vm0, $0xb8;
	[tilespmem:$0x1E400] =	vst v63  }
0x25e: {  	_ = 	snop  }
0x25f: {  	[tilespmem:s9], [sflag:$0x4] =	stream.indirect_vreg.gather [hbm4b:s2+s8], $0x80, v3, vm0, $0xb8;
	[tilespmem:$0x1E400] =	vst v63  }
0x260: {  	s29 =	simm.s32 $0x8C00  }
0x261: {  	[tilespmem:s29], [sflag:$0x4] =	stream.indirect_vreg.gather [hbm4b:s5+s8], $0x80, v3, vm0, $0xb8;
	[tilespmem:$0x1E400] =	vst v63  }
0x262: {  	s30 =	simm.s32 $0x9400  }
0x263: {  	[tilespmem:s30], [sflag:$0x4] =	stream.indirect_vreg.gather [hbm4b:s6+s8], $0x80, v3, vm0, $0xb8;
	[tilespmem:$0x1E400] =	vst v63  }
0x264: {  	s4 =	simm.s32 $0x9C00  }
0x265: {  	[tilespmem:s4], [sflag:$0x4] =	stream.indirect_vreg.gather [hbm4b:s7+s8], $0x80, v3, vm0, $0xb8;
	[tilespmem:$0x1E400] =	vst v63  }
0x266: {  	v3 =	vld [tilespmem:$0x310];
	_ =	sdelay $0x4  }
0x267: {  	v4 =	vshll.u32 v3, $0x3  }
0x268: {  	v3 =	vand.u32 $0x7, v3;
	v4 =	vand.u32 $0xFFFFFFC0, v4  }
0x269: {  	v3 =	vor.u32 v3, v4  }
0x26a: {  	v4 =	vperm.xlane v3, v0;
	_ =	sdelay $0x1  }
0x26b: {  	v4 =	vadd.s32 v1, v4;
	_ =	sdelay $0x4  }
0x26c: {  	[tilespmem:s21], [sflag:$0x4] =	stream.indirect_vreg.gather [hbm4b:s2+s8], $0x80, v4, vm0, $0xb8;
	[tilespmem:$0x1E400] =	vst v63  }
0x26d: {  	s9 =	simm.s32 $0xAC00;
	v3 =	vperm.xlane v3, v2  }
0x26e: {  	[tilespmem:s9], [sflag:$0x4] =	stream.indirect_vreg.gather [hbm4b:s5+s8], $0x80, v4, vm0, $0xb8;
	[tilespmem:$0x1E400] =	vst v63  }
0x26f: {  	s10 =	simm.s32 $0xB400;
	v3 =	vadd.s32 v1, v3  }
0x270: {  	[tilespmem:s10], [sflag:$0x4] =	stream.indirect_vreg.gather [hbm4b:s6+s8], $0x80, v4, vm0, $0xb8;
	[tilespmem:$0x1E400] =	vst v63  }
0x271: {  	s12 =	simm.s32 $0xBC00  }
0x272: {  	[tilespmem:s12], [sflag:$0x4] =	stream.indirect_vreg.gather [hbm4b:s7+s8], $0x80, v4, vm0, $0xb8;
	[tilespmem:$0x1E400] =	vst v63  }
0x273: {  	_ = 	snop  }
0x274: {  	[tilespmem:s11], [sflag:$0x4] =	stream.indirect_vreg.gather [hbm4b:s2+s8], $0x80, v3, vm0, $0xb8;
	[tilespmem:$0x1E400] =	vst v63  }
0x275: {  	s13 =	simm.s32 $0xCC00  }
0x276: {  	[tilespmem:s13], [sflag:$0x4] =	stream.indirect_vreg.gather [hbm4b:s5+s8], $0x80, v3, vm0, $0xb8;
	[tilespmem:$0x1E400] =	vst v63  }
0x277: {  	s14 =	simm.s32 $0xD400  }
0x278: {  	[tilespmem:s14], [sflag:$0x4] =	stream.indirect_vreg.gather [hbm4b:s6+s8], $0x80, v3, vm0, $0xb8;
	[tilespmem:$0x1E400] =	vst v63  }
0x279: {  	s15 =	simm.s32 $0xDC00  }
0x27a: {  	[tilespmem:s15], [sflag:$0x4] =	stream.indirect_vreg.gather [hbm4b:s7+s8], $0x80, v3, vm0, $0xb8;
	[tilespmem:$0x1E400] =	vst v63  }
0x27b: {  	s17 =	simm.s32 $0x400;
	s18 =	simm.s32 $0x5;
	s16 =	rddreg [dreg:$0x10]  }
0x27c: {  	[tilespmem:s17], [sflag:$0x1] =	stream.linear.gather [hbm4b:s16+s8], $0x2000, $0x38;
	[tilespmem:$0x1E400] =	vst v63  }
0x27d: {  	_ =	swait.ge [sflag:s18], $0x8000  }
0x27e: {  	s25 =	sand.u32 $0x40, s8;
	[sflag:s18] =	ssyncset.done $0x0  }
0x27f: {  	s21 =	simm.s32 $0x0;
	s12 =	simm.s32 $0x2;
	[sflag:s18] =	ssyncadd.s32 $0xFFFF8000  }
0x280: {  	s30 =	sand.u32 $0x1C00, s8;
	s11 =	sand.u32 $0xFFFFFF80, s21;
	_ =	swait.ge [sflag:s12], $0x2000  }
0x281: {  	s10 =	sadd.s32 s30, s11;
	s13 =	sor.u32 $0x30, s25;
	[sflag:s12] =	ssyncset.done $0x0  }
0x282: {  	s14 =	sor.u32 s13, s10;
	[sflag:s12] =	ssyncadd.s32 $0xFFFFE000  }
0x283: {  	s16 =	sor.u32 s25, s10;
	v3 =	vld [tilespmem:s14+$0x2400]  }
0x284: {  	v4 =	vld [tilespmem:s16+$0x2400];
	_ =	sdelay $0x1  }
0x285: {  	s0 =	sand.u32 $0x3FFFFF80, s21  }
0x286: {  	s0 =	sadd.s32 s30, s0  }
0x287: {  	s9 =	sadd.s32 $0x10400, s0;
	[tilespmem:s14+$0xE400] =	vst.add.f32.msk $0xffff, v3  }
0x288: {  	s15 =	sadd.s32 $0x12400, s0;
	s17 =	sor.u32 s13, s9;
	[tilespmem:s16+$0xE400] =	vst.add.f32.msk $0xffff, v4  }
0x289: {  	s0 =	sadd.s32 $0x14400, s0;
	s18 =	sor.u32 s13, s15;
	[tilespmem:s17+$0x0] =	vst.add.f32.msk $0xffff, v3  }
0x28a: {  	s21 =	sor.u32 $0x10, s25;
	s11 =	sor.u32 s13, s0;
	[tilespmem:s18+$0x0] =	vst.add.f32.msk $0xffff, v3  }
0x28b: {  	s26 =	sor.u32 s21, s10;
	[tilespmem:s11+$0x0] =	vst.add.f32.msk $0xffff, v3  }
0x28c: {  	s28 =	sor.u32 s25, s9;
	v3 =	vld [tilespmem:s26+$0x2400]  }
0x28d: {  	s29 =	sor.u32 s25, s15;
	[tilespmem:s28+$0x0] =	vst.add.f32.msk $0xffff, v4  }
0x28e: {  	s4 =	sor.u32 $0x20, s25;
	s30 =	sor.u32 s25, s0;
	[tilespmem:s29+$0x0] =	vst.add.f32.msk $0xffff, v4  }
0x28f: {  	s22 =	simm.s32 $0x8400;
	s19 =	simm.s32 $0xC400;
	s10 =	sor.u32 s4, s10;
	[tilespmem:s30+$0x0] =	vst.add.f32.msk $0xffff, v4  }
0x290: {  	s23 =	simm.s32 $0xA400;
	s25 =	sor.u32 s21, s15;
	s15 =	sor.u32 s4, s15;
	v4 =	vld [tilespmem:s10+$0x2400]  }
0x291: {  	s13 =	sor.u32 s4, s0;
	s16 =	sor.u32 s21, s0;
	s17 =	sor.u32 s21, s9;
	[tilespmem:s26+$0xE400] =	vst.add.f32.msk $0xffff, v3  }
0x292: {  	s14 =	sor.u32 s4, s9;
	s9 =	simm.s32 $0x0;
	s11 =	simm.s32 $0x0;
	[tilespmem:s17+$0x0] =	vst.add.f32.msk $0xffff, v3  }
.LBB2_10:
0x293: {  	s9 =	sadd.s32 $0x4, s9;
	[tilespmem:s25+$0x0] =	vst.add.f32.msk $0xffff, v3  }
0x294: {  	s8 =	sadd.s32 $0x40, s8;
	s11 =	sadd.s32 $0x200, s11;
	s0 =	sshll.u32 s9, $0x1;
	[tilespmem:s16+$0x0] =	vst.add.f32.msk $0xffff, v3  }
0x295: {  	s4 =	sand.u32 $0x40, s8;
	s12 =	sand.u32 $0x1C00, s11;
	s16 =	sand.u32 $0xFFFFFF80, s0;
	[tilespmem:s10+$0xE400] =	vst.add.f32.msk $0xffff, v4  }
0x296: {  	s17 =	sor.u32 $0x30, s4;
	s10 =	sadd.s32 s12, s16;
	s16 =	sor.u32 $0x10, s4;
	[tilespmem:s14+$0x0] =	vst.add.f32.msk $0xffff, v4  }
0x297: {  	s21 =	sor.u32 $0x20, s4;
	s18 =	sor.u32 s4, s10;
	s14 =	sor.u32 s17, s10;
	[tilespmem:s15+$0x0] =	vst.add.f32.msk $0xffff, v4  }
0x298: {  	p0 =	slt.u32 s9, $0x1FC;
	s26 =	sor.u32 s16, s10;
	s10 =	sor.u32 s21, s10;
	v5 =	vld [tilespmem:s14+$0x2400]  }
0x299: {  	v6 =	vld [tilespmem:s18+$0x2400]  }
0x29a: {  	s0 =	sand.u32 $0x3FFFFF80, s0;
	v3 =	vld [tilespmem:s26+$0x2400]  }
0x29b: {  	s0 =	sadd.s32 s12, s0;
	v7 =	vld [tilespmem:s10+$0x2400]  }
0x29c: {  	s12 =	sadd.s32 $0x10400, s0;
	[tilespmem:s13+$0x0] =	vst.add.f32.msk $0xffff, v4  }
0x29d: {  	s28 =	sor.u32 s4, s12;
	s13 =	sadd.s32 $0x12400, s0;
	[tilespmem:s14+$0xE400] =	vst.add.f32.msk $0xffff, v5;
	s14 =	sor.u32 s17, s12  }
0x29e: {  	s0 =	sadd.s32 $0x14400, s0;
	s29 =	sor.u32 s4, s13;
	[tilespmem:s14+$0x0] =	vst.add.f32.msk $0xffff, v5;
	s14 =	sor.u32 s17, s13  }
0x29f: {  	s30 =	sor.u32 s16, s12;
	s4 =	sor.u32 s4, s0;
	s15 =	sor.u32 s17, s0;
	[tilespmem:s14+$0x0] =	vst.add.f32.msk $0xffff, v5  }
0x2a0: {  	s25 =	sor.u32 s16, s13;
	s16 =	sor.u32 s16, s0;
	s14 =	sor.u32 s21, s12;
	[tilespmem:s15+$0x0] =	vst.add.f32.msk $0xffff, v5;
	v4 =	vmov v7  }
0x2a1: {  	s15 =	sor.u32 s21, s13;
	s13 =	sor.u32 s21, s0;
	[tilespmem:s18+$0xE400] =	vst.add.f32.msk $0xffff, v6  }
.Ltmp4:
0x2a2: {  	[tilespmem:s28+$0x0] =	vst.add.f32.msk $0xffff, v6;
	(pc) =	sbr.rel @p0 .LBB2_10-.Ltmp4, $4  }
0x2a3: {  	[tilespmem:s29+$0x0] =	vst.add.f32.msk $0xffff, v6  }
0x2a4: {  	[tilespmem:s4+$0x0] =	vst.add.f32.msk $0xffff, v6  }
0x2a5: {  	[tilespmem:s26+$0xE400] =	vst.add.f32.msk $0xffff, v3  }
0x2a6: {  	[tilespmem:s30+$0x0] =	vst.add.f32.msk $0xffff, v3  }
0x2a7: {  	[tilespmem:s25+$0x0] =	vst.add.f32.msk $0xffff, v3  }
0x2a8: {  	[tilespmem:s10+$0xE400] =	vst.add.f32.msk $0xffff, v4  }
0x2a9: {  	[tilespmem:s16+$0x0] =	vst.add.f32.msk $0xffff, v3  }
0x2aa: {  	[tilespmem:s14+$0x0] =	vst.add.f32.msk $0xffff, v4  }
0x2ab: {  	[tilespmem:s15+$0x0] =	vst.add.f32.msk $0xffff, v4  }
0x2ac: {  	[tilespmem:s13+$0x0] =	vst.add.f32.msk $0xffff, v4  }
0x2ad: {  	s0 =	rddreg [dreg:$0x11]  }
0x2ae: {  	s8 =	simm.s32 $0x0;
	s4 =	simm.s32 $0xE400;
	s16 =	sld [smem:$0x7F2]  }
0x2af: {  	[hbm4b:s0+s8] =	stream.linear.scatter [tilespmem:s4], [sflag:$0x8], $0x2000, $0x38;
	[tilespmem:$0x1E400] =	vst v63  }
0x2b0: {  	s9 =	simm.s32 $0x10400;
	s17 =	sld [smem:$0x7F3]  }
0x2b1: {  	[hbm4b:s16+s8] =	stream.linear.scatter [tilespmem:s9], [sflag:$0x8], $0x2000, $0x38;
	[tilespmem:$0x1E400] =	vst v63  }
0x2b2: {  	s18 =	simm.s32 $0x12400;
	s21 =	sld [smem:$0x7F4]  }
0x2b3: {  	[hbm4b:s17+s8] =	stream.linear.scatter [tilespmem:s18], [sflag:$0x8], $0x2000, $0x38;
	[tilespmem:$0x1E400] =	vst v63  }
0x2b4: {  	s11 =	simm.s32 $0x14400  }
0x2b5: {  	[hbm4b:s21+s8] =	stream.linear.scatter [tilespmem:s11], [sflag:$0x8], $0x2000, $0x38;
	[tilespmem:$0x1E400] =	vst v63  }
0x2b6: {  	_ =	swait.ge [sflag:s24], $0x2000  }
0x2b7: {  	[sflag:s24] =	ssyncset.done $0x0  }
0x2b8: {  	[sflag:s24] =	ssyncadd.s32 $0xFFFFE000  }
0x2b9: {  	_ =	swait.ge [sflag:s24], $0x2000  }
0x2ba: {  	[sflag:s24] =	ssyncset.done $0x0  }
0x2bb: {  	[sflag:s24] =	ssyncadd.s32 $0xFFFFE000  }
0x2bc: {  	_ =	swait.ge [sflag:s24], $0x2000  }
0x2bd: {  	[sflag:s24] =	ssyncset.done $0x0  }
0x2be: {  	[sflag:s24] =	ssyncadd.s32 $0xFFFFE000  }
0x2bf: {  	_ =	swait.ge [sflag:s24], $0x2000  }
0x2c0: {  	[sflag:s24] =	ssyncset.done $0x0  }
0x2c1: {  	[sflag:s24] =	ssyncadd.s32 $0xFFFFE000  }
0x2c2: {  	v3 =	vld [tilespmem:$0x380];
	_ =	sdelay $0x4  }
0x2c3: {  	v4 =	vshll.u32 v3, $0x3  }
0x2c4: {  	v3 =	vand.u32 $0x7, v3;
	v4 =	vand.u32 $0xFFFFFFC0, v4  }
0x2c5: {  	v3 =	vor.u32 v3, v4  }
0x2c6: {  	v4 =	vperm.xlane v3, v0;
	_ =	sdelay $0x1  }
0x2c7: {  	v4 =	vadd.s32 v1, v4;
	_ =	sdelay $0x4  }
0x2c8: {  	[tilespmem:s4], [sflag:$0x5] =	stream.indirect_vreg.gather [hbm4b:s2+s8], $0x80, v4, vm0, $0xb8;
	[tilespmem:$0x1E400] =	vst v63  }
0x2c9: {  	s25 =	simm.s32 $0xEC00;
	v3 =	vperm.xlane v3, v2  }
0x2ca: {  	[tilespmem:s25], [sflag:$0x5] =	stream.indirect_vreg.gather [hbm4b:s5+s8], $0x80, v4, vm0, $0xb8;
	[tilespmem:$0x1E400] =	vst v63  }
0x2cb: {  	s26 =	simm.s32 $0xF400;
	v3 =	vadd.s32 v1, v3  }
0x2cc: {  	[tilespmem:s26], [sflag:$0x5] =	stream.indirect_vreg.gather [hbm4b:s6+s8], $0x80, v4, vm0, $0xb8;
	[tilespmem:$0x1E400] =	vst v63  }
0x2cd: {  	s28 =	simm.s32 $0xFC00  }
0x2ce: {  	[tilespmem:s28], [sflag:$0x5] =	stream.indirect_vreg.gather [hbm4b:s7+s8], $0x80, v4, vm0, $0xb8;
	[tilespmem:$0x1E400] =	vst v63  }
0x2cf: {  	_ = 	snop  }
0x2d0: {  	[tilespmem:s9], [sflag:$0x5] =	stream.indirect_vreg.gather [hbm4b:s2+s8], $0x80, v3, vm0, $0xb8;
	[tilespmem:$0x1E400] =	vst v63  }
0x2d1: {  	s29 =	simm.s32 $0x10C00  }
0x2d2: {  	[tilespmem:s29], [sflag:$0x5] =	stream.indirect_vreg.gather [hbm4b:s5+s8], $0x80, v3, vm0, $0xb8;
	[tilespmem:$0x1E400] =	vst v63  }
0x2d3: {  	s30 =	simm.s32 $0x11400  }
0x2d4: {  	[tilespmem:s30], [sflag:$0x5] =	stream.indirect_vreg.gather [hbm4b:s6+s8], $0x80, v3, vm0, $0xb8;
	[tilespmem:$0x1E400] =	vst v63  }
0x2d5: {  	s4 =	simm.s32 $0x11C00  }
0x2d6: {  	[tilespmem:s4], [sflag:$0x5] =	stream.indirect_vreg.gather [hbm4b:s7+s8], $0x80, v3, vm0, $0xb8;
	[tilespmem:$0x1E400] =	vst v63  }
0x2d7: {  	v3 =	vld [tilespmem:$0x390];
	_ =	sdelay $0x4  }
0x2d8: {  	v4 =	vshll.u32 v3, $0x3  }
0x2d9: {  	v3 =	vand.u32 $0x7, v3;
	v4 =	vand.u32 $0xFFFFFFC0, v4  }
0x2da: {  	v3 =	vor.u32 v3, v4  }
0x2db: {  	v4 =	vperm.xlane v3, v0;
	_ =	sdelay $0x1  }
0x2dc: {  	v4 =	vadd.s32 v1, v4;
	_ =	sdelay $0x4  }
0x2dd: {  	[tilespmem:s18], [sflag:$0x5] =	stream.indirect_vreg.gather [hbm4b:s2+s8], $0x80, v4, vm0, $0xb8;
	[tilespmem:$0x1E400] =	vst v63  }
0x2de: {  	s9 =	simm.s32 $0x12C00;
	v3 =	vperm.xlane v3, v2  }
0x2df: {  	[tilespmem:s9], [sflag:$0x5] =	stream.indirect_vreg.gather [hbm4b:s5+s8], $0x80, v4, vm0, $0xb8;
	[tilespmem:$0x1E400] =	vst v63  }
0x2e0: {  	s10 =	simm.s32 $0x13400;
	v3 =	vadd.s32 v1, v3  }
0x2e1: {  	[tilespmem:s10], [sflag:$0x5] =	stream.indirect_vreg.gather [hbm4b:s6+s8], $0x80, v4, vm0, $0xb8;
	[tilespmem:$0x1E400] =	vst v63  }
0x2e2: {  	s12 =	simm.s32 $0x13C00  }
0x2e3: {  	[tilespmem:s12], [sflag:$0x5] =	stream.indirect_vreg.gather [hbm4b:s7+s8], $0x80, v4, vm0, $0xb8;
	[tilespmem:$0x1E400] =	vst v63  }
0x2e4: {  	_ = 	snop  }
0x2e5: {  	[tilespmem:s11], [sflag:$0x5] =	stream.indirect_vreg.gather [hbm4b:s2+s8], $0x80, v3, vm0, $0xb8;
	[tilespmem:$0x1E400] =	vst v63  }
0x2e6: {  	s13 =	simm.s32 $0x14C00  }
0x2e7: {  	[tilespmem:s13], [sflag:$0x5] =	stream.indirect_vreg.gather [hbm4b:s5+s8], $0x80, v3, vm0, $0xb8;
	[tilespmem:$0x1E400] =	vst v63  }
0x2e8: {  	s14 =	simm.s32 $0x15400  }
0x2e9: {  	[tilespmem:s14], [sflag:$0x5] =	stream.indirect_vreg.gather [hbm4b:s6+s8], $0x80, v3, vm0, $0xb8;
	[tilespmem:$0x1E400] =	vst v63  }
0x2ea: {  	s15 =	simm.s32 $0x15C00  }
0x2eb: {  	[tilespmem:s15], [sflag:$0x5] =	stream.indirect_vreg.gather [hbm4b:s7+s8], $0x80, v3, vm0, $0xb8;
	[tilespmem:$0x1E400] =	vst v63  }
0x2ec: {  	s17 =	simm.s32 $0x2400;
	s16 =	rddreg [dreg:$0x12];
	s18 =	simm.s32 $0x6  }
0x2ed: {  	[tilespmem:s17], [sflag:$0x2] =	stream.linear.gather [hbm4b:s16+s8], $0x2000, $0x38;
	[tilespmem:$0x1E400] =	vst v63  }
0x2ee: {  	_ =	swait.ge [sflag:s18], $0x8000  }
0x2ef: {  	s21 =	simm.s32 $0x0;
	[sflag:s18] =	ssyncset.done $0x0  }
0x2f0: {  	s25 =	sand.u32 $0x40, s8;
	s12 =	simm.s32 $0x3;
	[sflag:s18] =	ssyncadd.s32 $0xFFFF8000  }
0x2f1: {  	s30 =	sand.u32 $0x1C00, s8;
	s11 =	sand.u32 $0xFFFFFF80, s21;
	_ =	swait.ge [sflag:s12], $0x2000  }
0x2f2: {  	s10 =	sadd.s32 s30, s11;
	s13 =	sor.u32 $0x30, s25;
	[sflag:s12] =	ssyncset.done $0x0  }
0x2f3: {  	s14 =	sor.u32 s13, s10;
	[sflag:s12] =	ssyncadd.s32 $0xFFFFE000  }
0x2f4: {  	s16 =	sor.u32 s25, s10;
	v3 =	vld [tilespmem:s14+$0x4400]  }
0x2f5: {  	v4 =	vld [tilespmem:s16+$0x4400];
	_ =	sdelay $0x1  }
0x2f6: {  	s0 =	sand.u32 $0x3FFFFF80, s21  }
0x2f7: {  	s0 =	sadd.s32 s30, s0  }
0x2f8: {  	s9 =	sadd.s32 $0x18400, s0;
	[tilespmem:s14+$0x16400] =	vst.add.f32.msk $0xffff, v3  }
0x2f9: {  	s15 =	sadd.s32 $0x1A400, s0;
	s17 =	sor.u32 s13, s9;
	[tilespmem:s16+$0x16400] =	vst.add.f32.msk $0xffff, v4  }
0x2fa: {  	s0 =	sadd.s32 $0x1C400, s0;
	s18 =	sor.u32 s13, s15;
	[tilespmem:s17+$0x0] =	vst.add.f32.msk $0xffff, v3  }
0x2fb: {  	s21 =	sor.u32 $0x10, s25;
	s11 =	sor.u32 s13, s0;
	[tilespmem:s18+$0x0] =	vst.add.f32.msk $0xffff, v3  }
0x2fc: {  	s26 =	sor.u32 s21, s10;
	[tilespmem:s11+$0x0] =	vst.add.f32.msk $0xffff, v3  }
0x2fd: {  	s28 =	sor.u32 s25, s9;
	v3 =	vld [tilespmem:s26+$0x4400]  }
0x2fe: {  	s29 =	sor.u32 s25, s15;
	[tilespmem:s28+$0x0] =	vst.add.f32.msk $0xffff, v4  }
0x2ff: {  	s4 =	sor.u32 $0x20, s25;
	s30 =	sor.u32 s25, s0;
	[tilespmem:s29+$0x0] =	vst.add.f32.msk $0xffff, v4  }
0x300: {  	s10 =	sor.u32 s4, s10;
	[tilespmem:s30+$0x0] =	vst.add.f32.msk $0xffff, v4  }
0x301: {  	s25 =	sor.u32 s21, s15;
	s15 =	sor.u32 s4, s15;
	v4 =	vld [tilespmem:s10+$0x4400]  }
0x302: {  	s13 =	sor.u32 s4, s0;
	s16 =	sor.u32 s21, s0;
	s17 =	sor.u32 s21, s9;
	[tilespmem:s26+$0x16400] =	vst.add.f32.msk $0xffff, v3  }
0x303: {  	s14 =	sor.u32 s4, s9;
	s9 =	simm.s32 $0x0;
	s11 =	simm.s32 $0x0;
	[tilespmem:s17+$0x0] =	vst.add.f32.msk $0xffff, v3  }
.LBB2_12:
0x304: {  	s9 =	sadd.s32 $0x4, s9;
	[tilespmem:s25+$0x0] =	vst.add.f32.msk $0xffff, v3  }
0x305: {  	s8 =	sadd.s32 $0x40, s8;
	s11 =	sadd.s32 $0x200, s11;
	s0 =	sshll.u32 s9, $0x1;
	[tilespmem:s16+$0x0] =	vst.add.f32.msk $0xffff, v3  }
0x306: {  	s4 =	sand.u32 $0x40, s8;
	s12 =	sand.u32 $0x1C00, s11;
	s16 =	sand.u32 $0xFFFFFF80, s0;
	[tilespmem:s10+$0x16400] =	vst.add.f32.msk $0xffff, v4  }
0x307: {  	s17 =	sor.u32 $0x30, s4;
	s10 =	sadd.s32 s12, s16;
	s16 =	sor.u32 $0x10, s4;
	[tilespmem:s14+$0x0] =	vst.add.f32.msk $0xffff, v4  }
0x308: {  	s21 =	sor.u32 $0x20, s4;
	s18 =	sor.u32 s4, s10;
	s14 =	sor.u32 s17, s10;
	[tilespmem:s15+$0x0] =	vst.add.f32.msk $0xffff, v4  }
0x309: {  	p0 =	slt.u32 s9, $0x1FC;
	s26 =	sor.u32 s16, s10;
	s10 =	sor.u32 s21, s10;
	v5 =	vld [tilespmem:s14+$0x4400]  }
0x30a: {  	v6 =	vld [tilespmem:s18+$0x4400]  }
0x30b: {  	s0 =	sand.u32 $0x3FFFFF80, s0;
	v3 =	vld [tilespmem:s26+$0x4400]  }
0x30c: {  	s0 =	sadd.s32 s12, s0;
	v7 =	vld [tilespmem:s10+$0x4400]  }
0x30d: {  	s12 =	sadd.s32 $0x18400, s0;
	[tilespmem:s13+$0x0] =	vst.add.f32.msk $0xffff, v4  }
0x30e: {  	s28 =	sor.u32 s4, s12;
	s13 =	sadd.s32 $0x1A400, s0;
	[tilespmem:s14+$0x16400] =	vst.add.f32.msk $0xffff, v5;
	s14 =	sor.u32 s17, s12  }
0x30f: {  	s0 =	sadd.s32 $0x1C400, s0;
	s29 =	sor.u32 s4, s13;
	[tilespmem:s14+$0x0] =	vst.add.f32.msk $0xffff, v5;
	s14 =	sor.u32 s17, s13  }
0x310: {  	s30 =	sor.u32 s16, s12;
	s4 =	sor.u32 s4, s0;
	s15 =	sor.u32 s17, s0;
	[tilespmem:s14+$0x0] =	vst.add.f32.msk $0xffff, v5  }
0x311: {  	s25 =	sor.u32 s16, s13;
	s16 =	sor.u32 s16, s0;
	s14 =	sor.u32 s21, s12;
	[tilespmem:s15+$0x0] =	vst.add.f32.msk $0xffff, v5;
	v4 =	vmov v7  }
0x312: {  	s15 =	sor.u32 s21, s13;
	s13 =	sor.u32 s21, s0;
	[tilespmem:s18+$0x16400] =	vst.add.f32.msk $0xffff, v6  }
.Ltmp5:
0x313: {  	[tilespmem:s28+$0x0] =	vst.add.f32.msk $0xffff, v6;
	(pc) =	sbr.rel @p0 .LBB2_12-.Ltmp5, $4  }
0x314: {  	[tilespmem:s29+$0x0] =	vst.add.f32.msk $0xffff, v6  }
0x315: {  	[tilespmem:s4+$0x0] =	vst.add.f32.msk $0xffff, v6  }
0x316: {  	[tilespmem:s26+$0x16400] =	vst.add.f32.msk $0xffff, v3  }
0x317: {  	[tilespmem:s30+$0x0] =	vst.add.f32.msk $0xffff, v3  }
0x318: {  	[tilespmem:s25+$0x0] =	vst.add.f32.msk $0xffff, v3  }
0x319: {  	[tilespmem:s10+$0x16400] =	vst.add.f32.msk $0xffff, v4  }
0x31a: {  	[tilespmem:s16+$0x0] =	vst.add.f32.msk $0xffff, v3  }
0x31b: {  	[tilespmem:s14+$0x0] =	vst.add.f32.msk $0xffff, v4  }
0x31c: {  	[tilespmem:s15+$0x0] =	vst.add.f32.msk $0xffff, v4  }
0x31d: {  	[tilespmem:s13+$0x0] =	vst.add.f32.msk $0xffff, v4  }
0x31e: {  	s0 =	rddreg [dreg:$0x13]  }
0x31f: {  	s8 =	simm.s32 $0x0;
	s4 =	simm.s32 $0x16400;
	s14 =	sld [smem:$0x7F5]  }
0x320: {  	[hbm4b:s0+s8] =	stream.linear.scatter [tilespmem:s4], [sflag:$0x9], $0x2000, $0x38;
	[tilespmem:$0x1E400] =	vst v63  }
0x321: {  	s15 =	simm.s32 $0x18400;
	s16 =	sld [smem:$0x7F6]  }
0x322: {  	[hbm4b:s14+s8] =	stream.linear.scatter [tilespmem:s15], [sflag:$0x9], $0x2000, $0x38;
	[tilespmem:$0x1E400] =	vst v63  }
0x323: {  	s17 =	simm.s32 $0x1A400;
	s18 =	sld [smem:$0x7F7]  }
0x324: {  	[hbm4b:s16+s8] =	stream.linear.scatter [tilespmem:s17], [sflag:$0x9], $0x2000, $0x38;
	[tilespmem:$0x1E400] =	vst v63  }
0x325: {  	s21 =	simm.s32 $0x1C400;
	s25 =	simm.s32 $0x4  }
0x326: {  	[hbm4b:s18+s8] =	stream.linear.scatter [tilespmem:s21], [sflag:$0x9], $0x2000, $0x38;
	[tilespmem:$0x1E400] =	vst v63  }
0x327: {  	_ =	swait.ge [sflag:s25], $0x8000  }
0x328: {  	s12 =	simm.s32 $0x1;
	[sflag:s25] =	ssyncset.done $0x0  }
0x329: {  	s26 =	simm.s32 $0x0;
	s28 =	sand.u32 $0x1C00, s8;
	[sflag:s25] =	ssyncadd.s32 $0xFFFF8000  }
0x32a: {  	s9 =	sand.u32 $0xFFFFFF80, s26;
	s4 =	sand.u32 $0x40, s8;
	_ =	swait.ge [sflag:s12], $0x2000  }
0x32b: {  	s9 =	sadd.s32 s28, s9;
	s11 =	sor.u32 $0x30, s4;
	[sflag:s12] =	ssyncset.done $0x0  }
0x32c: {  	s29 =	sor.u32 s11, s9;
	[sflag:s12] =	ssyncadd.s32 $0xFFFFE000  }
0x32d: {  	s13 =	sor.u32 $0x10, s4;
	s30 =	sor.u32 s4, s9;
	v5 =	vld [tilespmem:s29+$0x400]  }
0x32e: {  	s15 =	sor.u32 s13, s9;
	v6 =	vld [tilespmem:s30+$0x400]  }
0x32f: {  	s17 =	sor.u32 $0x20, s4;
	v4 =	vld [tilespmem:s15+$0x400]  }
0x330: {  	s9 =	sor.u32 s17, s9  }
0x331: {  	s0 =	sand.u32 $0x3FFFFF80, s26;
	v3 =	vld [tilespmem:s9+$0x400]  }
0x332: {  	s0 =	sadd.s32 s28, s0;
	[tilespmem:s29+$0x6400] =	vst.add.f32.msk $0xffff, v5  }
0x333: {  	s18 =	sadd.s32 $0x8400, s0;
	[tilespmem:s30+$0x6400] =	vst.add.f32.msk $0xffff, v6  }
0x334: {  	s16 =	sor.u32 s11, s18;
	[tilespmem:s15+$0x6400] =	vst.add.f32.msk $0xffff, v4  }
0x335: {  	s28 =	sor.u32 s4, s18;
	[tilespmem:s16+$0x0] =	vst.add.f32.msk $0xffff, v5  }
0x336: {  	s21 =	sadd.s32 $0xA400, s0;
	s30 =	sor.u32 s13, s18;
	[tilespmem:s28+$0x0] =	vst.add.f32.msk $0xffff, v6  }
0x337: {  	s25 =	sor.u32 s11, s21;
	[tilespmem:s30+$0x0] =	vst.add.f32.msk $0xffff, v4  }
0x338: {  	s0 =	sadd.s32 $0xC400, s0;
	s29 =	sor.u32 s4, s21;
	[tilespmem:s25+$0x0] =	vst.add.f32.msk $0xffff, v5  }
0x339: {  	s10 =	simm.s32 $0x0;
	s26 =	sor.u32 s11, s0;
	s14 =	sor.u32 s17, s18;
	[tilespmem:s29+$0x0] =	vst.add.f32.msk $0xffff, v6  }
0x33a: {  	s11 =	simm.s32 $0x0;
	s4 =	sor.u32 s4, s0;
	s15 =	sor.u32 s17, s21;
	[tilespmem:s26+$0x0] =	vst.add.f32.msk $0xffff, v5  }
0x33b: {  	s16 =	sor.u32 s13, s0;
	s25 =	sor.u32 s13, s21;
	s13 =	sor.u32 s17, s0;
	[tilespmem:s4+$0x0] =	vst.add.f32.msk $0xffff, v6  }
.LBB2_14:
0x33c: {  	s10 =	sadd.s32 $0x4, s10;
	[tilespmem:s25+$0x0] =	vst.add.f32.msk $0xffff, v4  }
0x33d: {  	s8 =	sadd.s32 $0x40, s8;
	s11 =	sadd.s32 $0x200, s11;
	s0 =	sshll.u32 s10, $0x1;
	[tilespmem:s16+$0x0] =	vst.add.f32.msk $0xffff, v4  }
0x33e: {  	s4 =	sand.u32 $0x40, s8;
	s12 =	sand.u32 $0x1C00, s11;
	s16 =	sand.u32 $0xFFFFFF80, s0;
	[tilespmem:s9+$0x6400] =	vst.add.f32.msk $0xffff, v3  }
0x33f: {  	s17 =	sor.u32 $0x30, s4;
	s9 =	sadd.s32 s12, s16;
	s16 =	sor.u32 $0x10, s4;
	[tilespmem:s14+$0x0] =	vst.add.f32.msk $0xffff, v3  }
0x340: {  	s21 =	sor.u32 $0x20, s4;
	s18 =	sor.u32 s4, s9;
	s14 =	sor.u32 s17, s9;
	[tilespmem:s15+$0x0] =	vst.add.f32.msk $0xffff, v3  }
0x341: {  	p0 =	slt.u32 s10, $0x1FC;
	s26 =	sor.u32 s16, s9;
	s9 =	sor.u32 s21, s9;
	v5 =	vld [tilespmem:s14+$0x400]  }
0x342: {  	v6 =	vld [tilespmem:s18+$0x400]  }
0x343: {  	s0 =	sand.u32 $0x3FFFFF80, s0;
	v4 =	vld [tilespmem:s26+$0x400]  }
0x344: {  	s0 =	sadd.s32 s12, s0;
	v7 =	vld [tilespmem:s9+$0x400]  }
0x345: {  	s12 =	sadd.s32 $0x8400, s0;
	[tilespmem:s13+$0x0] =	vst.add.f32.msk $0xffff, v3  }
0x346: {  	s28 =	sor.u32 s4, s12;
	s13 =	sadd.s32 $0xA400, s0;
	[tilespmem:s14+$0x6400] =	vst.add.f32.msk $0xffff, v5;
	s14 =	sor.u32 s17, s12  }
0x347: {  	s0 =	sadd.s32 $0xC400, s0;
	s29 =	sor.u32 s4, s13;
	[tilespmem:s14+$0x0] =	vst.add.f32.msk $0xffff, v5;
	s14 =	sor.u32 s17, s13  }
0x348: {  	s30 =	sor.u32 s16, s12;
	s4 =	sor.u32 s4, s0;
	s15 =	sor.u32 s17, s0;
	[tilespmem:s14+$0x0] =	vst.add.f32.msk $0xffff, v5  }
0x349: {  	s25 =	sor.u32 s16, s13;
	s16 =	sor.u32 s16, s0;
	s14 =	sor.u32 s21, s12;
	[tilespmem:s15+$0x0] =	vst.add.f32.msk $0xffff, v5;
	v3 =	vmov v7  }
0x34a: {  	s15 =	sor.u32 s21, s13;
	s13 =	sor.u32 s21, s0;
	[tilespmem:s18+$0x6400] =	vst.add.f32.msk $0xffff, v6  }
.Ltmp6:
0x34b: {  	[tilespmem:s28+$0x0] =	vst.add.f32.msk $0xffff, v6;
	(pc) =	sbr.rel @p0 .LBB2_14-.Ltmp6, $4  }
0x34c: {  	[tilespmem:s29+$0x0] =	vst.add.f32.msk $0xffff, v6  }
0x34d: {  	[tilespmem:s4+$0x0] =	vst.add.f32.msk $0xffff, v6  }
0x34e: {  	[tilespmem:s26+$0x6400] =	vst.add.f32.msk $0xffff, v4  }
0x34f: {  	[tilespmem:s30+$0x0] =	vst.add.f32.msk $0xffff, v4  }
0x350: {  	[tilespmem:s25+$0x0] =	vst.add.f32.msk $0xffff, v4  }
0x351: {  	[tilespmem:s9+$0x6400] =	vst.add.f32.msk $0xffff, v3  }
0x352: {  	[tilespmem:s16+$0x0] =	vst.add.f32.msk $0xffff, v4  }
0x353: {  	[tilespmem:s14+$0x0] =	vst.add.f32.msk $0xffff, v3  }
0x354: {  	[tilespmem:s15+$0x0] =	vst.add.f32.msk $0xffff, v3  }
0x355: {  	[tilespmem:s13+$0x0] =	vst.add.f32.msk $0xffff, v3  }
0x356: {  	s0 =	rddreg [dreg:$0x14]  }
0x357: {  	s8 =	simm.s32 $0x0;
	s4 =	simm.s32 $0x6400;
	s17 =	sld [smem:$0x7F8]  }
0x358: {  	[hbm4b:s0+s8] =	stream.linear.scatter [tilespmem:s4], [sflag:$0x7], $0x2000, $0x38;
	[tilespmem:$0x1E400] =	vst v63  }
0x359: {  	s18 =	sld [smem:$0x7F9]  }
0x35a: {  	[hbm4b:s17+s8] =	stream.linear.scatter [tilespmem:s22], [sflag:$0x7], $0x2000, $0x38;
	[tilespmem:$0x1E400] =	vst v63  }
0x35b: {  	s21 =	sld [smem:$0x7FA]  }
0x35c: {  	[hbm4b:s18+s8] =	stream.linear.scatter [tilespmem:s23], [sflag:$0x7], $0x2000, $0x38;
	[tilespmem:$0x1E400] =	vst v63  }
0x35d: {  	s25 =	simm.s32 $0x5  }
0x35e: {  	[hbm4b:s21+s8] =	stream.linear.scatter [tilespmem:s19], [sflag:$0x7], $0x2000, $0x38;
	[tilespmem:$0x1E400] =	vst v63  }
0x35f: {  	_ =	swait.ge [sflag:s25], $0x8000  }
0x360: {  	s12 =	simm.s32 $0x2;
	[sflag:s25] =	ssyncset.done $0x0  }
0x361: {  	s26 =	simm.s32 $0x0;
	s10 =	sand.u32 $0x1C00, s8;
	[sflag:s25] =	ssyncadd.s32 $0xFFFF8000  }
0x362: {  	s28 =	sand.u32 $0xFFFFFF80, s26;
	s4 =	sand.u32 $0x40, s8;
	_ =	swait.ge [sflag:s12], $0x2000  }
0x363: {  	s9 =	sadd.s32 s10, s28;
	s11 =	sor.u32 $0x30, s4;
	[sflag:s12] =	ssyncset.done $0x0  }
0x364: {  	s29 =	sor.u32 s11, s9;
	[sflag:s12] =	ssyncadd.s32 $0xFFFFE000  }
0x365: {  	s13 =	sor.u32 $0x10, s4;
	s30 =	sor.u32 s4, s9;
	v5 =	vld [tilespmem:s29+$0x2400]  }
0x366: {  	s15 =	sor.u32 s13, s9;
	v6 =	vld [tilespmem:s30+$0x2400]  }
0x367: {  	s17 =	sor.u32 $0x20, s4;
	v4 =	vld [tilespmem:s15+$0x2400]  }
0x368: {  	s9 =	sor.u32 s17, s9  }
0x369: {  	s0 =	sand.u32 $0x3FFFFF80, s26;
	v3 =	vld [tilespmem:s9+$0x2400]  }
0x36a: {  	s0 =	sadd.s32 s10, s0;
	[tilespmem:s29+$0xE400] =	vst.add.f32.msk $0xffff, v5  }
0x36b: {  	s18 =	sadd.s32 $0x10400, s0;
	[tilespmem:s30+$0xE400] =	vst.add.f32.msk $0xffff, v6  }
0x36c: {  	s16 =	sor.u32 s11, s18;
	[tilespmem:s15+$0xE400] =	vst.add.f32.msk $0xffff, v4  }
0x36d: {  	s28 =	sor.u32 s4, s18;
	[tilespmem:s16+$0x0] =	vst.add.f32.msk $0xffff, v5  }
0x36e: {  	s21 =	sadd.s32 $0x12400, s0;
	s30 =	sor.u32 s13, s18;
	[tilespmem:s28+$0x0] =	vst.add.f32.msk $0xffff, v6  }
0x36f: {  	s25 =	sor.u32 s11, s21;
	[tilespmem:s30+$0x0] =	vst.add.f32.msk $0xffff, v4  }
0x370: {  	s0 =	sadd.s32 $0x14400, s0;
	s29 =	sor.u32 s4, s21;
	[tilespmem:s25+$0x0] =	vst.add.f32.msk $0xffff, v5  }
0x371: {  	s10 =	simm.s32 $0x0;
	s14 =	sor.u32 s17, s18;
	s26 =	sor.u32 s11, s0;
	[tilespmem:s29+$0x0] =	vst.add.f32.msk $0xffff, v6  }
0x372: {  	s11 =	simm.s32 $0x0;
	s4 =	sor.u32 s4, s0;
	s15 =	sor.u32 s17, s21;
	[tilespmem:s26+$0x0] =	vst.add.f32.msk $0xffff, v5  }
0x373: {  	s16 =	sor.u32 s13, s0;
	s25 =	sor.u32 s13, s21;
	s13 =	sor.u32 s17, s0;
	[tilespmem:s4+$0x0] =	vst.add.f32.msk $0xffff, v6  }
.LBB2_16:
0x374: {  	s10 =	sadd.s32 $0x4, s10;
	[tilespmem:s25+$0x0] =	vst.add.f32.msk $0xffff, v4  }
0x375: {  	s8 =	sadd.s32 $0x40, s8;
	s11 =	sadd.s32 $0x200, s11;
	s0 =	sshll.u32 s10, $0x1;
	[tilespmem:s16+$0x0] =	vst.add.f32.msk $0xffff, v4  }
0x376: {  	s4 =	sand.u32 $0x40, s8;
	s12 =	sand.u32 $0x1C00, s11;
	s16 =	sand.u32 $0xFFFFFF80, s0;
	[tilespmem:s9+$0xE400] =	vst.add.f32.msk $0xffff, v3  }
0x377: {  	s17 =	sor.u32 $0x30, s4;
	s9 =	sadd.s32 s12, s16;
	s16 =	sor.u32 $0x10, s4;
	[tilespmem:s14+$0x0] =	vst.add.f32.msk $0xffff, v3  }
0x378: {  	s21 =	sor.u32 $0x20, s4;
	s18 =	sor.u32 s4, s9;
	s14 =	sor.u32 s17, s9;
	[tilespmem:s15+$0x0] =	vst.add.f32.msk $0xffff, v3  }
0x379: {  	p0 =	slt.u32 s10, $0x1FC;
	s26 =	sor.u32 s16, s9;
	s9 =	sor.u32 s21, s9;
	v5 =	vld [tilespmem:s14+$0x2400]  }
0x37a: {  	v6 =	vld [tilespmem:s18+$0x2400]  }
0x37b: {  	s0 =	sand.u32 $0x3FFFFF80, s0;
	v4 =	vld [tilespmem:s26+$0x2400]  }
0x37c: {  	s0 =	sadd.s32 s12, s0;
	v7 =	vld [tilespmem:s9+$0x2400]  }
0x37d: {  	s12 =	sadd.s32 $0x10400, s0;
	[tilespmem:s13+$0x0] =	vst.add.f32.msk $0xffff, v3  }
0x37e: {  	s28 =	sor.u32 s4, s12;
	s13 =	sadd.s32 $0x12400, s0;
	[tilespmem:s14+$0xE400] =	vst.add.f32.msk $0xffff, v5;
	s14 =	sor.u32 s17, s12  }
0x37f: {  	s0 =	sadd.s32 $0x14400, s0;
	s29 =	sor.u32 s4, s13;
	[tilespmem:s14+$0x0] =	vst.add.f32.msk $0xffff, v5;
	s14 =	sor.u32 s17, s13  }
0x380: {  	s30 =	sor.u32 s16, s12;
	s4 =	sor.u32 s4, s0;
	s15 =	sor.u32 s17, s0;
	[tilespmem:s14+$0x0] =	vst.add.f32.msk $0xffff, v5  }
0x381: {  	s25 =	sor.u32 s16, s13;
	s16 =	sor.u32 s16, s0;
	s14 =	sor.u32 s21, s12;
	[tilespmem:s15+$0x0] =	vst.add.f32.msk $0xffff, v5;
	v3 =	vmov v7  }
0x382: {  	s15 =	sor.u32 s21, s13;
	s13 =	sor.u32 s21, s0;
	[tilespmem:s18+$0xE400] =	vst.add.f32.msk $0xffff, v6  }
.Ltmp7:
0x383: {  	[tilespmem:s28+$0x0] =	vst.add.f32.msk $0xffff, v6;
	(pc) =	sbr.rel @p0 .LBB2_16-.Ltmp7, $4  }
0x384: {  	[tilespmem:s29+$0x0] =	vst.add.f32.msk $0xffff, v6  }
0x385: {  	[tilespmem:s4+$0x0] =	vst.add.f32.msk $0xffff, v6  }
0x386: {  	[tilespmem:s26+$0xE400] =	vst.add.f32.msk $0xffff, v4  }
0x387: {  	[tilespmem:s30+$0x0] =	vst.add.f32.msk $0xffff, v4  }
0x388: {  	[tilespmem:s25+$0x0] =	vst.add.f32.msk $0xffff, v4  }
0x389: {  	[tilespmem:s9+$0xE400] =	vst.add.f32.msk $0xffff, v3  }
0x38a: {  	[tilespmem:s16+$0x0] =	vst.add.f32.msk $0xffff, v4  }
0x38b: {  	[tilespmem:s14+$0x0] =	vst.add.f32.msk $0xffff, v3  }
0x38c: {  	[tilespmem:s15+$0x0] =	vst.add.f32.msk $0xffff, v3  }
0x38d: {  	[tilespmem:s13+$0x0] =	vst.add.f32.msk $0xffff, v3  }
0x38e: {  	s0 =	rddreg [dreg:$0x15]  }
0x38f: {  	s8 =	simm.s32 $0xE400;
	s26 =	sld [smem:$0x7FB]  }
0x390: {  	[hbm4b:s0+s3] =	stream.linear.scatter [tilespmem:s8], [sflag:$0x8], $0x2000, $0x38;
	[tilespmem:$0x1E400] =	vst v63  }
0x391: {  	s9 =	simm.s32 $0x10400;
	s28 =	sld [smem:$0x7FC]  }
0x392: {  	[hbm4b:s26+s3] =	stream.linear.scatter [tilespmem:s9], [sflag:$0x8], $0x2000, $0x38;
	[tilespmem:$0x1E400] =	vst v63  }
0x393: {  	s10 =	simm.s32 $0x12400;
	s29 =	sld [smem:$0x7FD]  }
0x394: {  	[hbm4b:s28+s3] =	stream.linear.scatter [tilespmem:s10], [sflag:$0x8], $0x2000, $0x38;
	[tilespmem:$0x1E400] =	vst v63  }
0x395: {  	s11 =	simm.s32 $0x14400  }
0x396: {  	[hbm4b:s29+s3] =	stream.linear.scatter [tilespmem:s11], [sflag:$0x8], $0x2000, $0x38;
	[tilespmem:$0x1E400] =	vst v63  }
0x397: {  	_ =	swait.ge [sflag:s20], $0x2000  }
0x398: {  	[sflag:s20] =	ssyncset.done $0x0  }
0x399: {  	[sflag:s20] =	ssyncadd.s32 $0xFFFFE000  }
0x39a: {  	_ =	swait.ge [sflag:s20], $0x2000  }
0x39b: {  	[sflag:s20] =	ssyncset.done $0x0  }
0x39c: {  	[sflag:s20] =	ssyncadd.s32 $0xFFFFE000  }
0x39d: {  	_ =	swait.ge [sflag:s20], $0x2000  }
0x39e: {  	[sflag:s20] =	ssyncset.done $0x0  }
0x39f: {  	[sflag:s20] =	ssyncadd.s32 $0xFFFFE000  }
0x3a0: {  	_ =	swait.ge [sflag:s20], $0x2000  }
0x3a1: {  	[sflag:s20] =	ssyncset.done $0x0  }
0x3a2: {  	[sflag:s20] =	ssyncadd.s32 $0xFFFFE000  }
0x3a3: {  	_ =	swait.ge [sflag:s24], $0x2000  }
0x3a4: {  	[sflag:s24] =	ssyncset.done $0x0  }
0x3a5: {  	[sflag:s24] =	ssyncadd.s32 $0xFFFFE000  }
0x3a6: {  	_ =	swait.ge [sflag:s24], $0x2000  }
0x3a7: {  	[sflag:s24] =	ssyncset.done $0x0  }
0x3a8: {  	[sflag:s24] =	ssyncadd.s32 $0xFFFFE000  }
0x3a9: {  	_ =	swait.ge [sflag:s24], $0x2000  }
0x3aa: {  	[sflag:s24] =	ssyncset.done $0x0  }
0x3ab: {  	[sflag:s24] =	ssyncadd.s32 $0xFFFFE000  }
0x3ac: {  	_ =	swait.ge [sflag:s24], $0x2000  }
0x3ad: {  	[sflag:s24] =	ssyncset.done $0x0  }
0x3ae: {  	[sflag:s24] =	ssyncadd.s32 $0xFFFFE000  }
0x3af: {  	_ =	swait.ge [sflag:s31], $0x2000  }
0x3b0: {  	[sflag:s31] =	ssyncset.done $0x0  }
0x3b1: {  	[sflag:s31] =	ssyncadd.s32 $0xFFFFE000  }
0x3b2: {  	_ =	swait.ge [sflag:s31], $0x2000  }
0x3b3: {  	[sflag:s31] =	ssyncset.done $0x0  }
0x3b4: {  	[sflag:s31] =	ssyncadd.s32 $0xFFFFE000  }
0x3b5: {  	_ =	swait.ge [sflag:s31], $0x2000  }
0x3b6: {  	[sflag:s31] =	ssyncset.done $0x0  }
0x3b7: {  	[sflag:s31] =	ssyncadd.s32 $0xFFFFE000  }
0x3b8: {  	_ =	swait.ge [sflag:s31], $0x2000  }
0x3b9: {  	s1 =	sadd.s32 $0x1, s1;
	s30 =	rddreg [dreg:$0x17]  }
0x3ba: {  	p0 =	sne.s32 s1, s30  }
.Ltmp8:
0x3bb: {  	_ = 	snop;
	(pc) =	sbr.rel @p0 .LBB2_1-.Ltmp8, $3  }
0x3bc: {  	_ =	sdelay $0x1  }
0x3bd: {  	[sflag:s31] =	ssyncset.done $0x0  }
0x3be: {  	[sflag:s31] =	ssyncadd.s32 $0xFFFFE000  }
0x3bf: {  	_ =	sfence.sel $0x180000  }
0x3c0: {  	[bflag:$0x0] =	sbarrier.arrive $0xFFFF  }
0x3c1: {  	_ =	strace $0x90000047  }
0x3c2: {  	s0 =	stileid.u32;
	[bflag:$0x2] =	sbarrier.arrive $0xFFFF  }
0x3c3: {  	p0 =	sne.s32 s0, $0x0;
	s0 =	rddreg [dreg:$0x4]  }
0x3c4: {  	s0 =	sadd.s32 @!p0 $0x100000, s0  }
0x3c5: {  	[sflag:s0] =	ssyncadd.tile.s32 @!p0 $0x1;
	_ =	shalt  }
.Lfunc_end2:
_tile_overlayer_lowered:
.L_overlay_start_2:
0x3c6: {  	(tag) =	ssettag $0x2  }
0x3c7: {  	s0 =	rddreg [dreg:$0x0];
	s2 =	stileid.u32  }
0x3c8: {  	s1 =	rddreg [dreg:$0x1];
	p0 =	sne.s32 s2, $0x0  }
0x3c9: {  	s3 =	rddreg [dreg:$0x2];
	[bflag:$0x3] =	sbarrier.arrive $0xFFFF;
	s2 =	simm.s32 @!p0 $0x1C0A  }
0x3ca: {  	[timem:s3], [sflag:s2] =	dma.local @!p0 [hbm:s0], s1  }
0x3cb: {  	s0 =	simm.s32 @!p0 $0xA  }
0x3cc: {  	_ =	swait.ge @!p0 [sflag:s0], s1  }
0x3cd: {  	s1 =	ssub.s32 @!p0 $0x0, s1;
	[sflag:s0] =	ssyncset.done @!p0 $0x0  }
0x3ce: {  	[sflag:s0] =	ssyncadd.s32 @!p0 s1  }
0x3cf: {  	[bflag:$0x3] =	sbarrier.arrive $0xFFFF  }
0x3d0: {  	_ =	shalt  }

</sc_bundles>
